<compile_context>
chip_gen: v7x
topology: tpu7x:2x2x1
jax: 0.10.2.dev20260603
libtpu: 0.0.44.dev20260713+nightly
codegen_flags: <defaults>
</compile_context>

<pallas_src>
import functools

import jax
import jax.numpy as jnp
from jax import lax
from jax.experimental import pallas as pl
from jax.experimental.pallas import tpu as pltpu
from jax.experimental.pallas import tpu_sc as plsc

N = 10000
E = 320000
HID = 128
CHUNK = 80
NW = 32
EDGES_PER_W = E // NW
CHUNKS_PER_W = EDGES_PER_W // CHUNK
DEG_LANES = 16
ROWS_A = 640
ROWS_B = N - 15 * ROWS_A

_sc_mesh = functools.partial(
    plsc.VectorSubcoreMesh, core_axis_name="c", subcore_axis_name="s")



def _init_rows(src_hbm_like, acc, s):
    @pl.when(s < 15)
    def _():
        pltpu.sync_copy(src_hbm_like.at[pl.ds(s * ROWS_A, ROWS_A)],
                        acc.at[pl.ds(s * ROWS_A, ROWS_A)])

    @pl.when(s == 15)
    def _():
        pltpu.sync_copy(src_hbm_like.at[pl.ds(15 * ROWS_A, ROWS_B)],
                        acc.at[pl.ds(15 * ROWS_A, ROWS_B)])


def _drain_rows(acc, out_hbm, c, s):
    @pl.when(s < 15)
    def _():
        pltpu.sync_copy(acc.at[pl.ds(s * ROWS_A, ROWS_A)],
                        out_hbm.at[c, pl.ds(s * ROWS_A, ROWS_A)])

    @pl.when(s == 15)
    def _():
        pltpu.sync_copy(acc.at[pl.ds(15 * ROWS_A, ROWS_B)],
                        out_hbm.at[c, pl.ds(15 * ROWS_A, ROWS_B)])


def _deg_kernel(dst_hbm, ones_hbm, ones_c_hbm, out_hbm, dst_slab, ones_v, acc,
                sem):
    c = lax.axis_index("c")
    s = lax.axis_index("s")
    w = c * 16 + s
    _init_rows(ones_hbm, acc, s)
    pltpu.sync_copy(ones_c_hbm, ones_v)
    pltpu.sync_copy(dst_hbm.at[w], dst_slab)
    plsc.subcore_barrier()

    def body(k, carry):
        for b in range(5):
            pltpu.async_copy(ones_v, acc.at[dst_slab.at[5 * k + b]], sem,
                             add=True)
        for b in range(5):
            pltpu.make_async_copy(ones_v, acc.at[dst_slab.at[0]], sem).wait()
        return carry

    lax.fori_loop(0, CHUNKS_PER_W // 5, body, 0)
    plsc.subcore_barrier()
    _drain_rows(acc, out_hbm, c, s)


def _seg_kernel(hs_hbm, src_hbm, dst_hbm, out_hbm, src_v, dst_slab,
                rows_a, rows_b, acc, gsem_a, gsem_b):
    c = lax.axis_index("c")
    s = lax.axis_index("s")
    w = c * 16 + s
    pltpu.sync_copy(src_hbm.at[pl.ds(w * EDGES_PER_W, EDGES_PER_W)], src_v)

    def gather(j, buf, sem):
        return pltpu.async_copy(
            hs_hbm.at[src_v.at[pl.ds(j * CHUNK, CHUNK)]], buf, sem)

    gather(0, rows_a, gsem_a)
    gather(1, rows_b, gsem_b)
    _init_rows(hs_hbm, acc, s)
    pltpu.sync_copy(dst_hbm.at[w], dst_slab)
    plsc.subcore_barrier()

    def drain(buf, sem):
        pltpu.make_async_copy(
            hs_hbm.at[src_v.at[pl.ds(0, CHUNK)]], buf, sem).wait()

    def body(k, carry):
        drain(rows_a, gsem_a)
        pltpu.sync_copy(rows_a, acc.at[dst_slab.at[2 * k]], add=True)
        gather(2 * k + 2, rows_a, gsem_a)
        drain(rows_b, gsem_b)
        pltpu.sync_copy(rows_b, acc.at[dst_slab.at[2 * k + 1]], add=True)
        gather(2 * k + 3, rows_b, gsem_b)
        return carry

    lax.fori_loop(0, (CHUNKS_PER_W - 3) // 2, body, 0)
    drain(rows_a, gsem_a)
    pltpu.sync_copy(rows_a, acc.at[dst_slab.at[CHUNKS_PER_W - 3]], add=True)
    gather(CHUNKS_PER_W - 1, rows_a, gsem_a)
    drain(rows_b, gsem_b)
    pltpu.sync_copy(rows_b, acc.at[dst_slab.at[CHUNKS_PER_W - 2]], add=True)
    drain(rows_a, gsem_a)
    pltpu.sync_copy(rows_a, acc.at[dst_slab.at[CHUNKS_PER_W - 1]], add=True)
    plsc.subcore_barrier()
    _drain_rows(acc, out_hbm, c, s)


def _sc_deg(dst3d, ones, ones_c):
    k = pl.kernel(
        _deg_kernel,
        out_type=jax.ShapeDtypeStruct((2, N, DEG_LANES), jnp.float32),
        mesh=_sc_mesh(),
        scratch_types=[
            pltpu.VMEM((CHUNKS_PER_W, CHUNK), jnp.int32),
            pltpu.VMEM((CHUNK, DEG_LANES), jnp.float32),
            pltpu.VMEM_SHARED((N, DEG_LANES), jnp.float32),
            pltpu.SemaphoreType.DMA,
        ],
    )
    return k(dst3d, ones, ones_c)


def _sc_seg(hs, src1d, dst3d):
    k = pl.kernel(
        _seg_kernel,
        out_type=jax.ShapeDtypeStruct((2, N, HID), jnp.float32),
        mesh=_sc_mesh(),
        scratch_types=[
            pltpu.VMEM((EDGES_PER_W,), jnp.int32),
            pltpu.VMEM((CHUNKS_PER_W, CHUNK), jnp.int32),
            pltpu.VMEM((CHUNK, HID), jnp.float32),
            pltpu.VMEM((CHUNK, HID), jnp.float32),
            pltpu.VMEM_SHARED((N, HID), jnp.float32),
            pltpu.SemaphoreType.DMA,
            pltpu.SemaphoreType.DMA,
        ],
    )
    return k(hs, src1d, dst3d)



BLK = 1000


def _mm1_body(x_ref, e_ref, w_ref, pd_ref, o_ref, d_out_ref):
    d = lax.rsqrt(pd_ref[0, :, 0:1] + pd_ref[1, :, 0:1] - 1.0)
    h = jnp.concatenate([x_ref[...], e_ref[...]], axis=1)
    o_ref[...] = lax.dot_general(
        h, w_ref[...], (((1,), (0,)), ((), ())),
        preferred_element_type=jnp.float32) * d
    d_out_ref[...] = d


def _tc_mm1(x, emb_blk, W1, pdeg):
    return pl.pallas_call(
        _mm1_body,
        grid=(N // BLK,),
        in_specs=[
            pl.BlockSpec((BLK, 124), lambda i: (i, 0)),
            pl.BlockSpec((BLK, 4), lambda i: (0, 0)),
            pl.BlockSpec((HID, HID), lambda i: (0, 0)),
            pl.BlockSpec((2, BLK, DEG_LANES), lambda i: (0, i, 0)),
        ],
        out_specs=[pl.BlockSpec((BLK, HID), lambda i: (i, 0)),
                   pl.BlockSpec((BLK, 1), lambda i: (i, 0))],
        out_shape=[jax.ShapeDtypeStruct((N, HID), jnp.float32),
                   jax.ShapeDtypeStruct((N, 1), jnp.float32)],
    )(x, emb_blk, W1, pdeg)


def _mid_body(p_ref, hs_ref, d_ref, b_ref, w_ref, o_ref):
    d = d_ref[...]
    t = (p_ref[0] + p_ref[1] - hs_ref[...]) * d + b_ref[...]
    t = jnp.maximum(t, 0.0)
    o_ref[...] = lax.dot_general(
        t, w_ref[...], (((1,), (0,)), ((), ())),
        preferred_element_type=jnp.float32) * d


def _tc_mid(p, hs, dinv, b, Wn):
    return pl.pallas_call(
        _mid_body,
        grid=(N // BLK,),
        in_specs=[
            pl.BlockSpec((2, BLK, HID), lambda i: (0, i, 0)),
            pl.BlockSpec((BLK, HID), lambda i: (i, 0)),
            pl.BlockSpec((BLK, 1), lambda i: (i, 0)),
            pl.BlockSpec((1, HID), lambda i: (0, 0)),
            pl.BlockSpec((HID, HID), lambda i: (0, 0)),
        ],
        out_specs=pl.BlockSpec((BLK, HID), lambda i: (i, 0)),
        out_shape=jax.ShapeDtypeStruct((N, HID), jnp.float32),
    )(p, hs, dinv, b.reshape(1, HID), Wn)


def _fin_body(p_ref, hs_ref, d_ref, b_ref, pool_ref, wl_ref, bl_ref, o_ref):
    t = (p_ref[0] + p_ref[1] - hs_ref[...]) * d_ref[...] + b_ref[...]
    pooled = lax.dot_general(
        pool_ref[...], t, (((1,), (0,)), ((), ())),
        preferred_element_type=jnp.float32)
    o_ref[0] = jnp.tanh(lax.dot_general(
        pooled, wl_ref[...], (((1,), (0,)), ((), ())),
        preferred_element_type=jnp.float32) + bl_ref[...])


def _tc_fin(p, hs, dinv, b, pool_mat, Wlin, blin, n_graphs, act):
    gblk = BLK // 10
    return pl.pallas_call(
        _fin_body,
        grid=(N // BLK,),
        in_specs=[
            pl.BlockSpec((2, BLK, HID), lambda i: (0, i, 0)),
            pl.BlockSpec((BLK, HID), lambda i: (i, 0)),
            pl.BlockSpec((BLK, 1), lambda i: (i, 0)),
            pl.BlockSpec((1, HID), lambda i: (0, 0)),
            pl.BlockSpec((gblk, BLK), lambda i: (0, 0)),
            pl.BlockSpec((HID, act), lambda i: (0, 0)),
            pl.BlockSpec((1, act), lambda i: (0, 0)),
        ],
        out_specs=pl.BlockSpec((1, gblk, act), lambda i: (i, 0, 0)),
        out_shape=jax.ShapeDtypeStruct((n_graphs // gblk, gblk, act),
                                       jnp.float32),
    )(p, hs, dinv, b.reshape(1, HID), pool_mat, Wlin,
      blin.reshape(1, act)).reshape(n_graphs, act)



def kernel(x, edge_index, batch, node_type_table, W1, b1, W2, b2, W3, b3,
           Wlin, blin):
    n_graphs = batch.shape[0] // 10
    act = Wlin.shape[1]

    src1d = edge_index[0]
    dst3d = edge_index[1].reshape(NW, CHUNKS_PER_W, CHUNK)
    ones = jnp.ones((N, DEG_LANES), jnp.float32)
    ones_c = jnp.ones((CHUNK, DEG_LANES), jnp.float32)

    node_types = jnp.array([0, 0, 0, 0, 0, 0, 0, 1, 2, 3], jnp.int32)
    emb_blk = jnp.tile(node_type_table[node_types], (BLK // 10, 1))

    gblk = BLK // 10
    pool_mat = (jnp.repeat(jnp.arange(gblk, dtype=jnp.int32), 10)[None, :]
                == jnp.arange(gblk, dtype=jnp.int32)[:, None]
                ).astype(jnp.float32) * 0.1

    pdeg = _sc_deg(dst3d, ones, ones_c)
    hs1, dinv = _tc_mm1(x, emb_blk, W1, pdeg)
    p1 = _sc_seg(hs1, src1d, dst3d)
    hs2 = _tc_mid(p1, hs1, dinv, b1, W2)
    p2 = _sc_seg(hs2, src1d, dst3d)
    hs3 = _tc_mid(p2, hs2, dinv, b2, W3)
    p3 = _sc_seg(hs3, src1d, dst3d)
    return _tc_fin(p3, hs3, dinv, b3, pool_mat, Wlin, blin, n_graphs, act)

# --- scband reference (transcript-rebuilt; emitter-appended) ---
"""Pipeline reference for scband-gcnpolicy-70403103916691 (READ-ONLY COPY).

The authoritative reference and input builder live on the scoring server;
editing this copy changes nothing except your own understanding.
"""

import jax, jax.numpy as jnp
import numpy as np

N = 10000
E = 320000
G = 1000
OBS = 124
IN_DIM = OBS + 4
HID = 128
ACT = 32


def setup_inputs(seed: int = 0) -> dict:
    key = jax.random.key(seed)
    ks = jax.random.split(key, 12)
    x = jax.random.normal(ks[0], (N, OBS), dtype=jnp.float32)
    edge_index = jax.random.randint(ks[1], (2, E), 0, N, dtype=jnp.int32)
    # module assumes exactly 10 nodes per graph (node_types has length 10)
    batch = jnp.repeat(jnp.arange(G, dtype=jnp.int32), N // G)
    node_type_table = jax.random.normal(ks[2], (4, 4), dtype=jnp.float32) * 0.05
    W1 = jax.random.normal(ks[3], (IN_DIM, HID), dtype=jnp.float32) * (1.0 / np.sqrt(IN_DIM))
    b1 = jnp.zeros((HID,), jnp.float32)
    W2 = jax.random.normal(ks[4], (HID, HID), dtype=jnp.float32) * (1.0 / np.sqrt(HID))
    b2 = jnp.zeros((HID,), jnp.float32)
    W3 = jax.random.normal(ks[5], (HID, HID), dtype=jnp.float32) * (1.0 / np.sqrt(HID))
    b3 = jnp.zeros((HID,), jnp.float32)
    Wlin = jax.random.normal(ks[6], (HID, ACT), dtype=jnp.float32) * (1.0 / np.sqrt(HID))
    blin = jnp.zeros((ACT,), jnp.float32)
    return {"x": x, "edge_index": edge_index, "batch": batch,
            "node_type_table": node_type_table,
            "W1": W1, "b1": b1, "W2": W2, "b2": b2, "W3": W3, "b3": b3,
            "Wlin": Wlin, "blin": blin}


def gcn_conv(h, edge_index, W, b):
    # PyG GCNConv: x' = D^{-1/2} (A + I) D^{-1/2} X W + b
    n = h.shape[0]
    h = h @ W
    src = edge_index[0]
    dst = edge_index[1]
    self_idx = jnp.arange(n, dtype=src.dtype)
    row = jnp.concatenate([src, self_idx])
    col = jnp.concatenate([dst, self_idx])
    ones = jnp.ones(row.shape[0], dtype=h.dtype)
    deg = jax.ops.segment_sum(ones, col, num_segments=n)
    dinv = jnp.where(deg > 0, 1.0 / jnp.sqrt(deg), 0.0)
    norm = dinv[row] * dinv[col]
    msgs = h[row] * norm[:, None]
    out = jax.ops.segment_sum(msgs, col, num_segments=n)
    return out + b


def reference(x, edge_index, batch, node_type_table, W1, b1, W2, b2, W3, b3, Wlin, blin):
    node_types = jnp.array([0, 0, 0, 0, 0, 0, 0, 1, 2, 3], dtype=jnp.int32)
    emb = node_type_table[node_types]  # [10, 4]
    n_graphs = batch.shape[0] // node_types.shape[0]
    emb_rep = jnp.tile(emb, (n_graphs, 1))  # [N, 4]
    h = jnp.concatenate([x, emb_rep], axis=-1)  # [N, 128]
    h = jax.nn.relu(gcn_conv(h, edge_index, W1, b1))
    h = jax.nn.relu(gcn_conv(h, edge_index, W2, b2))
    h = gcn_conv(h, edge_index, W3, b3)
    # global mean pool over graphs
    sums = jax.ops.segment_sum(h, batch, num_segments=n_graphs)
    counts = jax.ops.segment_sum(jnp.ones((h.shape[0],), h.dtype), batch, num_segments=n_graphs)
    pooled = sums / jnp.maximum(counts, 1.0)[:, None]
    out = jnp.tanh(pooled @ Wlin + blin)
    return out

if __name__ == "__main__":
    import jax
    _d = setup_inputs()
    print(jax.jit(kernel)(*tuple(_d.values())))

</pallas_src>

<mosaic_0001>
#map = affine_map<(d0, d1) -> (0, 0)>
#map1 = affine_map<(d0, d1) -> (0)>
#map2 = affine_map<(d0, d1) -> (0, 0, 0)>
module attributes {stable_mosaic.version = 14 : i64} {
  func.func @_seg_kernel(%arg0: i32, %arg1: i32, %arg2: memref<10000x128xf32, #tpu.memory_space<hbm>>, %arg3: memref<320000xi32, #tpu.memory_space<hbm>>, %arg4: memref<32x125x80xi32, #tpu.memory_space<hbm>>, %arg5: memref<2x10000x128xf32, #tpu.memory_space<hbm>>, %arg6: memref<10000xi32, #tpu.memory_space<vmem>>, %arg7: memref<125x80xi32, #tpu.memory_space<vmem>>, %arg8: memref<80x128xf32, #tpu.memory_space<vmem>>, %arg9: memref<80x128xf32, #tpu.memory_space<vmem>>, %arg10: memref<10000x128xf32, #tpu.memory_space<vmem_shared>>, %arg11: memref<!tpu.dma_semaphore, #tpu.memory_space<semaphore_mem>>, %arg12: memref<!tpu.dma_semaphore, #tpu.memory_space<semaphore_mem>>) attributes {dimension_semantics = [#tpu.dimension_semantics<core_parallel>, #tpu.dimension_semantics<subcore_parallel>], iteration_bounds = array<i64: 2, 16>, scalar_prefetch = 0 : i64, scratch_operands = 7 : i64, tpu.core_type = #tpu.core_type<sc_vector_subcore>, window_params = [{transform_indices = #map}, {transform_indices = #map1}, {transform_indices = #map2}, {transform_indices = #map2}]} {
    %mul3A = arith.constant 16 : i32
    %mul3A_0 = arith.muli %arg0, %mul3A : i32
    %add3A = arith.addi %mul3A_0, %arg1 : i32
    %mul3A_1 = arith.constant 10000 : i32
    %mul3A_2 = arith.muli %add3A, %mul3A_1 : i32
    "tpu.region"() ({
      %run_scoped3A_55 = tpu.sem_alloc : memref<!tpu.dma_semaphore, #tpu.memory_space<semaphore_mem>>
      %dma_start3A_56 = tpu.memref_slice %arg3[%mul3A_2] : memref<320000xi32, #tpu.memory_space<hbm>> -> memref<10000xi32, #tpu.memory_space<hbm>>
      %dma_start3A_57 = tpu.memref_slice %arg3[%mul3A_2] : memref<320000xi32, #tpu.memory_space<hbm>> -> memref<10000xi32, #tpu.memory_space<hbm>>
      tpu.enqueue_dma source(%dma_start3A_57 : memref<10000xi32, #tpu.memory_space<hbm>>) target(%arg6 : memref<10000xi32, #tpu.memory_space<vmem>>) target_semaphore(%run_scoped3A_55 : memref<!tpu.dma_semaphore, #tpu.memory_space<semaphore_mem>>)
      %dma_wait3A_58 = tpu.memref_slice %arg3[%mul3A_2] : memref<320000xi32, #tpu.memory_space<hbm>> -> memref<10000xi32, #tpu.memory_space<hbm>>
      %dma_wait3A_59 = tpu.memref_slice %arg3[%mul3A_2] : memref<320000xi32, #tpu.memory_space<hbm>> -> memref<10000xi32, #tpu.memory_space<hbm>>
      tpu.wait_dma2 semaphore(%run_scoped3A_55 : memref<!tpu.dma_semaphore, #tpu.memory_space<semaphore_mem>>) src(%dma_wait3A_59 : memref<10000xi32, #tpu.memory_space<hbm>>) dst(%arg6 : memref<10000xi32, #tpu.memory_space<vmem>>)
      tpu.yield
    }) : () -> ()
    %dma_start3A = arith.constant 0 : i32
    %dma_start3A_3 = tpu.memref_slice %arg6[%dma_start3A] : memref<10000xi32, #tpu.memory_space<vmem>> -> memref<80xi32, #tpu.memory_space<vmem>>
    %dma_start3A_4 = arith.constant 0 : i32
    %dma_start3A_5 = arith.constant 0 : i32
    %dma_start3A_6 = tpu.memref_slice %arg2[%dma_start3A_4, %dma_start3A_5] : memref<10000x128xf32, #tpu.memory_space<hbm>> -> memref<10000x128xf32, #tpu.memory_space<hbm>>
    tpu.enqueue_indirect_dma source(%dma_start3A_6 : memref<10000x128xf32, #tpu.memory_space<hbm>>) target(%arg8 : memref<80x128xf32, #tpu.memory_space<vmem>>) offsets(%dma_start3A_3 : memref<80xi32, #tpu.memory_space<vmem>>) semaphore(%arg11 : memref<!tpu.dma_semaphore, #tpu.memory_space<semaphore_mem>>)
    %dma_start3A_7 = arith.constant 80 : i32
    %dma_start3A_8 = tpu.memref_slice %arg6[%dma_start3A_7] : memref<10000xi32, #tpu.memory_space<vmem>> -> memref<80xi32, #tpu.memory_space<vmem>>
    %dma_start3A_9 = arith.constant 0 : i32
    %dma_start3A_10 = arith.constant 0 : i32
    %dma_start3A_11 = tpu.memref_slice %arg2[%dma_start3A_9, %dma_start3A_10] : memref<10000x128xf32, #tpu.memory_space<hbm>> -> memref<10000x128xf32, #tpu.memory_space<hbm>>
    tpu.enqueue_indirect_dma source(%dma_start3A_11 : memref<10000x128xf32, #tpu.memory_space<hbm>>) target(%arg9 : memref<80x128xf32, #tpu.memory_space<vmem>>) offsets(%dma_start3A_8 : memref<80xi32, #tpu.memory_space<vmem>>) semaphore(%arg12 : memref<!tpu.dma_semaphore, #tpu.memory_space<semaphore_mem>>)
    %lt3A = arith.constant 15 : i32
    %lt3A_12 = arith.cmpi slt, %arg1, %lt3A : i32
    %convert_element_type3A = arith.extui %lt3A_12 : i1 to i32
    %cond3A = arith.constant 0 : i32
    %cond3A_13 = arith.cmpi ne, %convert_element_type3A, %cond3A : i32
    scf.if %cond3A_13 {
      %mul3A_55 = arith.constant 640 : i32
      %mul3A_56 = arith.muli %arg1, %mul3A_55 : i32
      %mul3A_57 = arith.constant 640 : i32
      %mul3A_58 = arith.muli %arg1, %mul3A_57 : i32
      "tpu.region"() ({
        %run_scoped3A_59 = tpu.sem_alloc : memref<!tpu.dma_semaphore, #tpu.memory_space<semaphore_mem>>
        %dma_start3A_60 = arith.constant 0 : i32
        %dma_start3A_61 = tpu.memref_slice %arg10[%mul3A_58, %dma_start3A_60] : memref<10000x128xf32, #tpu.memory_space<vmem_shared>> -> memref<640x128xf32, #tpu.memory_space<vmem_shared>>
        %dma_start3A_62 = arith.constant 0 : i32
        %dma_start3A_63 = tpu.memref_slice %arg2[%mul3A_56, %dma_start3A_62] : memref<10000x128xf32, #tpu.memory_space<hbm>> -> memref<640x128xf32, #tpu.memory_space<hbm>>
        tpu.enqueue_dma source(%dma_start3A_63 : memref<640x128xf32, #tpu.memory_space<hbm>>) target(%dma_start3A_61 : memref<640x128xf32, #tpu.memory_space<vmem_shared>>) target_semaphore(%run_scoped3A_59 : memref<!tpu.dma_semaphore, #tpu.memory_space<semaphore_mem>>)
        %dma_wait3A_64 = arith.constant 0 : i32
        %dma_wait3A_65 = tpu.memref_slice %arg10[%mul3A_58, %dma_wait3A_64] : memref<10000x128xf32, #tpu.memory_space<vmem_shared>> -> memref<640x128xf32, #tpu.memory_space<vmem_shared>>
        %dma_wait3A_66 = arith.constant 0 : i32
        %dma_wait3A_67 = tpu.memref_slice %arg2[%mul3A_56, %dma_wait3A_66] : memref<10000x128xf32, #tpu.memory_space<hbm>> -> memref<640x128xf32, #tpu.memory_space<hbm>>
        tpu.wait_dma2 semaphore(%run_scoped3A_59 : memref<!tpu.dma_semaphore, #tpu.memory_space<semaphore_mem>>) src(%dma_wait3A_67 : memref<640x128xf32, #tpu.memory_space<hbm>>) dst(%dma_wait3A_65 : memref<640x128xf32, #tpu.memory_space<vmem_shared>>)
        tpu.yield
      }) : () -> ()
    } else {
    }
    %eq3A = arith.constant 15 : i32
    %eq3A_14 = arith.cmpi eq, %arg1, %eq3A : i32
    %convert_element_type3A_15 = arith.extui %eq3A_14 : i1 to i32
    %cond3A_16 = arith.constant 0 : i32
    %cond3A_17 = arith.cmpi ne, %convert_element_type3A_15, %cond3A_16 : i32
    scf.if %cond3A_17 {
      "tpu.region"() ({
        %run_scoped3A_55 = tpu.sem_alloc : memref<!tpu.dma_semaphore, #tpu.memory_space<semaphore_mem>>
        %dma_start3A_56 = arith.constant 9600 : i32
        %dma_start3A_57 = arith.constant 0 : i32
        %dma_start3A_58 = tpu.memref_slice %arg10[%dma_start3A_56, %dma_start3A_57] : memref<10000x128xf32, #tpu.memory_space<vmem_shared>> -> memref<400x128xf32, #tpu.memory_space<vmem_shared>>
        %dma_start3A_59 = arith.constant 9600 : i32
        %dma_start3A_60 = arith.constant 0 : i32
        %dma_start3A_61 = tpu.memref_slice %arg2[%dma_start3A_59, %dma_start3A_60] : memref<10000x128xf32, #tpu.memory_space<hbm>> -> memref<400x128xf32, #tpu.memory_space<hbm>>
        tpu.enqueue_dma source(%dma_start3A_61 : memref<400x128xf32, #tpu.memory_space<hbm>>) target(%dma_start3A_58 : memref<400x128xf32, #tpu.memory_space<vmem_shared>>) target_semaphore(%run_scoped3A_55 : memref<!tpu.dma_semaphore, #tpu.memory_space<semaphore_mem>>)
        %dma_wait3A_62 = arith.constant 9600 : i32
        %dma_wait3A_63 = arith.constant 0 : i32
        %dma_wait3A_64 = tpu.memref_slice %arg10[%dma_wait3A_62, %dma_wait3A_63] : memref<10000x128xf32, #tpu.memory_space<vmem_shared>> -> memref<400x128xf32, #tpu.memory_space<vmem_shared>>
        %dma_wait3A_65 = arith.constant 9600 : i32
        %dma_wait3A_66 = arith.constant 0 : i32
        %dma_wait3A_67 = tpu.memref_slice %arg2[%dma_wait3A_65, %dma_wait3A_66] : memref<10000x128xf32, #tpu.memory_space<hbm>> -> memref<400x128xf32, #tpu.memory_space<hbm>>
        tpu.wait_dma2 semaphore(%run_scoped3A_55 : memref<!tpu.dma_semaphore, #tpu.memory_space<semaphore_mem>>) src(%dma_wait3A_67 : memref<400x128xf32, #tpu.memory_space<hbm>>) dst(%dma_wait3A_64 : memref<400x128xf32, #tpu.memory_space<vmem_shared>>)
        tpu.yield
      }) : () -> ()
    } else {
    }
    "tpu.region"() ({
      %run_scoped3A_55 = tpu.sem_alloc : memref<!tpu.dma_semaphore, #tpu.memory_space<semaphore_mem>>
      %dma_start3A_56 = arith.constant 0 : i32
      %dma_start3A_57 = arith.constant 0 : i32
      %dma_start3A_58 = tpu.memref_slice %arg4[%add3A, %dma_start3A_56, %dma_start3A_57] : memref<32x125x80xi32, #tpu.memory_space<hbm>> -> memref<1x125x80xi32, #tpu.memory_space<hbm>>
      %dma_start3A_59 = tpu.memref_squeeze %dma_start3A_58 : memref<1x125x80xi32, #tpu.memory_space<hbm>> -> memref<125x80xi32, #tpu.memory_space<hbm>>
      %dma_start3A_60 = arith.constant 0 : i32
      %dma_start3A_61 = arith.constant 0 : i32
      %dma_start3A_62 = tpu.memref_slice %arg4[%add3A, %dma_start3A_60, %dma_start3A_61] : memref<32x125x80xi32, #tpu.memory_space<hbm>> -> memref<1x125x80xi32, #tpu.memory_space<hbm>>
      %dma_start3A_63 = tpu.memref_squeeze %dma_start3A_62 : memref<1x125x80xi32, #tpu.memory_space<hbm>> -> memref<125x80xi32, #tpu.memory_space<hbm>>
      tpu.enqueue_dma source(%dma_start3A_63 : memref<125x80xi32, #tpu.memory_space<hbm>>) target(%arg7 : memref<125x80xi32, #tpu.memory_space<vmem>>) target_semaphore(%run_scoped3A_55 : memref<!tpu.dma_semaphore, #tpu.memory_space<semaphore_mem>>)
      %dma_wait3A_64 = arith.constant 0 : i32
      %dma_wait3A_65 = arith.constant 0 : i32
      %dma_wait3A_66 = tpu.memref_slice %arg4[%add3A, %dma_wait3A_64, %dma_wait3A_65] : memref<32x125x80xi32, #tpu.memory_space<hbm>> -> memref<1x125x80xi32, #tpu.memory_space<hbm>>
      %dma_wait3A_67 = tpu.memref_squeeze %dma_wait3A_66 : memref<1x125x80xi32, #tpu.memory_space<hbm>> -> memref<125x80xi32, #tpu.memory_space<hbm>>
      %dma_wait3A_68 = arith.constant 0 : i32
      %dma_wait3A_69 = arith.constant 0 : i32
      %dma_wait3A_70 = tpu.memref_slice %arg4[%add3A, %dma_wait3A_68, %dma_wait3A_69] : memref<32x125x80xi32, #tpu.memory_space<hbm>> -> memref<1x125x80xi32, #tpu.memory_space<hbm>>
      %dma_wait3A_71 = tpu.memref_squeeze %dma_wait3A_70 : memref<1x125x80xi32, #tpu.memory_space<hbm>> -> memref<125x80xi32, #tpu.memory_space<hbm>>
      tpu.wait_dma2 semaphore(%run_scoped3A_55 : memref<!tpu.dma_semaphore, #tpu.memory_space<semaphore_mem>>) src(%dma_wait3A_71 : memref<125x80xi32, #tpu.memory_space<hbm>>) dst(%arg7 : memref<125x80xi32, #tpu.memory_space<vmem>>)
      tpu.yield
    }) : () -> ()
    %barrier3A = arith.constant 0 : index
    tpu.barrier barrier_id(%barrier3A)
    %scan3A = arith.constant 0 : i32
    %scan3A_18 = arith.constant 0 : i32
    %scan3A_19 = arith.constant 61 : i32
    %scan3A_20 = arith.addi %scan3A_18, %scan3A_19 : i32
    %scan3A_21 = arith.constant 1 : i32
    scf.for %scan3A_55 = %scan3A_18 to %scan3A_20 step %scan3A_21  : i32 {
      %dma_wait3A_56 = arith.constant 0 : i32
      %dma_wait3A_57 = tpu.memref_slice %arg6[%dma_wait3A_56] : memref<10000xi32, #tpu.memory_space<vmem>> -> memref<80xi32, #tpu.memory_space<vmem>>
      %dma_wait3A_58 = arith.constant 0 : i32
      %dma_wait3A_59 = arith.constant 0 : i32
      %dma_wait3A_60 = tpu.memref_slice %arg2[%dma_wait3A_58, %dma_wait3A_59] : memref<10000x128xf32, #tpu.memory_space<hbm>> -> memref<10000x128xf32, #tpu.memory_space<hbm>>
      tpu.wait_indirect_dma semaphore(%arg11 : memref<!tpu.dma_semaphore, #tpu.memory_space<semaphore_mem>>) src(%dma_wait3A_60 : memref<10000x128xf32, #tpu.memory_space<hbm>>) dst(%arg8 : memref<80x128xf32, #tpu.memory_space<vmem>>)
      %mul3A_61 = arith.constant 2 : i32
      %mul3A_62 = arith.muli %mul3A_61, %scan3A_55 : i32
      "tpu.region"() ({
        %run_scoped3A_92 = tpu.sem_alloc : memref<!tpu.dma_semaphore, #tpu.memory_space<semaphore_mem>>
        %dma_start3A_93 = arith.constant 0 : i32
        %dma_start3A_94 = tpu.memref_slice %arg7[%mul3A_62, %dma_start3A_93] : memref<125x80xi32, #tpu.memory_space<vmem>> -> memref<1x80xi32, #tpu.memory_space<vmem>>
        %dma_start3A_95 = tpu.memref_squeeze %dma_start3A_94 : memref<1x80xi32, #tpu.memory_space<vmem>> -> memref<80xi32, #tpu.memory_space<vmem>>
        %dma_start3A_96 = arith.constant 0 : i32
        %dma_start3A_97 = arith.constant 0 : i32
        %dma_start3A_98 = tpu.memref_slice %arg10[%dma_start3A_96, %dma_start3A_97] : memref<10000x128xf32, #tpu.memory_space<vmem_shared>> -> memref<10000x128xf32, #tpu.memory_space<vmem_shared>>
        tpu.enqueue_indirect_dma source(%arg8 : memref<80x128xf32, #tpu.memory_space<vmem>>) target(%dma_start3A_98 : memref<10000x128xf32, #tpu.memory_space<vmem_shared>>) offsets(%dma_start3A_95 : memref<80xi32, #tpu.memory_space<vmem>>) semaphore(%run_scoped3A_92 : memref<!tpu.dma_semaphore, #tpu.memory_space<semaphore_mem>>) {add = true}
        %dma_wait3A_99 = arith.constant 0 : i32
        %dma_wait3A_100 = tpu.memref_slice %arg7[%mul3A_62, %dma_wait3A_99] : memref<125x80xi32, #tpu.memory_space<vmem>> -> memref<1x80xi32, #tpu.memory_space<vmem>>
        %dma_wait3A_101 = tpu.memref_squeeze %dma_wait3A_100 : memref<1x80xi32, #tpu.memory_space<vmem>> -> memref<80xi32, #tpu.memory_space<vmem>>
        %dma_wait3A_102 = arith.constant 0 : i32
        %dma_wait3A_103 = arith.constant 0 : i32
        %dma_wait3A_104 = tpu.memref_slice %arg10[%dma_wait3A_102, %dma_wait3A_103] : memref<10000x128xf32, #tpu.memory_space<vmem_shared>> -> memref<10000x128xf32, #tpu.memory_space<vmem_shared>>
        tpu.wait_indirect_dma semaphore(%run_scoped3A_92 : memref<!tpu.dma_semaphore, #tpu.memory_space<semaphore_mem>>) src(%arg8 : memref<80x128xf32, #tpu.memory_space<vmem>>) dst(%dma_wait3A_104 : memref<10000x128xf32, #tpu.memory_space<vmem_shared>>)
        tpu.yield
      }) : () -> ()
      %mul3A_63 = arith.constant 2 : i32
      %mul3A_64 = arith.muli %mul3A_63, %scan3A_55 : i32
      %add3A_65 = arith.constant 2 : i32
      %add3A_66 = arith.addi %mul3A_64, %add3A_65 : i32
      %mul3A_67 = arith.constant 80 : i32
      %mul3A_68 = arith.muli %add3A_66, %mul3A_67 : i32
      %dma_start3A_69 = tpu.memref_slice %arg6[%mul3A_68] : memref<10000xi32, #tpu.memory_space<vmem>> -> memref<80xi32, #tpu.memory_space<vmem>>
      %dma_start3A_70 = arith.constant 0 : i32
      %dma_start3A_71 = arith.constant 0 : i32
      %dma_start3A_72 = tpu.memref_slice %arg2[%dma_start3A_70, %dma_start3A_71] : memref<10000x128xf32, #tpu.memory_space<hbm>> -> memref<10000x128xf32, #tpu.memory_space<hbm>>
      tpu.enqueue_indirect_dma source(%dma_start3A_72 : memref<10000x128xf32, #tpu.memory_space<hbm>>) target(%arg8 : memref<80x128xf32, #tpu.memory_space<vmem>>) offsets(%dma_start3A_69 : memref<80xi32, #tpu.memory_space<vmem>>) semaphore(%arg11 : memref<!tpu.dma_semaphore, #tpu.memory_space<semaphore_mem>>)
      %dma_wait3A_73 = arith.constant 0 : i32
      %dma_wait3A_74 = tpu.memref_slice %arg6[%dma_wait3A_73] : memref<10000xi32, #tpu.memory_space<vmem>> -> memref<80xi32, #tpu.memory_space<vmem>>
      %dma_wait3A_75 = arith.constant 0 : i32
      %dma_wait3A_76 = arith.constant 0 : i32
      %dma_wait3A_77 = tpu.memref_slice %arg2[%dma_wait3A_75, %dma_wait3A_76] : memref<10000x128xf32, #tpu.memory_space<hbm>> -> memref<10000x128xf32, #tpu.memory_space<hbm>>
      tpu.wait_indirect_dma semaphore(%arg12 : memref<!tpu.dma_semaphore, #tpu.memory_space<semaphore_mem>>) src(%dma_wait3A_77 : memref<10000x128xf32, #tpu.memory_space<hbm>>) dst(%arg9 : memref<80x128xf32, #tpu.memory_space<vmem>>)
      %mul3A_78 = arith.constant 2 : i32
      %mul3A_79 = arith.muli %mul3A_78, %scan3A_55 : i32
      %add3A_80 = arith.constant 1 : i32
      %add3A_81 = arith.addi %mul3A_79, %add3A_80 : i32
      "tpu.region"() ({
        %run_scoped3A_92 = tpu.sem_alloc : memref<!tpu.dma_semaphore, #tpu.memory_space<semaphore_mem>>
        %dma_start3A_93 = arith.constant 0 : i32
        %dma_start3A_94 = tpu.memref_slice %arg7[%add3A_81, %dma_start3A_93] : memref<125x80xi32, #tpu.memory_space<vmem>> -> memref<1x80xi32, #tpu.memory_space<vmem>>
        %dma_start3A_95 = tpu.memref_squeeze %dma_start3A_94 : memref<1x80xi32, #tpu.memory_space<vmem>> -> memref<80xi32, #tpu.memory_space<vmem>>
        %dma_start3A_96 = arith.constant 0 : i32
        %dma_start3A_97 = arith.constant 0 : i32
        %dma_start3A_98 = tpu.memref_slice %arg10[%dma_start3A_96, %dma_start3A_97] : memref<10000x128xf32, #tpu.memory_space<vmem_shared>> -> memref<10000x128xf32, #tpu.memory_space<vmem_shared>>
        tpu.enqueue_indirect_dma source(%arg9 : memref<80x128xf32, #tpu.memory_space<vmem>>) target(%dma_start3A_98 : memref<10000x128xf32, #tpu.memory_space<vmem_shared>>) offsets(%dma_start3A_95 : memref<80xi32, #tpu.memory_space<vmem>>) semaphore(%run_scoped3A_92 : memref<!tpu.dma_semaphore, #tpu.memory_space<semaphore_mem>>) {add = true}
        %dma_wait3A_99 = arith.constant 0 : i32
        %dma_wait3A_100 = tpu.memref_slice %arg7[%add3A_81, %dma_wait3A_99] : memref<125x80xi32, #tpu.memory_space<vmem>> -> memref<1x80xi32, #tpu.memory_space<vmem>>
        %dma_wait3A_101 = tpu.memref_squeeze %dma_wait3A_100 : memref<1x80xi32, #tpu.memory_space<vmem>> -> memref<80xi32, #tpu.memory_space<vmem>>
        %dma_wait3A_102 = arith.constant 0 : i32
        %dma_wait3A_103 = arith.constant 0 : i32
        %dma_wait3A_104 = tpu.memref_slice %arg10[%dma_wait3A_102, %dma_wait3A_103] : memref<10000x128xf32, #tpu.memory_space<vmem_shared>> -> memref<10000x128xf32, #tpu.memory_space<vmem_shared>>
        tpu.wait_indirect_dma semaphore(%run_scoped3A_92 : memref<!tpu.dma_semaphore, #tpu.memory_space<semaphore_mem>>) src(%arg9 : memref<80x128xf32, #tpu.memory_space<vmem>>) dst(%dma_wait3A_104 : memref<10000x128xf32, #tpu.memory_space<vmem_shared>>)
        tpu.yield
      }) : () -> ()
      %mul3A_82 = arith.constant 2 : i32
      %mul3A_83 = arith.muli %mul3A_82, %scan3A_55 : i32
      %add3A_84 = arith.constant 3 : i32
      %add3A_85 = arith.addi %mul3A_83, %add3A_84 : i32
      %mul3A_86 = arith.constant 80 : i32
      %mul3A_87 = arith.muli %add3A_85, %mul3A_86 : i32
      %dma_start3A_88 = tpu.memref_slice %arg6[%mul3A_87] : memref<10000xi32, #tpu.memory_space<vmem>> -> memref<80xi32, #tpu.memory_space<vmem>>
      %dma_start3A_89 = arith.constant 0 : i32
      %dma_start3A_90 = arith.constant 0 : i32
      %dma_start3A_91 = tpu.memref_slice %arg2[%dma_start3A_89, %dma_start3A_90] : memref<10000x128xf32, #tpu.memory_space<hbm>> -> memref<10000x128xf32, #tpu.memory_space<hbm>>
      tpu.enqueue_indirect_dma source(%dma_start3A_91 : memref<10000x128xf32, #tpu.memory_space<hbm>>) target(%arg9 : memref<80x128xf32, #tpu.memory_space<vmem>>) offsets(%dma_start3A_88 : memref<80xi32, #tpu.memory_space<vmem>>) semaphore(%arg12 : memref<!tpu.dma_semaphore, #tpu.memory_space<semaphore_mem>>)
    }
    %scan3A_22 = arith.constant 61 : i32
    %dma_wait3A = arith.constant 0 : i32
    %dma_wait3A_23 = tpu.memref_slice %arg6[%dma_wait3A] : memref<10000xi32, #tpu.memory_space<vmem>> -> memref<80xi32, #tpu.memory_space<vmem>>
    %dma_wait3A_24 = arith.constant 0 : i32
    %dma_wait3A_25 = arith.constant 0 : i32
    %dma_wait3A_26 = tpu.memref_slice %arg2[%dma_wait3A_24, %dma_wait3A_25] : memref<10000x128xf32, #tpu.memory_space<hbm>> -> memref<10000x128xf32, #tpu.memory_space<hbm>>
    tpu.wait_indirect_dma semaphore(%arg11 : memref<!tpu.dma_semaphore, #tpu.memory_space<semaphore_mem>>) src(%dma_wait3A_26 : memref<10000x128xf32, #tpu.memory_space<hbm>>) dst(%arg8 : memref<80x128xf32, #tpu.memory_space<vmem>>)
    %run_scoped3A = arith.constant 122 : i32
    "tpu.region"() ({
      %run_scoped3A_55 = tpu.sem_alloc : memref<!tpu.dma_semaphore, #tpu.memory_space<semaphore_mem>>
      %dma_start3A_56 = arith.constant 0 : i32
      %dma_start3A_57 = tpu.memref_slice %arg7[%run_scoped3A, %dma_start3A_56] : memref<125x80xi32, #tpu.memory_space<vmem>> -> memref<1x80xi32, #tpu.memory_space<vmem>>
      %dma_start3A_58 = tpu.memref_squeeze %dma_start3A_57 : memref<1x80xi32, #tpu.memory_space<vmem>> -> memref<80xi32, #tpu.memory_space<vmem>>
      %dma_start3A_59 = arith.constant 0 : i32
      %dma_start3A_60 = arith.constant 0 : i32
      %dma_start3A_61 = tpu.memref_slice %arg10[%dma_start3A_59, %dma_start3A_60] : memref<10000x128xf32, #tpu.memory_space<vmem_shared>> -> memref<10000x128xf32, #tpu.memory_space<vmem_shared>>
      tpu.enqueue_indirect_dma source(%arg8 : memref<80x128xf32, #tpu.memory_space<vmem>>) target(%dma_start3A_61 : memref<10000x128xf32, #tpu.memory_space<vmem_shared>>) offsets(%dma_start3A_58 : memref<80xi32, #tpu.memory_space<vmem>>) semaphore(%run_scoped3A_55 : memref<!tpu.dma_semaphore, #tpu.memory_space<semaphore_mem>>) {add = true}
      %dma_wait3A_62 = arith.constant 0 : i32
      %dma_wait3A_63 = tpu.memref_slice %arg7[%run_scoped3A, %dma_wait3A_62] : memref<125x80xi32, #tpu.memory_space<vmem>> -> memref<1x80xi32, #tpu.memory_space<vmem>>
      %dma_wait3A_64 = tpu.memref_squeeze %dma_wait3A_63 : memref<1x80xi32, #tpu.memory_space<vmem>> -> memref<80xi32, #tpu.memory_space<vmem>>
      %dma_wait3A_65 = arith.constant 0 : i32
      %dma_wait3A_66 = arith.constant 0 : i32
      %dma_wait3A_67 = tpu.memref_slice %arg10[%dma_wait3A_65, %dma_wait3A_66] : memref<10000x128xf32, #tpu.memory_space<vmem_shared>> -> memref<10000x128xf32, #tpu.memory_space<vmem_shared>>
      tpu.wait_indirect_dma semaphore(%run_scoped3A_55 : memref<!tpu.dma_semaphore, #tpu.memory_space<semaphore_mem>>) src(%arg8 : memref<80x128xf32, #tpu.memory_space<vmem>>) dst(%dma_wait3A_67 : memref<10000x128xf32, #tpu.memory_space<vmem_shared>>)
      tpu.yield
    }) : () -> ()
    %dma_start3A_27 = arith.constant 9920 : i32
    %dma_start3A_28 = tpu.memref_slice %arg6[%dma_start3A_27] : memref<10000xi32, #tpu.memory_space<vmem>> -> memref<80xi32, #tpu.memory_space<vmem>>
    %dma_start3A_29 = arith.constant 0 : i32
    %dma_start3A_30 = arith.constant 0 : i32
    %dma_start3A_31 = tpu.memref_slice %arg2[%dma_start3A_29, %dma_start3A_30] : memref<10000x128xf32, #tpu.memory_space<hbm>> -> memref<10000x128xf32, #tpu.memory_space<hbm>>
    tpu.enqueue_indirect_dma source(%dma_start3A_31 : memref<10000x128xf32, #tpu.memory_space<hbm>>) target(%arg8 : memref<80x128xf32, #tpu.memory_space<vmem>>) offsets(%dma_start3A_28 : memref<80xi32, #tpu.memory_space<vmem>>) semaphore(%arg11 : memref<!tpu.dma_semaphore, #tpu.memory_space<semaphore_mem>>)
    %dma_wait3A_32 = arith.constant 0 : i32
    %dma_wait3A_33 = tpu.memref_slice %arg6[%dma_wait3A_32] : memref<10000xi32, #tpu.memory_space<vmem>> -> memref<80xi32, #tpu.memory_space<vmem>>
    %dma_wait3A_34 = arith.constant 0 : i32
    %dma_wait3A_35 = arith.constant 0 : i32
    %dma_wait3A_36 = tpu.memref_slice %arg2[%dma_wait3A_34, %dma_wait3A_35] : memref<10000x128xf32, #tpu.memory_space<hbm>> -> memref<10000x128xf32, #tpu.memory_space<hbm>>
    tpu.wait_indirect_dma semaphore(%arg12 : memref<!tpu.dma_semaphore, #tpu.memory_space<semaphore_mem>>) src(%dma_wait3A_36 : memref<10000x128xf32, #tpu.memory_space<hbm>>) dst(%arg9 : memref<80x128xf32, #tpu.memory_space<vmem>>)
    %run_scoped3A_37 = arith.constant 123 : i32
    "tpu.region"() ({
      %run_scoped3A_55 = tpu.sem_alloc : memref<!tpu.dma_semaphore, #tpu.memory_space<semaphore_mem>>
      %dma_start3A_56 = arith.constant 0 : i32
      %dma_start3A_57 = tpu.memref_slice %arg7[%run_scoped3A_37, %dma_start3A_56] : memref<125x80xi32, #tpu.memory_space<vmem>> -> memref<1x80xi32, #tpu.memory_space<vmem>>
      %dma_start3A_58 = tpu.memref_squeeze %dma_start3A_57 : memref<1x80xi32, #tpu.memory_space<vmem>> -> memref<80xi32, #tpu.memory_space<vmem>>
      %dma_start3A_59 = arith.constant 0 : i32
      %dma_start3A_60 = arith.constant 0 : i32
      %dma_start3A_61 = tpu.memref_slice %arg10[%dma_start3A_59, %dma_start3A_60] : memref<10000x128xf32, #tpu.memory_space<vmem_shared>> -> memref<10000x128xf32, #tpu.memory_space<vmem_shared>>
      tpu.enqueue_indirect_dma source(%arg9 : memref<80x128xf32, #tpu.memory_space<vmem>>) target(%dma_start3A_61 : memref<10000x128xf32, #tpu.memory_space<vmem_shared>>) offsets(%dma_start3A_58 : memref<80xi32, #tpu.memory_space<vmem>>) semaphore(%run_scoped3A_55 : memref<!tpu.dma_semaphore, #tpu.memory_space<semaphore_mem>>) {add = true}
      %dma_wait3A_62 = arith.constant 0 : i32
      %dma_wait3A_63 = tpu.memref_slice %arg7[%run_scoped3A_37, %dma_wait3A_62] : memref<125x80xi32, #tpu.memory_space<vmem>> -> memref<1x80xi32, #tpu.memory_space<vmem>>
      %dma_wait3A_64 = tpu.memref_squeeze %dma_wait3A_63 : memref<1x80xi32, #tpu.memory_space<vmem>> -> memref<80xi32, #tpu.memory_space<vmem>>
      %dma_wait3A_65 = arith.constant 0 : i32
      %dma_wait3A_66 = arith.constant 0 : i32
      %dma_wait3A_67 = tpu.memref_slice %arg10[%dma_wait3A_65, %dma_wait3A_66] : memref<10000x128xf32, #tpu.memory_space<vmem_shared>> -> memref<10000x128xf32, #tpu.memory_space<vmem_shared>>
      tpu.wait_indirect_dma semaphore(%run_scoped3A_55 : memref<!tpu.dma_semaphore, #tpu.memory_space<semaphore_mem>>) src(%arg9 : memref<80x128xf32, #tpu.memory_space<vmem>>) dst(%dma_wait3A_67 : memref<10000x128xf32, #tpu.memory_space<vmem_shared>>)
      tpu.yield
    }) : () -> ()
    %dma_wait3A_38 = arith.constant 0 : i32
    %dma_wait3A_39 = tpu.memref_slice %arg6[%dma_wait3A_38] : memref<10000xi32, #tpu.memory_space<vmem>> -> memref<80xi32, #tpu.memory_space<vmem>>
    %dma_wait3A_40 = arith.constant 0 : i32
    %dma_wait3A_41 = arith.constant 0 : i32
    %dma_wait3A_42 = tpu.memref_slice %arg2[%dma_wait3A_40, %dma_wait3A_41] : memref<10000x128xf32, #tpu.memory_space<hbm>> -> memref<10000x128xf32, #tpu.memory_space<hbm>>
    tpu.wait_indirect_dma semaphore(%arg11 : memref<!tpu.dma_semaphore, #tpu.memory_space<semaphore_mem>>) src(%dma_wait3A_42 : memref<10000x128xf32, #tpu.memory_space<hbm>>) dst(%arg8 : memref<80x128xf32, #tpu.memory_space<vmem>>)
    %run_scoped3A_43 = arith.constant 124 : i32
    "tpu.region"() ({
      %run_scoped3A_55 = tpu.sem_alloc : memref<!tpu.dma_semaphore, #tpu.memory_space<semaphore_mem>>
      %dma_start3A_56 = arith.constant 0 : i32
      %dma_start3A_57 = tpu.memref_slice %arg7[%run_scoped3A_43, %dma_start3A_56] : memref<125x80xi32, #tpu.memory_space<vmem>> -> memref<1x80xi32, #tpu.memory_space<vmem>>
      %dma_start3A_58 = tpu.memref_squeeze %dma_start3A_57 : memref<1x80xi32, #tpu.memory_space<vmem>> -> memref<80xi32, #tpu.memory_space<vmem>>
      %dma_start3A_59 = arith.constant 0 : i32
      %dma_start3A_60 = arith.constant 0 : i32
      %dma_start3A_61 = tpu.memref_slice %arg10[%dma_start3A_59, %dma_start3A_60] : memref<10000x128xf32, #tpu.memory_space<vmem_shared>> -> memref<10000x128xf32, #tpu.memory_space<vmem_shared>>
      tpu.enqueue_indirect_dma source(%arg8 : memref<80x128xf32, #tpu.memory_space<vmem>>) target(%dma_start3A_61 : memref<10000x128xf32, #tpu.memory_space<vmem_shared>>) offsets(%dma_start3A_58 : memref<80xi32, #tpu.memory_space<vmem>>) semaphore(%run_scoped3A_55 : memref<!tpu.dma_semaphore, #tpu.memory_space<semaphore_mem>>) {add = true}
      %dma_wait3A_62 = arith.constant 0 : i32
      %dma_wait3A_63 = tpu.memref_slice %arg7[%run_scoped3A_43, %dma_wait3A_62] : memref<125x80xi32, #tpu.memory_space<vmem>> -> memref<1x80xi32, #tpu.memory_space<vmem>>
      %dma_wait3A_64 = tpu.memref_squeeze %dma_wait3A_63 : memref<1x80xi32, #tpu.memory_space<vmem>> -> memref<80xi32, #tpu.memory_space<vmem>>
      %dma_wait3A_65 = arith.constant 0 : i32
      %dma_wait3A_66 = arith.constant 0 : i32
      %dma_wait3A_67 = tpu.memref_slice %arg10[%dma_wait3A_65, %dma_wait3A_66] : memref<10000x128xf32, #tpu.memory_space<vmem_shared>> -> memref<10000x128xf32, #tpu.memory_space<vmem_shared>>
      tpu.wait_indirect_dma semaphore(%run_scoped3A_55 : memref<!tpu.dma_semaphore, #tpu.memory_space<semaphore_mem>>) src(%arg8 : memref<80x128xf32, #tpu.memory_space<vmem>>) dst(%dma_wait3A_67 : memref<10000x128xf32, #tpu.memory_space<vmem_shared>>)
      tpu.yield
    }) : () -> ()
    %barrier3A_44 = arith.constant 0 : index
    tpu.barrier barrier_id(%barrier3A_44)
    %lt3A_45 = arith.constant 15 : i32
    %lt3A_46 = arith.cmpi slt, %arg1, %lt3A_45 : i32
    %convert_element_type3A_47 = arith.extui %lt3A_46 : i1 to i32
    %cond3A_48 = arith.constant 0 : i32
    %cond3A_49 = arith.cmpi ne, %convert_element_type3A_47, %cond3A_48 : i32
    scf.if %cond3A_49 {
      %mul3A_55 = arith.constant 640 : i32
      %mul3A_56 = arith.muli %arg1, %mul3A_55 : i32
      %mul3A_57 = arith.constant 640 : i32
      %mul3A_58 = arith.muli %arg1, %mul3A_57 : i32
      "tpu.region"() ({
        %run_scoped3A_59 = tpu.sem_alloc : memref<!tpu.dma_semaphore, #tpu.memory_space<semaphore_mem>>
        %dma_start3A_60 = arith.constant 0 : i32
        %dma_start3A_61 = tpu.memref_slice %arg5[%arg0, %mul3A_58, %dma_start3A_60] : memref<2x10000x128xf32, #tpu.memory_space<hbm>> -> memref<1x640x128xf32, #tpu.memory_space<hbm>>
        %dma_start3A_62 = tpu.memref_squeeze %dma_start3A_61 : memref<1x640x128xf32, #tpu.memory_space<hbm>> -> memref<640x128xf32, #tpu.memory_space<hbm>>
        %dma_start3A_63 = arith.constant 0 : i32
        %dma_start3A_64 = tpu.memref_slice %arg10[%mul3A_56, %dma_start3A_63] : memref<10000x128xf32, #tpu.memory_space<vmem_shared>> -> memref<640x128xf32, #tpu.memory_space<vmem_shared>>
        tpu.enqueue_dma source(%dma_start3A_64 : memref<640x128xf32, #tpu.memory_space<vmem_shared>>) target(%dma_start3A_62 : memref<640x128xf32, #tpu.memory_space<hbm>>) target_semaphore(%run_scoped3A_59 : memref<!tpu.dma_semaphore, #tpu.memory_space<semaphore_mem>>)
        %dma_wait3A_65 = arith.constant 0 : i32
        %dma_wait3A_66 = tpu.memref_slice %arg5[%arg0, %mul3A_58, %dma_wait3A_65] : memref<2x10000x128xf32, #tpu.memory_space<hbm>> -> memref<1x640x128xf32, #tpu.memory_space<hbm>>
        %dma_wait3A_67 = tpu.memref_squeeze %dma_wait3A_66 : memref<1x640x128xf32, #tpu.memory_space<hbm>> -> memref<640x128xf32, #tpu.memory_space<hbm>>
        %dma_wait3A_68 = arith.constant 0 : i32
        %dma_wait3A_69 = tpu.memref_slice %arg10[%mul3A_56, %dma_wait3A_68] : memref<10000x128xf32, #tpu.memory_space<vmem_shared>> -> memref<640x128xf32, #tpu.memory_space<vmem_shared>>
        tpu.wait_dma2 semaphore(%run_scoped3A_59 : memref<!tpu.dma_semaphore, #tpu.memory_space<semaphore_mem>>) src(%dma_wait3A_69 : memref<640x128xf32, #tpu.memory_space<vmem_shared>>) dst(%dma_wait3A_67 : memref<640x128xf32, #tpu.memory_space<hbm>>)
        tpu.yield
      }) : () -> ()
    } else {
    }
    %eq3A_50 = arith.constant 15 : i32
    %eq3A_51 = arith.cmpi eq, %arg1, %eq3A_50 : i32
    %convert_element_type3A_52 = arith.extui %eq3A_51 : i1 to i32
    %cond3A_53 = arith.constant 0 : i32
    %cond3A_54 = arith.cmpi ne, %convert_element_type3A_52, %cond3A_53 : i32
    scf.if %cond3A_54 {
      "tpu.region"() ({
        %run_scoped3A_55 = tpu.sem_alloc : memref<!tpu.dma_semaphore, #tpu.memory_space<semaphore_mem>>
        %dma_start3A_56 = arith.constant 9600 : i32
        %dma_start3A_57 = arith.constant 0 : i32
        %dma_start3A_58 = tpu.memref_slice %arg5[%arg0, %dma_start3A_56, %dma_start3A_57] : memref<2x10000x128xf32, #tpu.memory_space<hbm>> -> memref<1x400x128xf32, #tpu.memory_space<hbm>>
        %dma_start3A_59 = tpu.memref_squeeze %dma_start3A_58 : memref<1x400x128xf32, #tpu.memory_space<hbm>> -> memref<400x128xf32, #tpu.memory_space<hbm>>
        %dma_start3A_60 = arith.constant 9600 : i32
        %dma_start3A_61 = arith.constant 0 : i32
        %dma_start3A_62 = tpu.memref_slice %arg10[%dma_start3A_60, %dma_start3A_61] : memref<10000x128xf32, #tpu.memory_space<vmem_shared>> -> memref<400x128xf32, #tpu.memory_space<vmem_shared>>
        tpu.enqueue_dma source(%dma_start3A_62 : memref<400x128xf32, #tpu.memory_space<vmem_shared>>) target(%dma_start3A_59 : memref<400x128xf32, #tpu.memory_space<hbm>>) target_semaphore(%run_scoped3A_55 : memref<!tpu.dma_semaphore, #tpu.memory_space<semaphore_mem>>)
        %dma_wait3A_63 = arith.constant 9600 : i32
        %dma_wait3A_64 = arith.constant 0 : i32
        %dma_wait3A_65 = tpu.memref_slice %arg5[%arg0, %dma_wait3A_63, %dma_wait3A_64] : memref<2x10000x128xf32, #tpu.memory_space<hbm>> -> memref<1x400x128xf32, #tpu.memory_space<hbm>>
        %dma_wait3A_66 = tpu.memref_squeeze %dma_wait3A_65 : memref<1x400x128xf32, #tpu.memory_space<hbm>> -> memref<400x128xf32, #tpu.memory_space<hbm>>
        %dma_wait3A_67 = arith.constant 9600 : i32
        %dma_wait3A_68 = arith.constant 0 : i32
        %dma_wait3A_69 = tpu.memref_slice %arg10[%dma_wait3A_67, %dma_wait3A_68] : memref<10000x128xf32, #tpu.memory_space<vmem_shared>> -> memref<400x128xf32, #tpu.memory_space<vmem_shared>>
        tpu.wait_dma2 semaphore(%run_scoped3A_55 : memref<!tpu.dma_semaphore, #tpu.memory_space<semaphore_mem>>) src(%dma_wait3A_69 : memref<400x128xf32, #tpu.memory_space<vmem_shared>>) dst(%dma_wait3A_66 : memref<400x128xf32, #tpu.memory_space<hbm>>)
        tpu.yield
      }) : () -> ()
    } else {
    }
    return
  }
}

#map = affine_map<(d0, d1) -> (0, 0)>
#map1 = affine_map<(d0, d1) -> (0)>
#map2 = affine_map<(d0, d1) -> (0, 0, 0)>
module attributes {stable_mosaic.version = 14 : i64} {
  func.func @_seg_kernel(%arg0: i32, %arg1: i32, %arg2: memref<10000x128xf32, #tpu.memory_space<hbm>>, %arg3: memref<320000xi32, #tpu.memory_space<hbm>>, %arg4: memref<32x125x80xi32, #tpu.memory_space<hbm>>, %arg5: memref<2x10000x128xf32, #tpu.memory_space<hbm>>, %arg6: memref<10000xi32, #tpu.memory_space<vmem>>, %arg7: memref<125x80xi32, #tpu.memory_space<vmem>>, %arg8: memref<80x128xf32, #tpu.memory_space<vmem>>, %arg9: memref<80x128xf32, #tpu.memory_space<vmem>>, %arg10: memref<10000x128xf32, #tpu.memory_space<vmem_shared>>, %arg11: memref<!tpu.dma_semaphore, #tpu.memory_space<semaphore_mem>>, %arg12: memref<!tpu.dma_semaphore, #tpu.memory_space<semaphore_mem>>) attributes {dimension_semantics = [#tpu.dimension_semantics<core_parallel>, #tpu.dimension_semantics<subcore_parallel>], iteration_bounds = array<i64: 2, 16>, scalar_prefetch = 0 : i64, scratch_operands = 7 : i64, tpu.core_type = #tpu.core_type<sc_vector_subcore>, window_params = [{transform_indices = #map}, {transform_indices = #map1}, {transform_indices = #map2}, {transform_indices = #map2}]} {
    %mul3A = arith.constant 16 : i32
    %mul3A_0 = arith.muli %arg0, %mul3A : i32
    %add3A = arith.addi %mul3A_0, %arg1 : i32
    %mul3A_1 = arith.constant 10000 : i32
    %mul3A_2 = arith.muli %add3A, %mul3A_1 : i32
    "tpu.region"() ({
      %run_scoped3A_55 = tpu.sem_alloc : memref<!tpu.dma_semaphore, #tpu.memory_space<semaphore_mem>>
      %dma_start3A_56 = tpu.memref_slice %arg3[%mul3A_2] : memref<320000xi32, #tpu.memory_space<hbm>> -> memref<10000xi32, #tpu.memory_space<hbm>>
      %dma_start3A_57 = tpu.memref_slice %arg3[%mul3A_2] : memref<320000xi32, #tpu.memory_space<hbm>> -> memref<10000xi32, #tpu.memory_space<hbm>>
      tpu.enqueue_dma source(%dma_start3A_57 : memref<10000xi32, #tpu.memory_space<hbm>>) target(%arg6 : memref<10000xi32, #tpu.memory_space<vmem>>) target_semaphore(%run_scoped3A_55 : memref<!tpu.dma_semaphore, #tpu.memory_space<semaphore_mem>>)
      %dma_wait3A_58 = tpu.memref_slice %arg3[%mul3A_2] : memref<320000xi32, #tpu.memory_space<hbm>> -> memref<10000xi32, #tpu.memory_space<hbm>>
      %dma_wait3A_59 = tpu.memref_slice %arg3[%mul3A_2] : memref<320000xi32, #tpu.memory_space<hbm>> -> memref<10000xi32, #tpu.memory_space<hbm>>
      tpu.wait_dma2 semaphore(%run_scoped3A_55 : memref<!tpu.dma_semaphore, #tpu.memory_space<semaphore_mem>>) src(%dma_wait3A_59 : memref<10000xi32, #tpu.memory_space<hbm>>) dst(%arg6 : memref<10000xi32, #tpu.memory_space<vmem>>)
      tpu.yield
    }) : () -> ()
    %dma_start3A = arith.constant 0 : i32
    %dma_start3A_3 = tpu.memref_slice %arg6[%dma_start3A] : memref<10000xi32, #tpu.memory_space<vmem>> -> memref<80xi32, #tpu.memory_space<vmem>>
    %dma_start3A_4 = arith.constant 0 : i32
    %dma_start3A_5 = arith.constant 0 : i32
    %dma_start3A_6 = tpu.memref_slice %arg2[%dma_start3A_4, %dma_start3A_5] : memref<10000x128xf32, #tpu.memory_space<hbm>> -> memref<10000x128xf32, #tpu.memory_space<hbm>>
    tpu.enqueue_indirect_dma source(%dma_start3A_6 : memref<10000x128xf32, #tpu.memory_space<hbm>>) target(%arg8 : memref<80x128xf32, #tpu.memory_space<vmem>>) offsets(%dma_start3A_3 : memref<80xi32, #tpu.memory_space<vmem>>) semaphore(%arg11 : memref<!tpu.dma_semaphore, #tpu.memory_space<semaphore_mem>>)
    %dma_start3A_7 = arith.constant 80 : i32
    %dma_start3A_8 = tpu.memref_slice %arg6[%dma_start3A_7] : memref<10000xi32, #tpu.memory_space<vmem>> -> memref<80xi32, #tpu.memory_space<vmem>>
    %dma_start3A_9 = arith.constant 0 : i32
    %dma_start3A_10 = arith.constant 0 : i32
    %dma_start3A_11 = tpu.memref_slice %arg2[%dma_start3A_9, %dma_start3A_10] : memref<10000x128xf32, #tpu.memory_space<hbm>> -> memref<10000x128xf32, #tpu.memory_space<hbm>>
    tpu.enqueue_indirect_dma source(%dma_start3A_11 : memref<10000x128xf32, #tpu.memory_space<hbm>>) target(%arg9 : memref<80x128xf32, #tpu.memory_space<vmem>>) offsets(%dma_start3A_8 : memref<80xi32, #tpu.memory_space<vmem>>) semaphore(%arg12 : memref<!tpu.dma_semaphore, #tpu.memory_space<semaphore_mem>>)
    %lt3A = arith.constant 15 : i32
    %lt3A_12 = arith.cmpi slt, %arg1, %lt3A : i32
    %convert_element_type3A = arith.extui %lt3A_12 : i1 to i32
    %cond3A = arith.constant 0 : i32
    %cond3A_13 = arith.cmpi ne, %convert_element_type3A, %cond3A : i32
    scf.if %cond3A_13 {
      %mul3A_55 = arith.constant 640 : i32
      %mul3A_56 = arith.muli %arg1, %mul3A_55 : i32
      %mul3A_57 = arith.constant 640 : i32
      %mul3A_58 = arith.muli %arg1, %mul3A_57 : i32
      "tpu.region"() ({
        %run_scoped3A_59 = tpu.sem_alloc : memref<!tpu.dma_semaphore, #tpu.memory_space<semaphore_mem>>
        %dma_start3A_60 = arith.constant 0 : i32
        %dma_start3A_61 = tpu.memref_slice %arg10[%mul3A_58, %dma_start3A_60] : memref<10000x128xf32, #tpu.memory_space<vmem_shared>> -> memref<640x128xf32, #tpu.memory_space<vmem_shared>>
        %dma_start3A_62 = arith.constant 0 : i32
        %dma_start3A_63 = tpu.memref_slice %arg2[%mul3A_56, %dma_start3A_62] : memref<10000x128xf32, #tpu.memory_space<hbm>> -> memref<640x128xf32, #tpu.memory_space<hbm>>
        tpu.enqueue_dma source(%dma_start3A_63 : memref<640x128xf32, #tpu.memory_space<hbm>>) target(%dma_start3A_61 : memref<640x128xf32, #tpu.memory_space<vmem_shared>>) target_semaphore(%run_scoped3A_59 : memref<!tpu.dma_semaphore, #tpu.memory_space<semaphore_mem>>)
        %dma_wait3A_64 = arith.constant 0 : i32
        %dma_wait3A_65 = tpu.memref_slice %arg10[%mul3A_58, %dma_wait3A_64] : memref<10000x128xf32, #tpu.memory_space<vmem_shared>> -> memref<640x128xf32, #tpu.memory_space<vmem_shared>>
        %dma_wait3A_66 = arith.constant 0 : i32
        %dma_wait3A_67 = tpu.memref_slice %arg2[%mul3A_56, %dma_wait3A_66] : memref<10000x128xf32, #tpu.memory_space<hbm>> -> memref<640x128xf32, #tpu.memory_space<hbm>>
        tpu.wait_dma2 semaphore(%run_scoped3A_59 : memref<!tpu.dma_semaphore, #tpu.memory_space<semaphore_mem>>) src(%dma_wait3A_67 : memref<640x128xf32, #tpu.memory_space<hbm>>) dst(%dma_wait3A_65 : memref<640x128xf32, #tpu.memory_space<vmem_shared>>)
        tpu.yield
      }) : () -> ()
    } else {
    }
    %eq3A = arith.constant 15 : i32
    %eq3A_14 = arith.cmpi eq, %arg1, %eq3A : i32
    %convert_element_type3A_15 = arith.extui %eq3A_14 : i1 to i32
    %cond3A_16 = arith.constant 0 : i32
    %cond3A_17 = arith.cmpi ne, %convert_element_type3A_15, %cond3A_16 : i32
    scf.if %cond3A_17 {
      "tpu.region"() ({
        %run_scoped3A_55 = tpu.sem_alloc : memref<!tpu.dma_semaphore, #tpu.memory_space<semaphore_mem>>
        %dma_start3A_56 = arith.constant 9600 : i32
        %dma_start3A_57 = arith.constant 0 : i32
        %dma_start3A_58 = tpu.memref_slice %arg10[%dma_start3A_56, %dma_start3A_57] : memref<10000x128xf32, #tpu.memory_space<vmem_shared>> -> memref<400x128xf32, #tpu.memory_space<vmem_shared>>
        %dma_start3A_59 = arith.constant 9600 : i32
        %dma_start3A_60 = arith.constant 0 : i32
        %dma_start3A_61 = tpu.memref_slice %arg2[%dma_start3A_59, %dma_start3A_60] : memref<10000x128xf32, #tpu.memory_space<hbm>> -> memref<400x128xf32, #tpu.memory_space<hbm>>
        tpu.enqueue_dma source(%dma_start3A_61 : memref<400x128xf32, #tpu.memory_space<hbm>>) target(%dma_start3A_58 : memref<400x128xf32, #tpu.memory_space<vmem_shared>>) target_semaphore(%run_scoped3A_55 : memref<!tpu.dma_semaphore, #tpu.memory_space<semaphore_mem>>)
        %dma_wait3A_62 = arith.constant 9600 : i32
        %dma_wait3A_63 = arith.constant 0 : i32
        %dma_wait3A_64 = tpu.memref_slice %arg10[%dma_wait3A_62, %dma_wait3A_63] : memref<10000x128xf32, #tpu.memory_space<vmem_shared>> -> memref<400x128xf32, #tpu.memory_space<vmem_shared>>
        %dma_wait3A_65 = arith.constant 9600 : i32
        %dma_wait3A_66 = arith.constant 0 : i32
        %dma_wait3A_67 = tpu.memref_slice %arg2[%dma_wait3A_65, %dma_wait3A_66] : memref<10000x128xf32, #tpu.memory_space<hbm>> -> memref<400x128xf32, #tpu.memory_space<hbm>>
        tpu.wait_dma2 semaphore(%run_scoped3A_55 : memref<!tpu.dma_semaphore, #tpu.memory_space<semaphore_mem>>) src(%dma_wait3A_67 : memref<400x128xf32, #tpu.memory_space<hbm>>) dst(%dma_wait3A_64 : memref<400x128xf32, #tpu.memory_space<vmem_shared>>)
        tpu.yield
      }) : () -> ()
    } else {
    }
    "tpu.region"() ({
      %run_scoped3A_55 = tpu.sem_alloc : memref<!tpu.dma_semaphore, #tpu.memory_space<semaphore_mem>>
      %dma_start3A_56 = arith.constant 0 : i32
      %dma_start3A_57 = arith.constant 0 : i32
      %dma_start3A_58 = tpu.memref_slice %arg4[%add3A, %dma_start3A_56, %dma_start3A_57] : memref<32x125x80xi32, #tpu.memory_space<hbm>> -> memref<1x125x80xi32, #tpu.memory_space<hbm>>
      %dma_start3A_59 = tpu.memref_squeeze %dma_start3A_58 : memref<1x125x80xi32, #tpu.memory_space<hbm>> -> memref<125x80xi32, #tpu.memory_space<hbm>>
      %dma_start3A_60 = arith.constant 0 : i32
      %dma_start3A_61 = arith.constant 0 : i32
      %dma_start3A_62 = tpu.memref_slice %arg4[%add3A, %dma_start3A_60, %dma_start3A_61] : memref<32x125x80xi32, #tpu.memory_space<hbm>> -> memref<1x125x80xi32, #tpu.memory_space<hbm>>
      %dma_start3A_63 = tpu.memref_squeeze %dma_start3A_62 : memref<1x125x80xi32, #tpu.memory_space<hbm>> -> memref<125x80xi32, #tpu.memory_space<hbm>>
      tpu.enqueue_dma source(%dma_start3A_63 : memref<125x80xi32, #tpu.memory_space<hbm>>) target(%arg7 : memref<125x80xi32, #tpu.memory_space<vmem>>) target_semaphore(%run_scoped3A_55 : memref<!tpu.dma_semaphore, #tpu.memory_space<semaphore_mem>>)
      %dma_wait3A_64 = arith.constant 0 : i32
      %dma_wait3A_65 = arith.constant 0 : i32
      %dma_wait3A_66 = tpu.memref_slice %arg4[%add3A, %dma_wait3A_64, %dma_wait3A_65] : memref<32x125x80xi32, #tpu.memory_space<hbm>> -> memref<1x125x80xi32, #tpu.memory_space<hbm>>
      %dma_wait3A_67 = tpu.memref_squeeze %dma_wait3A_66 : memref<1x125x80xi32, #tpu.memory_space<hbm>> -> memref<125x80xi32, #tpu.memory_space<hbm>>
      %dma_wait3A_68 = arith.constant 0 : i32
      %dma_wait3A_69 = arith.constant 0 : i32
      %dma_wait3A_70 = tpu.memref_slice %arg4[%add3A, %dma_wait3A_68, %dma_wait3A_69] : memref<32x125x80xi32, #tpu.memory_space<hbm>> -> memref<1x125x80xi32, #tpu.memory_space<hbm>>
      %dma_wait3A_71 = tpu.memref_squeeze %dma_wait3A_70 : memref<1x125x80xi32, #tpu.memory_space<hbm>> -> memref<125x80xi32, #tpu.memory_space<hbm>>
      tpu.wait_dma2 semaphore(%run_scoped3A_55 : memref<!tpu.dma_semaphore, #tpu.memory_space<semaphore_mem>>) src(%dma_wait3A_71 : memref<125x80xi32, #tpu.memory_space<hbm>>) dst(%arg7 : memref<125x80xi32, #tpu.memory_space<vmem>>)
      tpu.yield
    }) : () -> ()
    %barrier3A = arith.constant 0 : index
    tpu.barrier barrier_id(%barrier3A)
    %scan3A = arith.constant 0 : i32
    %scan3A_18 = arith.constant 0 : i32
    %scan3A_19 = arith.constant 61 : i32
    %scan3A_20 = arith.addi %scan3A_18, %scan3A_19 : i32
    %scan3A_21 = arith.constant 1 : i32
    scf.for %scan3A_55 = %scan3A_18 to %scan3A_20 step %scan3A_21  : i32 {
      %dma_wait3A_56 = arith.constant 0 : i32
      %dma_wait3A_57 = tpu.memref_slice %arg6[%dma_wait3A_56] : memref<10000xi32, #tpu.memory_space<vmem>> -> memref<80xi32, #tpu.memory_space<vmem>>
      %dma_wait3A_58 = arith.constant 0 : i32
      %dma_wait3A_59 = arith.constant 0 : i32
      %dma_wait3A_60 = tpu.memref_slice %arg2[%dma_wait3A_58, %dma_wait3A_59] : memref<10000x128xf32, #tpu.memory_space<hbm>> -> memref<10000x128xf32, #tpu.memory_space<hbm>>
      tpu.wait_indirect_dma semaphore(%arg11 : memref<!tpu.dma_semaphore, #tpu.memory_space<semaphore_mem>>) src(%dma_wait3A_60 : memref<10000x128xf32, #tpu.memory_space<hbm>>) dst(%arg8 : memref<80x128xf32, #tpu.memory_space<vmem>>)
      %mul3A_61 = arith.constant 2 : i32
      %mul3A_62 = arith.muli %mul3A_61, %scan3A_55 : i32
      "tpu.region"() ({
        %run_scoped3A_92 = tpu.sem_alloc : memref<!tpu.dma_semaphore, #tpu.memory_space<semaphore_mem>>
        %dma_start3A_93 = arith.constant 0 : i32
        %dma_start3A_94 = tpu.memref_slice %arg7[%mul3A_62, %dma_start3A_93] : memref<125x80xi32, #tpu.memory_space<vmem>> -> memref<1x80xi32, #tpu.memory_space<vmem>>
        %dma_start3A_95 = tpu.memref_squeeze %dma_start3A_94 : memref<1x80xi32, #tpu.memory_space<vmem>> -> memref<80xi32, #tpu.memory_space<vmem>>
        %dma_start3A_96 = arith.constant 0 : i32
        %dma_start3A_97 = arith.constant 0 : i32
        %dma_start3A_98 = tpu.memref_slice %arg10[%dma_start3A_96, %dma_start3A_97] : memref<10000x128xf32, #tpu.memory_space<vmem_shared>> -> memref<10000x128xf32, #tpu.memory_space<vmem_shared>>
        tpu.enqueue_indirect_dma source(%arg8 : memref<80x128xf32, #tpu.memory_space<vmem>>) target(%dma_start3A_98 : memref<10000x128xf32, #tpu.memory_space<vmem_shared>>) offsets(%dma_start3A_95 : memref<80xi32, #tpu.memory_space<vmem>>) semaphore(%run_scoped3A_92 : memref<!tpu.dma_semaphore, #tpu.memory_space<semaphore_mem>>) {add = true}
        %dma_wait3A_99 = arith.constant 0 : i32
        %dma_wait3A_100 = tpu.memref_slice %arg7[%mul3A_62, %dma_wait3A_99] : memref<125x80xi32, #tpu.memory_space<vmem>> -> memref<1x80xi32, #tpu.memory_space<vmem>>
        %dma_wait3A_101 = tpu.memref_squeeze %dma_wait3A_100 : memref<1x80xi32, #tpu.memory_space<vmem>> -> memref<80xi32, #tpu.memory_space<vmem>>
        %dma_wait3A_102 = arith.constant 0 : i32
        %dma_wait3A_103 = arith.constant 0 : i32
        %dma_wait3A_104 = tpu.memref_slice %arg10[%dma_wait3A_102, %dma_wait3A_103] : memref<10000x128xf32, #tpu.memory_space<vmem_shared>> -> memref<10000x128xf32, #tpu.memory_space<vmem_shared>>
        tpu.wait_indirect_dma semaphore(%run_scoped3A_92 : memref<!tpu.dma_semaphore, #tpu.memory_space<semaphore_mem>>) src(%arg8 : memref<80x128xf32, #tpu.memory_space<vmem>>) dst(%dma_wait3A_104 : memref<10000x128xf32, #tpu.memory_space<vmem_shared>>)
        tpu.yield
      }) : () -> ()
      %mul3A_63 = arith.constant 2 : i32
      %mul3A_64 = arith.muli %mul3A_63, %scan3A_55 : i32
      %add3A_65 = arith.constant 2 : i32
      %add3A_66 = arith.addi %mul3A_64, %add3A_65 : i32
      %mul3A_67 = arith.constant 80 : i32
      %mul3A_68 = arith.muli %add3A_66, %mul3A_67 : i32
      %dma_start3A_69 = tpu.memref_slice %arg6[%mul3A_68] : memref<10000xi32, #tpu.memory_space<vmem>> -> memref<80xi32, #tpu.memory_space<vmem>>
      %dma_start3A_70 = arith.constant 0 : i32
      %dma_start3A_71 = arith.constant 0 : i32
      %dma_start3A_72 = tpu.memref_slice %arg2[%dma_start3A_70, %dma_start3A_71] : memref<10000x128xf32, #tpu.memory_space<hbm>> -> memref<10000x128xf32, #tpu.memory_space<hbm>>
      tpu.enqueue_indirect_dma source(%dma_start3A_72 : memref<10000x128xf32, #tpu.memory_space<hbm>>) target(%arg8 : memref<80x128xf32, #tpu.memory_space<vmem>>) offsets(%dma_start3A_69 : memref<80xi32, #tpu.memory_space<vmem>>) semaphore(%arg11 : memref<!tpu.dma_semaphore, #tpu.memory_space<semaphore_mem>>)
      %dma_wait3A_73 = arith.constant 0 : i32
      %dma_wait3A_74 = tpu.memref_slice %arg6[%dma_wait3A_73] : memref<10000xi32, #tpu.memory_space<vmem>> -> memref<80xi32, #tpu.memory_space<vmem>>
      %dma_wait3A_75 = arith.constant 0 : i32
      %dma_wait3A_76 = arith.constant 0 : i32
      %dma_wait3A_77 = tpu.memref_slice %arg2[%dma_wait3A_75, %dma_wait3A_76] : memref<10000x128xf32, #tpu.memory_space<hbm>> -> memref<10000x128xf32, #tpu.memory_space<hbm>>
      tpu.wait_indirect_dma semaphore(%arg12 : memref<!tpu.dma_semaphore, #tpu.memory_space<semaphore_mem>>) src(%dma_wait3A_77 : memref<10000x128xf32, #tpu.memory_space<hbm>>) dst(%arg9 : memref<80x128xf32, #tpu.memory_space<vmem>>)
      %mul3A_78 = arith.constant 2 : i32
      %mul3A_79 = arith.muli %mul3A_78, %scan3A_55 : i32
      %add3A_80 = arith.constant 1 : i32
      %add3A_81 = arith.addi %mul3A_79, %add3A_80 : i32
      "tpu.region"() ({
        %run_scoped3A_92 = tpu.sem_alloc : memref<!tpu.dma_semaphore, #tpu.memory_space<semaphore_mem>>
        %dma_start3A_93 = arith.constant 0 : i32
        %dma_start3A_94 = tpu.memref_slice %arg7[%add3A_81, %dma_start3A_93] : memref<125x80xi32, #tpu.memory_space<vmem>> -> memref<1x80xi32, #tpu.memory_space<vmem>>
        %dma_start3A_95 = tpu.memref_squeeze %dma_start3A_94 : memref<1x80xi32, #tpu.memory_space<vmem>> -> memref<80xi32, #tpu.memory_space<vmem>>
        %dma_start3A_96 = arith.constant 0 : i32
        %dma_start3A_97 = arith.constant 0 : i32
        %dma_start3A_98 = tpu.memref_slice %arg10[%dma_start3A_96, %dma_start3A_97] : memref<10000x128xf32, #tpu.memory_space<vmem_shared>> -> memref<10000x128xf32, #tpu.memory_space<vmem_shared>>
        tpu.enqueue_indirect_dma source(%arg9 : memref<80x128xf32, #tpu.memory_space<vmem>>) target(%dma_start3A_98 : memref<10000x128xf32, #tpu.memory_space<vmem_shared>>) offsets(%dma_start3A_95 : memref<80xi32, #tpu.memory_space<vmem>>) semaphore(%run_scoped3A_92 : memref<!tpu.dma_semaphore, #tpu.memory_space<semaphore_mem>>) {add = true}
        %dma_wait3A_99 = arith.constant 0 : i32
        %dma_wait3A_100 = tpu.memref_slice %arg7[%add3A_81, %dma_wait3A_99] : memref<125x80xi32, #tpu.memory_space<vmem>> -> memref<1x80xi32, #tpu.memory_space<vmem>>
        %dma_wait3A_101 = tpu.memref_squeeze %dma_wait3A_100 : memref<1x80xi32, #tpu.memory_space<vmem>> -> memref<80xi32, #tpu.memory_space<vmem>>
        %dma_wait3A_102 = arith.constant 0 : i32
        %dma_wait3A_103 = arith.constant 0 : i32
        %dma_wait3A_104 = tpu.memref_slice %arg10[%dma_wait3A_102, %dma_wait3A_103] : memref<10000x128xf32, #tpu.memory_space<vmem_shared>> -> memref<10000x128xf32, #tpu.memory_space<vmem_shared>>
        tpu.wait_indirect_dma semaphore(%run_scoped3A_92 : memref<!tpu.dma_semaphore, #tpu.memory_space<semaphore_mem>>) src(%arg9 : memref<80x128xf32, #tpu.memory_space<vmem>>) dst(%dma_wait3A_104 : memref<10000x128xf32, #tpu.memory_space<vmem_shared>>)
        tpu.yield
      }) : () -> ()
      %mul3A_82 = arith.constant 2 : i32
      %mul3A_83 = arith.muli %mul3A_82, %scan3A_55 : i32
      %add3A_84 = arith.constant 3 : i32
      %add3A_85 = arith.addi %mul3A_83, %add3A_84 : i32
      %mul3A_86 = arith.constant 80 : i32
      %mul3A_87 = arith.muli %add3A_85, %mul3A_86 : i32
      %dma_start3A_88 = tpu.memref_slice %arg6[%mul3A_87] : memref<10000xi32, #tpu.memory_space<vmem>> -> memref<80xi32, #tpu.memory_space<vmem>>
      %dma_start3A_89 = arith.constant 0 : i32
      %dma_start3A_90 = arith.constant 0 : i32
      %dma_start3A_91 = tpu.memref_slice %arg2[%dma_start3A_89, %dma_start3A_90] : memref<10000x128xf32, #tpu.memory_space<hbm>> -> memref<10000x128xf32, #tpu.memory_space<hbm>>
      tpu.enqueue_indirect_dma source(%dma_start3A_91 : memref<10000x128xf32, #tpu.memory_space<hbm>>) target(%arg9 : memref<80x128xf32, #tpu.memory_space<vmem>>) offsets(%dma_start3A_88 : memref<80xi32, #tpu.memory_space<vmem>>) semaphore(%arg12 : memref<!tpu.dma_semaphore, #tpu.memory_space<semaphore_mem>>)
    }
    %scan3A_22 = arith.constant 61 : i32
    %dma_wait3A = arith.constant 0 : i32
    %dma_wait3A_23 = tpu.memref_slice %arg6[%dma_wait3A] : memref<10000xi32, #tpu.memory_space<vmem>> -> memref<80xi32, #tpu.memory_space<vmem>>
    %dma_wait3A_24 = arith.constant 0 : i32
    %dma_wait3A_25 = arith.constant 0 : i32
    %dma_wait3A_26 = tpu.memref_slice %arg2[%dma_wait3A_24, %dma_wait3A_25] : memref<10000x128xf32, #tpu.memory_space<hbm>> -> memref<10000x128xf32, #tpu.memory_space<hbm>>
    tpu.wait_indirect_dma semaphore(%arg11 : memref<!tpu.dma_semaphore, #tpu.memory_space<semaphore_mem>>) src(%dma_wait3A_26 : memref<10000x128xf32, #tpu.memory_space<hbm>>) dst(%arg8 : memref<80x128xf32, #tpu.memory_space<vmem>>)
    %run_scoped3A = arith.constant 122 : i32
    "tpu.region"() ({
      %run_scoped3A_55 = tpu.sem_alloc : memref<!tpu.dma_semaphore, #tpu.memory_space<semaphore_mem>>
      %dma_start3A_56 = arith.constant 0 : i32
      %dma_start3A_57 = tpu.memref_slice %arg7[%run_scoped3A, %dma_start3A_56] : memref<125x80xi32, #tpu.memory_space<vmem>> -> memref<1x80xi32, #tpu.memory_space<vmem>>
      %dma_start3A_58 = tpu.memref_squeeze %dma_start3A_57 : memref<1x80xi32, #tpu.memory_space<vmem>> -> memref<80xi32, #tpu.memory_space<vmem>>
      %dma_start3A_59 = arith.constant 0 : i32
      %dma_start3A_60 = arith.constant 0 : i32
      %dma_start3A_61 = tpu.memref_slice %arg10[%dma_start3A_59, %dma_start3A_60] : memref<10000x128xf32, #tpu.memory_space<vmem_shared>> -> memref<10000x128xf32, #tpu.memory_space<vmem_shared>>
      tpu.enqueue_indirect_dma source(%arg8 : memref<80x128xf32, #tpu.memory_space<vmem>>) target(%dma_start3A_61 : memref<10000x128xf32, #tpu.memory_space<vmem_shared>>) offsets(%dma_start3A_58 : memref<80xi32, #tpu.memory_space<vmem>>) semaphore(%run_scoped3A_55 : memref<!tpu.dma_semaphore, #tpu.memory_space<semaphore_mem>>) {add = true}
      %dma_wait3A_62 = arith.constant 0 : i32
      %dma_wait3A_63 = tpu.memref_slice %arg7[%run_scoped3A, %dma_wait3A_62] : memref<125x80xi32, #tpu.memory_space<vmem>> -> memref<1x80xi32, #tpu.memory_space<vmem>>
      %dma_wait3A_64 = tpu.memref_squeeze %dma_wait3A_63 : memref<1x80xi32, #tpu.memory_space<vmem>> -> memref<80xi32, #tpu.memory_space<vmem>>
      %dma_wait3A_65 = arith.constant 0 : i32
      %dma_wait3A_66 = arith.constant 0 : i32
      %dma_wait3A_67 = tpu.memref_slice %arg10[%dma_wait3A_65, %dma_wait3A_66] : memref<10000x128xf32, #tpu.memory_space<vmem_shared>> -> memref<10000x128xf32, #tpu.memory_space<vmem_shared>>
      tpu.wait_indirect_dma semaphore(%run_scoped3A_55 : memref<!tpu.dma_semaphore, #tpu.memory_space<semaphore_mem>>) src(%arg8 : memref<80x128xf32, #tpu.memory_space<vmem>>) dst(%dma_wait3A_67 : memref<10000x128xf32, #tpu.memory_space<vmem_shared>>)
      tpu.yield
    }) : () -> ()
    %dma_start3A_27 = arith.constant 9920 : i32
    %dma_start3A_28 = tpu.memref_slice %arg6[%dma_start3A_27] : memref<10000xi32, #tpu.memory_space<vmem>> -> memref<80xi32, #tpu.memory_space<vmem>>
    %dma_start3A_29 = arith.constant 0 : i32
    %dma_start3A_30 = arith.constant 0 : i32
    %dma_start3A_31 = tpu.memref_slice %arg2[%dma_start3A_29, %dma_start3A_30] : memref<10000x128xf32, #tpu.memory_space<hbm>> -> memref<10000x128xf32, #tpu.memory_space<hbm>>
    tpu.enqueue_indirect_dma source(%dma_start3A_31 : memref<10000x128xf32, #tpu.memory_space<hbm>>) target(%arg8 : memref<80x128xf32, #tpu.memory_space<vmem>>) offsets(%dma_start3A_28 : memref<80xi32, #tpu.memory_space<vmem>>) semaphore(%arg11 : memref<!tpu.dma_semaphore, #tpu.memory_space<semaphore_mem>>)
    %dma_wait3A_32 = arith.constant 0 : i32
    %dma_wait3A_33 = tpu.memref_slice %arg6[%dma_wait3A_32] : memref<10000xi32, #tpu.memory_space<vmem>> -> memref<80xi32, #tpu.memory_space<vmem>>
    %dma_wait3A_34 = arith.constant 0 : i32
    %dma_wait3A_35 = arith.constant 0 : i32
    %dma_wait3A_36 = tpu.memref_slice %arg2[%dma_wait3A_34, %dma_wait3A_35] : memref<10000x128xf32, #tpu.memory_space<hbm>> -> memref<10000x128xf32, #tpu.memory_space<hbm>>
    tpu.wait_indirect_dma semaphore(%arg12 : memref<!tpu.dma_semaphore, #tpu.memory_space<semaphore_mem>>) src(%dma_wait3A_36 : memref<10000x128xf32, #tpu.memory_space<hbm>>) dst(%arg9 : memref<80x128xf32, #tpu.memory_space<vmem>>)
    %run_scoped3A_37 = arith.constant 123 : i32
    "tpu.region"() ({
      %run_scoped3A_55 = tpu.sem_alloc : memref<!tpu.dma_semaphore, #tpu.memory_space<semaphore_mem>>
      %dma_start3A_56 = arith.constant 0 : i32
      %dma_start3A_57 = tpu.memref_slice %arg7[%run_scoped3A_37, %dma_start3A_56] : memref<125x80xi32, #tpu.memory_space<vmem>> -> memref<1x80xi32, #tpu.memory_space<vmem>>
      %dma_start3A_58 = tpu.memref_squeeze %dma_start3A_57 : memref<1x80xi32, #tpu.memory_space<vmem>> -> memref<80xi32, #tpu.memory_space<vmem>>
      %dma_start3A_59 = arith.constant 0 : i32
      %dma_start3A_60 = arith.constant 0 : i32
      %dma_start3A_61 = tpu.memref_slice %arg10[%dma_start3A_59, %dma_start3A_60] : memref<10000x128xf32, #tpu.memory_space<vmem_shared>> -> memref<10000x128xf32, #tpu.memory_space<vmem_shared>>
      tpu.enqueue_indirect_dma source(%arg9 : memref<80x128xf32, #tpu.memory_space<vmem>>) target(%dma_start3A_61 : memref<10000x128xf32, #tpu.memory_space<vmem_shared>>) offsets(%dma_start3A_58 : memref<80xi32, #tpu.memory_space<vmem>>) semaphore(%run_scoped3A_55 : memref<!tpu.dma_semaphore, #tpu.memory_space<semaphore_mem>>) {add = true}
      %dma_wait3A_62 = arith.constant 0 : i32
      %dma_wait3A_63 = tpu.memref_slice %arg7[%run_scoped3A_37, %dma_wait3A_62] : memref<125x80xi32, #tpu.memory_space<vmem>> -> memref<1x80xi32, #tpu.memory_space<vmem>>
      %dma_wait3A_64 = tpu.memref_squeeze %dma_wait3A_63 : memref<1x80xi32, #tpu.memory_space<vmem>> -> memref<80xi32, #tpu.memory_space<vmem>>
      %dma_wait3A_65 = arith.constant 0 : i32
      %dma_wait3A_66 = arith.constant 0 : i32
      %dma_wait3A_67 = tpu.memref_slice %arg10[%dma_wait3A_65, %dma_wait3A_66] : memref<10000x128xf32, #tpu.memory_space<vmem_shared>> -> memref<10000x128xf32, #tpu.memory_space<vmem_shared>>
      tpu.wait_indirect_dma semaphore(%run_scoped3A_55 : memref<!tpu.dma_semaphore, #tpu.memory_space<semaphore_mem>>) src(%arg9 : memref<80x128xf32, #tpu.memory_space<vmem>>) dst(%dma_wait3A_67 : memref<10000x128xf32, #tpu.memory_space<vmem_shared>>)
      tpu.yield
    }) : () -> ()
    %dma_wait3A_38 = arith.constant 0 : i32
    %dma_wait3A_39 = tpu.memref_slice %arg6[%dma_wait3A_38] : memref<10000xi32, #tpu.memory_space<vmem>> -> memref<80xi32, #tpu.memory_space<vmem>>
    %dma_wait3A_40 = arith.constant 0 : i32
    %dma_wait3A_41 = arith.constant 0 : i32
    %dma_wait3A_42 = tpu.memref_slice %arg2[%dma_wait3A_40, %dma_wait3A_41] : memref<10000x128xf32, #tpu.memory_space<hbm>> -> memref<10000x128xf32, #tpu.memory_space<hbm>>
    tpu.wait_indirect_dma semaphore(%arg11 : memref<!tpu.dma_semaphore, #tpu.memory_space<semaphore_mem>>) src(%dma_wait3A_42 : memref<10000x128xf32, #tpu.memory_space<hbm>>) dst(%arg8 : memref<80x128xf32, #tpu.memory_space<vmem>>)
    %run_scoped3A_43 = arith.constant 124 : i32
    "tpu.region"() ({
      %run_scoped3A_55 = tpu.sem_alloc : memref<!tpu.dma_semaphore, #tpu.memory_space<semaphore_mem>>
      %dma_start3A_56 = arith.constant 0 : i32
      %dma_start3A_57 = tpu.memref_slice %arg7[%run_scoped3A_43, %dma_start3A_56] : memref<125x80xi32, #tpu.memory_space<vmem>> -> memref<1x80xi32, #tpu.memory_space<vmem>>
      %dma_start3A_58 = tpu.memref_squeeze %dma_start3A_57 : memref<1x80xi32, #tpu.memory_space<vmem>> -> memref<80xi32, #tpu.memory_space<vmem>>
      %dma_start3A_59 = arith.constant 0 : i32
      %dma_start3A_60 = arith.constant 0 : i32
      %dma_start3A_61 = tpu.memref_slice %arg10[%dma_start3A_59, %dma_start3A_60] : memref<10000x128xf32, #tpu.memory_space<vmem_shared>> -> memref<10000x128xf32, #tpu.memory_space<vmem_shared>>
      tpu.enqueue_indirect_dma source(%arg8 : memref<80x128xf32, #tpu.memory_space<vmem>>) target(%dma_start3A_61 : memref<10000x128xf32, #tpu.memory_space<vmem_shared>>) offsets(%dma_start3A_58 : memref<80xi32, #tpu.memory_space<vmem>>) semaphore(%run_scoped3A_55 : memref<!tpu.dma_semaphore, #tpu.memory_space<semaphore_mem>>) {add = true}
      %dma_wait3A_62 = arith.constant 0 : i32
      %dma_wait3A_63 = tpu.memref_slice %arg7[%run_scoped3A_43, %dma_wait3A_62] : memref<125x80xi32, #tpu.memory_space<vmem>> -> memref<1x80xi32, #tpu.memory_space<vmem>>
      %dma_wait3A_64 = tpu.memref_squeeze %dma_wait3A_63 : memref<1x80xi32, #tpu.memory_space<vmem>> -> memref<80xi32, #tpu.memory_space<vmem>>
      %dma_wait3A_65 = arith.constant 0 : i32
      %dma_wait3A_66 = arith.constant 0 : i32
      %dma_wait3A_67 = tpu.memref_slice %arg10[%dma_wait3A_65, %dma_wait3A_66] : memref<10000x128xf32, #tpu.memory_space<vmem_shared>> -> memref<10000x128xf32, #tpu.memory_space<vmem_shared>>
      tpu.wait_indirect_dma semaphore(%run_scoped3A_55 : memref<!tpu.dma_semaphore, #tpu.memory_space<semaphore_mem>>) src(%arg8 : memref<80x128xf32, #tpu.memory_space<vmem>>) dst(%dma_wait3A_67 : memref<10000x128xf32, #tpu.memory_space<vmem_shared>>)
      tpu.yield
    }) : () -> ()
    %barrier3A_44 = arith.constant 0 : index
    tpu.barrier barrier_id(%barrier3A_44)
    %lt3A_45 = arith.constant 15 : i32
    %lt3A_46 = arith.cmpi slt, %arg1, %lt3A_45 : i32
    %convert_element_type3A_47 = arith.extui %lt3A_46 : i1 to i32
    %cond3A_48 = arith.constant 0 : i32
    %cond3A_49 = arith.cmpi ne, %convert_element_type3A_47, %cond3A_48 : i32
    scf.if %cond3A_49 {
      %mul3A_55 = arith.constant 640 : i32
      %mul3A_56 = arith.muli %arg1, %mul3A_55 : i32
      %mul3A_57 = arith.constant 640 : i32
      %mul3A_58 = arith.muli %arg1, %mul3A_57 : i32
      "tpu.region"() ({
        %run_scoped3A_59 = tpu.sem_alloc : memref<!tpu.dma_semaphore, #tpu.memory_space<semaphore_mem>>
        %dma_start3A_60 = arith.constant 0 : i32
        %dma_start3A_61 = tpu.memref_slice %arg5[%arg0, %mul3A_58, %dma_start3A_60] : memref<2x10000x128xf32, #tpu.memory_space<hbm>> -> memref<1x640x128xf32, #tpu.memory_space<hbm>>
        %dma_start3A_62 = tpu.memref_squeeze %dma_start3A_61 : memref<1x640x128xf32, #tpu.memory_space<hbm>> -> memref<640x128xf32, #tpu.memory_space<hbm>>
        %dma_start3A_63 = arith.constant 0 : i32
        %dma_start3A_64 = tpu.memref_slice %arg10[%mul3A_56, %dma_start3A_63] : memref<10000x128xf32, #tpu.memory_space<vmem_shared>> -> memref<640x128xf32, #tpu.memory_space<vmem_shared>>
        tpu.enqueue_dma source(%dma_start3A_64 : memref<640x128xf32, #tpu.memory_space<vmem_shared>>) target(%dma_start3A_62 : memref<640x128xf32, #tpu.memory_space<hbm>>) target_semaphore(%run_scoped3A_59 : memref<!tpu.dma_semaphore, #tpu.memory_space<semaphore_mem>>)
        %dma_wait3A_65 = arith.constant 0 : i32
        %dma_wait3A_66 = tpu.memref_slice %arg5[%arg0, %mul3A_58, %dma_wait3A_65] : memref<2x10000x128xf32, #tpu.memory_space<hbm>> -> memref<1x640x128xf32, #tpu.memory_space<hbm>>
        %dma_wait3A_67 = tpu.memref_squeeze %dma_wait3A_66 : memref<1x640x128xf32, #tpu.memory_space<hbm>> -> memref<640x128xf32, #tpu.memory_space<hbm>>
        %dma_wait3A_68 = arith.constant 0 : i32
        %dma_wait3A_69 = tpu.memref_slice %arg10[%mul3A_56, %dma_wait3A_68] : memref<10000x128xf32, #tpu.memory_space<vmem_shared>> -> memref<640x128xf32, #tpu.memory_space<vmem_shared>>
        tpu.wait_dma2 semaphore(%run_scoped3A_59 : memref<!tpu.dma_semaphore, #tpu.memory_space<semaphore_mem>>) src(%dma_wait3A_69 : memref<640x128xf32, #tpu.memory_space<vmem_shared>>) dst(%dma_wait3A_67 : memref<640x128xf32, #tpu.memory_space<hbm>>)
        tpu.yield
      }) : () -> ()
    } else {
    }
    %eq3A_50 = arith.constant 15 : i32
    %eq3A_51 = arith.cmpi eq, %arg1, %eq3A_50 : i32
    %convert_element_type3A_52 = arith.extui %eq3A_51 : i1 to i32
    %cond3A_53 = arith.constant 0 : i32
    %cond3A_54 = arith.cmpi ne, %convert_element_type3A_52, %cond3A_53 : i32
    scf.if %cond3A_54 {
      "tpu.region"() ({
        %run_scoped3A_55 = tpu.sem_alloc : memref<!tpu.dma_semaphore, #tpu.memory_space<semaphore_mem>>
        %dma_start3A_56 = arith.constant 9600 : i32
        %dma_start3A_57 = arith.constant 0 : i32
        %dma_start3A_58 = tpu.memref_slice %arg5[%arg0, %dma_start3A_56, %dma_start3A_57] : memref<2x10000x128xf32, #tpu.memory_space<hbm>> -> memref<1x400x128xf32, #tpu.memory_space<hbm>>
        %dma_start3A_59 = tpu.memref_squeeze %dma_start3A_58 : memref<1x400x128xf32, #tpu.memory_space<hbm>> -> memref<400x128xf32, #tpu.memory_space<hbm>>
        %dma_start3A_60 = arith.constant 9600 : i32
        %dma_start3A_61 = arith.constant 0 : i32
        %dma_start3A_62 = tpu.memref_slice %arg10[%dma_start3A_60, %dma_start3A_61] : memref<10000x128xf32, #tpu.memory_space<vmem_shared>> -> memref<400x128xf32, #tpu.memory_space<vmem_shared>>
        tpu.enqueue_dma source(%dma_start3A_62 : memref<400x128xf32, #tpu.memory_space<vmem_shared>>) target(%dma_start3A_59 : memref<400x128xf32, #tpu.memory_space<hbm>>) target_semaphore(%run_scoped3A_55 : memref<!tpu.dma_semaphore, #tpu.memory_space<semaphore_mem>>)
        %dma_wait3A_63 = arith.constant 9600 : i32
        %dma_wait3A_64 = arith.constant 0 : i32
        %dma_wait3A_65 = tpu.memref_slice %arg5[%arg0, %dma_wait3A_63, %dma_wait3A_64] : memref<2x10000x128xf32, #tpu.memory_space<hbm>> -> memref<1x400x128xf32, #tpu.memory_space<hbm>>
        %dma_wait3A_66 = tpu.memref_squeeze %dma_wait3A_65 : memref<1x400x128xf32, #tpu.memory_space<hbm>> -> memref<400x128xf32, #tpu.memory_space<hbm>>
        %dma_wait3A_67 = arith.constant 9600 : i32
        %dma_wait3A_68 = arith.constant 0 : i32
        %dma_wait3A_69 = tpu.memref_slice %arg10[%dma_wait3A_67, %dma_wait3A_68] : memref<10000x128xf32, #tpu.memory_space<vmem_shared>> -> memref<400x128xf32, #tpu.memory_space<vmem_shared>>
        tpu.wait_dma2 semaphore(%run_scoped3A_55 : memref<!tpu.dma_semaphore, #tpu.memory_space<semaphore_mem>>) src(%dma_wait3A_69 : memref<400x128xf32, #tpu.memory_space<vmem_shared>>) dst(%dma_wait3A_66 : memref<400x128xf32, #tpu.memory_space<hbm>>)
        tpu.yield
      }) : () -> ()
    } else {
    }
    return
  }
}

#map = affine_map<(d0, d1) -> (0, 0, 0)>
#map1 = affine_map<(d0, d1) -> (0, 0)>
module attributes {stable_mosaic.version = 14 : i64} {
  func.func @_deg_kernel(%arg0: i32, %arg1: i32, %arg2: memref<32x125x80xi32, #tpu.memory_space<hbm>>, %arg3: memref<10000x16xf32, #tpu.memory_space<hbm>>, %arg4: memref<80x16xf32, #tpu.memory_space<hbm>>, %arg5: memref<2x10000x16xf32, #tpu.memory_space<hbm>>, %arg6: memref<125x80xi32, #tpu.memory_space<vmem>>, %arg7: memref<80x16xf32, #tpu.memory_space<vmem>>, %arg8: memref<10000x16xf32, #tpu.memory_space<vmem_shared>>, %arg9: memref<!tpu.dma_semaphore, #tpu.memory_space<semaphore_mem>>) attributes {dimension_semantics = [#tpu.dimension_semantics<core_parallel>, #tpu.dimension_semantics<subcore_parallel>], iteration_bounds = array<i64: 2, 16>, scalar_prefetch = 0 : i64, scratch_operands = 4 : i64, tpu.core_type = #tpu.core_type<sc_vector_subcore>, window_params = [{transform_indices = #map}, {transform_indices = #map1}, {transform_indices = #map1}, {transform_indices = #map}]} {
    %mul3A = arith.constant 16 : i32
    %mul3A_0 = arith.muli %arg0, %mul3A : i32
    %add3A = arith.addi %mul3A_0, %arg1 : i32
    %lt3A = arith.constant 15 : i32
    %lt3A_1 = arith.cmpi slt, %arg1, %lt3A : i32
    %convert_element_type3A = arith.extui %lt3A_1 : i1 to i32
    %cond3A = arith.constant 0 : i32
    %cond3A_2 = arith.cmpi ne, %convert_element_type3A, %cond3A : i32
    scf.if %cond3A_2 {
      %mul3A_23 = arith.constant 640 : i32
      %mul3A_24 = arith.muli %arg1, %mul3A_23 : i32
      %mul3A_25 = arith.constant 640 : i32
      %mul3A_26 = arith.muli %arg1, %mul3A_25 : i32
      "tpu.region"() ({
        %run_scoped3A = tpu.sem_alloc : memref<!tpu.dma_semaphore, #tpu.memory_space<semaphore_mem>>
        %dma_start3A = arith.constant 0 : i32
        %dma_start3A_27 = tpu.memref_slice %arg8[%mul3A_26, %dma_start3A] : memref<10000x16xf32, #tpu.memory_space<vmem_shared>> -> memref<640x16xf32, #tpu.memory_space<vmem_shared>>
        %dma_start3A_28 = arith.constant 0 : i32
        %dma_start3A_29 = tpu.memref_slice %arg3[%mul3A_24, %dma_start3A_28] : memref<10000x16xf32, #tpu.memory_space<hbm>> -> memref<640x16xf32, #tpu.memory_space<hbm>>
        tpu.enqueue_dma source(%dma_start3A_29 : memref<640x16xf32, #tpu.memory_space<hbm>>) target(%dma_start3A_27 : memref<640x16xf32, #tpu.memory_space<vmem_shared>>) target_semaphore(%run_scoped3A : memref<!tpu.dma_semaphore, #tpu.memory_space<semaphore_mem>>)
        %dma_wait3A = arith.constant 0 : i32
        %dma_wait3A_30 = tpu.memref_slice %arg8[%mul3A_26, %dma_wait3A] : memref<10000x16xf32, #tpu.memory_space<vmem_shared>> -> memref<640x16xf32, #tpu.memory_space<vmem_shared>>
        %dma_wait3A_31 = arith.constant 0 : i32
        %dma_wait3A_32 = tpu.memref_slice %arg3[%mul3A_24, %dma_wait3A_31] : memref<10000x16xf32, #tpu.memory_space<hbm>> -> memref<640x16xf32, #tpu.memory_space<hbm>>
        tpu.wait_dma2 semaphore(%run_scoped3A : memref<!tpu.dma_semaphore, #tpu.memory_space<semaphore_mem>>) src(%dma_wait3A_32 : memref<640x16xf32, #tpu.memory_space<hbm>>) dst(%dma_wait3A_30 : memref<640x16xf32, #tpu.memory_space<vmem_shared>>)
        tpu.yield
      }) : () -> ()
    } else {
    }
    %eq3A = arith.constant 15 : i32
    %eq3A_3 = arith.cmpi eq, %arg1, %eq3A : i32
    %convert_element_type3A_4 = arith.extui %eq3A_3 : i1 to i32
    %cond3A_5 = arith.constant 0 : i32
    %cond3A_6 = arith.cmpi ne, %convert_element_type3A_4, %cond3A_5 : i32
    scf.if %cond3A_6 {
      "tpu.region"() ({
        %run_scoped3A = tpu.sem_alloc : memref<!tpu.dma_semaphore, #tpu.memory_space<semaphore_mem>>
        %dma_start3A = arith.constant 9600 : i32
        %dma_start3A_23 = arith.constant 0 : i32
        %dma_start3A_24 = tpu.memref_slice %arg8[%dma_start3A, %dma_start3A_23] : memref<10000x16xf32, #tpu.memory_space<vmem_shared>> -> memref<400x16xf32, #tpu.memory_space<vmem_shared>>
        %dma_start3A_25 = arith.constant 9600 : i32
        %dma_start3A_26 = arith.constant 0 : i32
        %dma_start3A_27 = tpu.memref_slice %arg3[%dma_start3A_25, %dma_start3A_26] : memref<10000x16xf32, #tpu.memory_space<hbm>> -> memref<400x16xf32, #tpu.memory_space<hbm>>
        tpu.enqueue_dma source(%dma_start3A_27 : memref<400x16xf32, #tpu.memory_space<hbm>>) target(%dma_start3A_24 : memref<400x16xf32, #tpu.memory_space<vmem_shared>>) target_semaphore(%run_scoped3A : memref<!tpu.dma_semaphore, #tpu.memory_space<semaphore_mem>>)
        %dma_wait3A = arith.constant 9600 : i32
        %dma_wait3A_28 = arith.constant 0 : i32
        %dma_wait3A_29 = tpu.memref_slice %arg8[%dma_wait3A, %dma_wait3A_28] : memref<10000x16xf32, #tpu.memory_space<vmem_shared>> -> memref<400x16xf32, #tpu.memory_space<vmem_shared>>
        %dma_wait3A_30 = arith.constant 9600 : i32
        %dma_wait3A_31 = arith.constant 0 : i32
        %dma_wait3A_32 = tpu.memref_slice %arg3[%dma_wait3A_30, %dma_wait3A_31] : memref<10000x16xf32, #tpu.memory_space<hbm>> -> memref<400x16xf32, #tpu.memory_space<hbm>>
        tpu.wait_dma2 semaphore(%run_scoped3A : memref<!tpu.dma_semaphore, #tpu.memory_space<semaphore_mem>>) src(%dma_wait3A_32 : memref<400x16xf32, #tpu.memory_space<hbm>>) dst(%dma_wait3A_29 : memref<400x16xf32, #tpu.memory_space<vmem_shared>>)
        tpu.yield
      }) : () -> ()
    } else {
    }
    "tpu.region"() ({
      %run_scoped3A = tpu.sem_alloc : memref<!tpu.dma_semaphore, #tpu.memory_space<semaphore_mem>>
      tpu.enqueue_dma source(%arg4 : memref<80x16xf32, #tpu.memory_space<hbm>>) target(%arg7 : memref<80x16xf32, #tpu.memory_space<vmem>>) target_semaphore(%run_scoped3A : memref<!tpu.dma_semaphore, #tpu.memory_space<semaphore_mem>>)
      tpu.wait_dma2 semaphore(%run_scoped3A : memref<!tpu.dma_semaphore, #tpu.memory_space<semaphore_mem>>) src(%arg4 : memref<80x16xf32, #tpu.memory_space<hbm>>) dst(%arg7 : memref<80x16xf32, #tpu.memory_space<vmem>>)
      tpu.yield
    }) : () -> ()
    "tpu.region"() ({
      %run_scoped3A = tpu.sem_alloc : memref<!tpu.dma_semaphore, #tpu.memory_space<semaphore_mem>>
      %dma_start3A = arith.constant 0 : i32
      %dma_start3A_23 = arith.constant 0 : i32
      %dma_start3A_24 = tpu.memref_slice %arg2[%add3A, %dma_start3A, %dma_start3A_23] : memref<32x125x80xi32, #tpu.memory_space<hbm>> -> memref<1x125x80xi32, #tpu.memory_space<hbm>>
      %dma_start3A_25 = tpu.memref_squeeze %dma_start3A_24 : memref<1x125x80xi32, #tpu.memory_space<hbm>> -> memref<125x80xi32, #tpu.memory_space<hbm>>
      %dma_start3A_26 = arith.constant 0 : i32
      %dma_start3A_27 = arith.constant 0 : i32
      %dma_start3A_28 = tpu.memref_slice %arg2[%add3A, %dma_start3A_26, %dma_start3A_27] : memref<32x125x80xi32, #tpu.memory_space<hbm>> -> memref<1x125x80xi32, #tpu.memory_space<hbm>>
      %dma_start3A_29 = tpu.memref_squeeze %dma_start3A_28 : memref<1x125x80xi32, #tpu.memory_space<hbm>> -> memref<125x80xi32, #tpu.memory_space<hbm>>
      tpu.enqueue_dma source(%dma_start3A_29 : memref<125x80xi32, #tpu.memory_space<hbm>>) target(%arg6 : memref<125x80xi32, #tpu.memory_space<vmem>>) target_semaphore(%run_scoped3A : memref<!tpu.dma_semaphore, #tpu.memory_space<semaphore_mem>>)
      %dma_wait3A = arith.constant 0 : i32
      %dma_wait3A_30 = arith.constant 0 : i32
      %dma_wait3A_31 = tpu.memref_slice %arg2[%add3A, %dma_wait3A, %dma_wait3A_30] : memref<32x125x80xi32, #tpu.memory_space<hbm>> -> memref<1x125x80xi32, #tpu.memory_space<hbm>>
      %dma_wait3A_32 = tpu.memref_squeeze %dma_wait3A_31 : memref<1x125x80xi32, #tpu.memory_space<hbm>> -> memref<125x80xi32, #tpu.memory_space<hbm>>
      %dma_wait3A_33 = arith.constant 0 : i32
      %dma_wait3A_34 = arith.constant 0 : i32
      %dma_wait3A_35 = tpu.memref_slice %arg2[%add3A, %dma_wait3A_33, %dma_wait3A_34] : memref<32x125x80xi32, #tpu.memory_space<hbm>> -> memref<1x125x80xi32, #tpu.memory_space<hbm>>
      %dma_wait3A_36 = tpu.memref_squeeze %dma_wait3A_35 : memref<1x125x80xi32, #tpu.memory_space<hbm>> -> memref<125x80xi32, #tpu.memory_space<hbm>>
      tpu.wait_dma2 semaphore(%run_scoped3A : memref<!tpu.dma_semaphore, #tpu.memory_space<semaphore_mem>>) src(%dma_wait3A_36 : memref<125x80xi32, #tpu.memory_space<hbm>>) dst(%arg6 : memref<125x80xi32, #tpu.memory_space<vmem>>)
      tpu.yield
    }) : () -> ()
    %barrier3A = arith.constant 0 : index
    tpu.barrier barrier_id(%barrier3A)
    %scan3A = arith.constant 0 : i32
    %scan3A_7 = arith.constant 0 : i32
    %scan3A_8 = arith.constant 25 : i32
    %scan3A_9 = arith.addi %scan3A_7, %scan3A_8 : i32
    %scan3A_10 = arith.constant 1 : i32
    scf.for %scan3A_23 = %scan3A_7 to %scan3A_9 step %scan3A_10  : i32 {
      %mul3A_24 = arith.constant 5 : i32
      %mul3A_25 = arith.muli %mul3A_24, %scan3A_23 : i32
      %add3A_26 = arith.constant 0 : i32
      %add3A_27 = arith.addi %mul3A_25, %add3A_26 : i32
      %dma_start3A = arith.constant 0 : i32
      %dma_start3A_28 = tpu.memref_slice %arg6[%add3A_27, %dma_start3A] : memref<125x80xi32, #tpu.memory_space<vmem>> -> memref<1x80xi32, #tpu.memory_space<vmem>>
      %dma_start3A_29 = tpu.memref_squeeze %dma_start3A_28 : memref<1x80xi32, #tpu.memory_space<vmem>> -> memref<80xi32, #tpu.memory_space<vmem>>
      %dma_start3A_30 = arith.constant 0 : i32
      %dma_start3A_31 = arith.constant 0 : i32
      %dma_start3A_32 = tpu.memref_slice %arg8[%dma_start3A_30, %dma_start3A_31] : memref<10000x16xf32, #tpu.memory_space<vmem_shared>> -> memref<10000x16xf32, #tpu.memory_space<vmem_shared>>
      tpu.enqueue_indirect_dma source(%arg7 : memref<80x16xf32, #tpu.memory_space<vmem>>) target(%dma_start3A_32 : memref<10000x16xf32, #tpu.memory_space<vmem_shared>>) offsets(%dma_start3A_29 : memref<80xi32, #tpu.memory_space<vmem>>) semaphore(%arg9 : memref<!tpu.dma_semaphore, #tpu.memory_space<semaphore_mem>>) {add = true}
      %mul3A_33 = arith.constant 5 : i32
      %mul3A_34 = arith.muli %mul3A_33, %scan3A_23 : i32
      %add3A_35 = arith.constant 1 : i32
      %add3A_36 = arith.addi %mul3A_34, %add3A_35 : i32
      %dma_start3A_37 = arith.constant 0 : i32
      %dma_start3A_38 = tpu.memref_slice %arg6[%add3A_36, %dma_start3A_37] : memref<125x80xi32, #tpu.memory_space<vmem>> -> memref<1x80xi32, #tpu.memory_space<vmem>>
      %dma_start3A_39 = tpu.memref_squeeze %dma_start3A_38 : memref<1x80xi32, #tpu.memory_space<vmem>> -> memref<80xi32, #tpu.memory_space<vmem>>
      %dma_start3A_40 = arith.constant 0 : i32
      %dma_start3A_41 = arith.constant 0 : i32
      %dma_start3A_42 = tpu.memref_slice %arg8[%dma_start3A_40, %dma_start3A_41] : memref<10000x16xf32, #tpu.memory_space<vmem_shared>> -> memref<10000x16xf32, #tpu.memory_space<vmem_shared>>
      tpu.enqueue_indirect_dma source(%arg7 : memref<80x16xf32, #tpu.memory_space<vmem>>) target(%dma_start3A_42 : memref<10000x16xf32, #tpu.memory_space<vmem_shared>>) offsets(%dma_start3A_39 : memref<80xi32, #tpu.memory_space<vmem>>) semaphore(%arg9 : memref<!tpu.dma_semaphore, #tpu.memory_space<semaphore_mem>>) {add = true}
      %mul3A_43 = arith.constant 5 : i32
      %mul3A_44 = arith.muli %mul3A_43, %scan3A_23 : i32
      %add3A_45 = arith.constant 2 : i32
      %add3A_46 = arith.addi %mul3A_44, %add3A_45 : i32
      %dma_start3A_47 = arith.constant 0 : i32
      %dma_start3A_48 = tpu.memref_slice %arg6[%add3A_46, %dma_start3A_47] : memref<125x80xi32, #tpu.memory_space<vmem>> -> memref<1x80xi32, #tpu.memory_space<vmem>>
      %dma_start3A_49 = tpu.memref_squeeze %dma_start3A_48 : memref<1x80xi32, #tpu.memory_space<vmem>> -> memref<80xi32, #tpu.memory_space<vmem>>
      %dma_start3A_50 = arith.constant 0 : i32
      %dma_start3A_51 = arith.constant 0 : i32
      %dma_start3A_52 = tpu.memref_slice %arg8[%dma_start3A_50, %dma_start3A_51] : memref<10000x16xf32, #tpu.memory_space<vmem_shared>> -> memref<10000x16xf32, #tpu.memory_space<vmem_shared>>
      tpu.enqueue_indirect_dma source(%arg7 : memref<80x16xf32, #tpu.memory_space<vmem>>) target(%dma_start3A_52 : memref<10000x16xf32, #tpu.memory_space<vmem_shared>>) offsets(%dma_start3A_49 : memref<80xi32, #tpu.memory_space<vmem>>) semaphore(%arg9 : memref<!tpu.dma_semaphore, #tpu.memory_space<semaphore_mem>>) {add = true}
      %mul3A_53 = arith.constant 5 : i32
      %mul3A_54 = arith.muli %mul3A_53, %scan3A_23 : i32
      %add3A_55 = arith.constant 3 : i32
      %add3A_56 = arith.addi %mul3A_54, %add3A_55 : i32
      %dma_start3A_57 = arith.constant 0 : i32
      %dma_start3A_58 = tpu.memref_slice %arg6[%add3A_56, %dma_start3A_57] : memref<125x80xi32, #tpu.memory_space<vmem>> -> memref<1x80xi32, #tpu.memory_space<vmem>>
      %dma_start3A_59 = tpu.memref_squeeze %dma_start3A_58 : memref<1x80xi32, #tpu.memory_space<vmem>> -> memref<80xi32, #tpu.memory_space<vmem>>
      %dma_start3A_60 = arith.constant 0 : i32
      %dma_start3A_61 = arith.constant 0 : i32
      %dma_start3A_62 = tpu.memref_slice %arg8[%dma_start3A_60, %dma_start3A_61] : memref<10000x16xf32, #tpu.memory_space<vmem_shared>> -> memref<10000x16xf32, #tpu.memory_space<vmem_shared>>
      tpu.enqueue_indirect_dma source(%arg7 : memref<80x16xf32, #tpu.memory_space<vmem>>) target(%dma_start3A_62 : memref<10000x16xf32, #tpu.memory_space<vmem_shared>>) offsets(%dma_start3A_59 : memref<80xi32, #tpu.memory_space<vmem>>) semaphore(%arg9 : memref<!tpu.dma_semaphore, #tpu.memory_space<semaphore_mem>>) {add = true}
      %mul3A_63 = arith.constant 5 : i32
      %mul3A_64 = arith.muli %mul3A_63, %scan3A_23 : i32
      %add3A_65 = arith.constant 4 : i32
      %add3A_66 = arith.addi %mul3A_64, %add3A_65 : i32
      %dma_start3A_67 = arith.constant 0 : i32
      %dma_start3A_68 = tpu.memref_slice %arg6[%add3A_66, %dma_start3A_67] : memref<125x80xi32, #tpu.memory_space<vmem>> -> memref<1x80xi32, #tpu.memory_space<vmem>>
      %dma_start3A_69 = tpu.memref_squeeze %dma_start3A_68 : memref<1x80xi32, #tpu.memory_space<vmem>> -> memref<80xi32, #tpu.memory_space<vmem>>
      %dma_start3A_70 = arith.constant 0 : i32
      %dma_start3A_71 = arith.constant 0 : i32
      %dma_start3A_72 = tpu.memref_slice %arg8[%dma_start3A_70, %dma_start3A_71] : memref<10000x16xf32, #tpu.memory_space<vmem_shared>> -> memref<10000x16xf32, #tpu.memory_space<vmem_shared>>
      tpu.enqueue_indirect_dma source(%arg7 : memref<80x16xf32, #tpu.memory_space<vmem>>) target(%dma_start3A_72 : memref<10000x16xf32, #tpu.memory_space<vmem_shared>>) offsets(%dma_start3A_69 : memref<80xi32, #tpu.memory_space<vmem>>) semaphore(%arg9 : memref<!tpu.dma_semaphore, #tpu.memory_space<semaphore_mem>>) {add = true}
      %dma_wait3A = arith.constant 0 : i32
      %dma_wait3A_73 = arith.constant 0 : i32
      %dma_wait3A_74 = tpu.memref_slice %arg6[%dma_wait3A, %dma_wait3A_73] : memref<125x80xi32, #tpu.memory_space<vmem>> -> memref<1x80xi32, #tpu.memory_space<vmem>>
      %dma_wait3A_75 = tpu.memref_squeeze %dma_wait3A_74 : memref<1x80xi32, #tpu.memory_space<vmem>> -> memref<80xi32, #tpu.memory_space<vmem>>
      %dma_wait3A_76 = arith.constant 0 : i32
      %dma_wait3A_77 = arith.constant 0 : i32
      %dma_wait3A_78 = tpu.memref_slice %arg8[%dma_wait3A_76, %dma_wait3A_77] : memref<10000x16xf32, #tpu.memory_space<vmem_shared>> -> memref<10000x16xf32, #tpu.memory_space<vmem_shared>>
      tpu.wait_indirect_dma semaphore(%arg9 : memref<!tpu.dma_semaphore, #tpu.memory_space<semaphore_mem>>) src(%arg7 : memref<80x16xf32, #tpu.memory_space<vmem>>) dst(%dma_wait3A_78 : memref<10000x16xf32, #tpu.memory_space<vmem_shared>>)
      %dma_wait3A_79 = arith.constant 0 : i32
      %dma_wait3A_80 = arith.constant 0 : i32
      %dma_wait3A_81 = tpu.memref_slice %arg6[%dma_wait3A_79, %dma_wait3A_80] : memref<125x80xi32, #tpu.memory_space<vmem>> -> memref<1x80xi32, #tpu.memory_space<vmem>>
      %dma_wait3A_82 = tpu.memref_squeeze %dma_wait3A_81 : memref<1x80xi32, #tpu.memory_space<vmem>> -> memref<80xi32, #tpu.memory_space<vmem>>
      %dma_wait3A_83 = arith.constant 0 : i32
      %dma_wait3A_84 = arith.constant 0 : i32
      %dma_wait3A_85 = tpu.memref_slice %arg8[%dma_wait3A_83, %dma_wait3A_84] : memref<10000x16xf32, #tpu.memory_space<vmem_shared>> -> memref<10000x16xf32, #tpu.memory_space<vmem_shared>>
      tpu.wait_indirect_dma semaphore(%arg9 : memref<!tpu.dma_semaphore, #tpu.memory_space<semaphore_mem>>) src(%arg7 : memref<80x16xf32, #tpu.memory_space<vmem>>) dst(%dma_wait3A_85 : memref<10000x16xf32, #tpu.memory_space<vmem_shared>>)
      %dma_wait3A_86 = arith.constant 0 : i32
      %dma_wait3A_87 = arith.constant 0 : i32
      %dma_wait3A_88 = tpu.memref_slice %arg6[%dma_wait3A_86, %dma_wait3A_87] : memref<125x80xi32, #tpu.memory_space<vmem>> -> memref<1x80xi32, #tpu.memory_space<vmem>>
      %dma_wait3A_89 = tpu.memref_squeeze %dma_wait3A_88 : memref<1x80xi32, #tpu.memory_space<vmem>> -> memref<80xi32, #tpu.memory_space<vmem>>
      %dma_wait3A_90 = arith.constant 0 : i32
      %dma_wait3A_91 = arith.constant 0 : i32
      %dma_wait3A_92 = tpu.memref_slice %arg8[%dma_wait3A_90, %dma_wait3A_91] : memref<10000x16xf32, #tpu.memory_space<vmem_shared>> -> memref<10000x16xf32, #tpu.memory_space<vmem_shared>>
      tpu.wait_indirect_dma semaphore(%arg9 : memref<!tpu.dma_semaphore, #tpu.memory_space<semaphore_mem>>) src(%arg7 : memref<80x16xf32, #tpu.memory_space<vmem>>) dst(%dma_wait3A_92 : memref<10000x16xf32, #tpu.memory_space<vmem_shared>>)
      %dma_wait3A_93 = arith.constant 0 : i32
      %dma_wait3A_94 = arith.constant 0 : i32
      %dma_wait3A_95 = tpu.memref_slice %arg6[%dma_wait3A_93, %dma_wait3A_94] : memref<125x80xi32, #tpu.memory_space<vmem>> -> memref<1x80xi32, #tpu.memory_space<vmem>>
      %dma_wait3A_96 = tpu.memref_squeeze %dma_wait3A_95 : memref<1x80xi32, #tpu.memory_space<vmem>> -> memref<80xi32, #tpu.memory_space<vmem>>
      %dma_wait3A_97 = arith.constant 0 : i32
      %dma_wait3A_98 = arith.constant 0 : i32
      %dma_wait3A_99 = tpu.memref_slice %arg8[%dma_wait3A_97, %dma_wait3A_98] : memref<10000x16xf32, #tpu.memory_space<vmem_shared>> -> memref<10000x16xf32, #tpu.memory_space<vmem_shared>>
      tpu.wait_indirect_dma semaphore(%arg9 : memref<!tpu.dma_semaphore, #tpu.memory_space<semaphore_mem>>) src(%arg7 : memref<80x16xf32, #tpu.memory_space<vmem>>) dst(%dma_wait3A_99 : memref<10000x16xf32, #tpu.memory_space<vmem_shared>>)
      %dma_wait3A_100 = arith.constant 0 : i32
      %dma_wait3A_101 = arith.constant 0 : i32
      %dma_wait3A_102 = tpu.memref_slice %arg6[%dma_wait3A_100, %dma_wait3A_101] : memref<125x80xi32, #tpu.memory_space<vmem>> -> memref<1x80xi32, #tpu.memory_space<vmem>>
      %dma_wait3A_103 = tpu.memref_squeeze %dma_wait3A_102 : memref<1x80xi32, #tpu.memory_space<vmem>> -> memref<80xi32, #tpu.memory_space<vmem>>
      %dma_wait3A_104 = arith.constant 0 : i32
      %dma_wait3A_105 = arith.constant 0 : i32
      %dma_wait3A_106 = tpu.memref_slice %arg8[%dma_wait3A_104, %dma_wait3A_105] : memref<10000x16xf32, #tpu.memory_space<vmem_shared>> -> memref<10000x16xf32, #tpu.memory_space<vmem_shared>>
      tpu.wait_indirect_dma semaphore(%arg9 : memref<!tpu.dma_semaphore, #tpu.memory_space<semaphore_mem>>) src(%arg7 : memref<80x16xf32, #tpu.memory_space<vmem>>) dst(%dma_wait3A_106 : memref<10000x16xf32, #tpu.memory_space<vmem_shared>>)
    }
    %scan3A_11 = arith.constant 25 : i32
    %barrier3A_12 = arith.constant 0 : index
    tpu.barrier barrier_id(%barrier3A_12)
    %lt3A_13 = arith.constant 15 : i32
    %lt3A_14 = arith.cmpi slt, %arg1, %lt3A_13 : i32
    %convert_element_type3A_15 = arith.extui %lt3A_14 : i1 to i32
    %cond3A_16 = arith.constant 0 : i32
    %cond3A_17 = arith.cmpi ne, %convert_element_type3A_15, %cond3A_16 : i32
    scf.if %cond3A_17 {
      %mul3A_23 = arith.constant 640 : i32
      %mul3A_24 = arith.muli %arg1, %mul3A_23 : i32
      %mul3A_25 = arith.constant 640 : i32
      %mul3A_26 = arith.muli %arg1, %mul3A_25 : i32
      "tpu.region"() ({
        %run_scoped3A = tpu.sem_alloc : memref<!tpu.dma_semaphore, #tpu.memory_space<semaphore_mem>>
        %dma_start3A = arith.constant 0 : i32
        %dma_start3A_27 = tpu.memref_slice %arg5[%arg0, %mul3A_26, %dma_start3A] : memref<2x10000x16xf32, #tpu.memory_space<hbm>> -> memref<1x640x16xf32, #tpu.memory_space<hbm>>
        %dma_start3A_28 = tpu.memref_squeeze %dma_start3A_27 : memref<1x640x16xf32, #tpu.memory_space<hbm>> -> memref<640x16xf32, #tpu.memory_space<hbm>>
        %dma_start3A_29 = arith.constant 0 : i32
        %dma_start3A_30 = tpu.memref_slice %arg8[%mul3A_24, %dma_start3A_29] : memref<10000x16xf32, #tpu.memory_space<vmem_shared>> -> memref<640x16xf32, #tpu.memory_space<vmem_shared>>
        tpu.enqueue_dma source(%dma_start3A_30 : memref<640x16xf32, #tpu.memory_space<vmem_shared>>) target(%dma_start3A_28 : memref<640x16xf32, #tpu.memory_space<hbm>>) target_semaphore(%run_scoped3A : memref<!tpu.dma_semaphore, #tpu.memory_space<semaphore_mem>>)
        %dma_wait3A = arith.constant 0 : i32
        %dma_wait3A_31 = tpu.memref_slice %arg5[%arg0, %mul3A_26, %dma_wait3A] : memref<2x10000x16xf32, #tpu.memory_space<hbm>> -> memref<1x640x16xf32, #tpu.memory_space<hbm>>
        %dma_wait3A_32 = tpu.memref_squeeze %dma_wait3A_31 : memref<1x640x16xf32, #tpu.memory_space<hbm>> -> memref<640x16xf32, #tpu.memory_space<hbm>>
        %dma_wait3A_33 = arith.constant 0 : i32
        %dma_wait3A_34 = tpu.memref_slice %arg8[%mul3A_24, %dma_wait3A_33] : memref<10000x16xf32, #tpu.memory_space<vmem_shared>> -> memref<640x16xf32, #tpu.memory_space<vmem_shared>>
        tpu.wait_dma2 semaphore(%run_scoped3A : memref<!tpu.dma_semaphore, #tpu.memory_space<semaphore_mem>>) src(%dma_wait3A_34 : memref<640x16xf32, #tpu.memory_space<vmem_shared>>) dst(%dma_wait3A_32 : memref<640x16xf32, #tpu.memory_space<hbm>>)
        tpu.yield
      }) : () -> ()
    } else {
    }
    %eq3A_18 = arith.constant 15 : i32
    %eq3A_19 = arith.cmpi eq, %arg1, %eq3A_18 : i32
    %convert_element_type3A_20 = arith.extui %eq3A_19 : i1 to i32
    %cond3A_21 = arith.constant 0 : i32
    %cond3A_22 = arith.cmpi ne, %convert_element_type3A_20, %cond3A_21 : i32
    scf.if %cond3A_22 {
      "tpu.region"() ({
        %run_scoped3A = tpu.sem_alloc : memref<!tpu.dma_semaphore, #tpu.memory_space<semaphore_mem>>
        %dma_start3A = arith.constant 9600 : i32
        %dma_start3A_23 = arith.constant 0 : i32
        %dma_start3A_24 = tpu.memref_slice %arg5[%arg0, %dma_start3A, %dma_start3A_23] : memref<2x10000x16xf32, #tpu.memory_space<hbm>> -> memref<1x400x16xf32, #tpu.memory_space<hbm>>
        %dma_start3A_25 = tpu.memref_squeeze %dma_start3A_24 : memref<1x400x16xf32, #tpu.memory_space<hbm>> -> memref<400x16xf32, #tpu.memory_space<hbm>>
        %dma_start3A_26 = arith.constant 9600 : i32
        %dma_start3A_27 = arith.constant 0 : i32
        %dma_start3A_28 = tpu.memref_slice %arg8[%dma_start3A_26, %dma_start3A_27] : memref<10000x16xf32, #tpu.memory_space<vmem_shared>> -> memref<400x16xf32, #tpu.memory_space<vmem_shared>>
        tpu.enqueue_dma source(%dma_start3A_28 : memref<400x16xf32, #tpu.memory_space<vmem_shared>>) target(%dma_start3A_25 : memref<400x16xf32, #tpu.memory_space<hbm>>) target_semaphore(%run_scoped3A : memref<!tpu.dma_semaphore, #tpu.memory_space<semaphore_mem>>)
        %dma_wait3A = arith.constant 9600 : i32
        %dma_wait3A_29 = arith.constant 0 : i32
        %dma_wait3A_30 = tpu.memref_slice %arg5[%arg0, %dma_wait3A, %dma_wait3A_29] : memref<2x10000x16xf32, #tpu.memory_space<hbm>> -> memref<1x400x16xf32, #tpu.memory_space<hbm>>
        %dma_wait3A_31 = tpu.memref_squeeze %dma_wait3A_30 : memref<1x400x16xf32, #tpu.memory_space<hbm>> -> memref<400x16xf32, #tpu.memory_space<hbm>>
        %dma_wait3A_32 = arith.constant 9600 : i32
        %dma_wait3A_33 = arith.constant 0 : i32
        %dma_wait3A_34 = tpu.memref_slice %arg8[%dma_wait3A_32, %dma_wait3A_33] : memref<10000x16xf32, #tpu.memory_space<vmem_shared>> -> memref<400x16xf32, #tpu.memory_space<vmem_shared>>
        tpu.wait_dma2 semaphore(%run_scoped3A : memref<!tpu.dma_semaphore, #tpu.memory_space<semaphore_mem>>) src(%dma_wait3A_34 : memref<400x16xf32, #tpu.memory_space<vmem_shared>>) dst(%dma_wait3A_31 : memref<400x16xf32, #tpu.memory_space<hbm>>)
        tpu.yield
      }) : () -> ()
    } else {
    }
    return
  }
}

#map = affine_map<(d0, d1) -> (0, 0)>
#map1 = affine_map<(d0, d1) -> (0)>
#map2 = affine_map<(d0, d1) -> (0, 0, 0)>
module attributes {stable_mosaic.version = 14 : i64} {
  func.func @_seg_kernel(%arg0: i32, %arg1: i32, %arg2: memref<10000x128xf32, #tpu.memory_space<hbm>>, %arg3: memref<320000xi32, #tpu.memory_space<hbm>>, %arg4: memref<32x125x80xi32, #tpu.memory_space<hbm>>, %arg5: memref<2x10000x128xf32, #tpu.memory_space<hbm>>, %arg6: memref<10000xi32, #tpu.memory_space<vmem>>, %arg7: memref<125x80xi32, #tpu.memory_space<vmem>>, %arg8: memref<80x128xf32, #tpu.memory_space<vmem>>, %arg9: memref<80x128xf32, #tpu.memory_space<vmem>>, %arg10: memref<10000x128xf32, #tpu.memory_space<vmem_shared>>, %arg11: memref<!tpu.dma_semaphore, #tpu.memory_space<semaphore_mem>>, %arg12: memref<!tpu.dma_semaphore, #tpu.memory_space<semaphore_mem>>) attributes {dimension_semantics = [#tpu.dimension_semantics<core_parallel>, #tpu.dimension_semantics<subcore_parallel>], iteration_bounds = array<i64: 2, 16>, scalar_prefetch = 0 : i64, scratch_operands = 7 : i64, tpu.core_type = #tpu.core_type<sc_vector_subcore>, window_params = [{transform_indices = #map}, {transform_indices = #map1}, {transform_indices = #map2}, {transform_indices = #map2}]} {
    %mul3A = arith.constant 16 : i32
    %mul3A_0 = arith.muli %arg0, %mul3A : i32
    %add3A = arith.addi %mul3A_0, %arg1 : i32
    %mul3A_1 = arith.constant 10000 : i32
    %mul3A_2 = arith.muli %add3A, %mul3A_1 : i32
    "tpu.region"() ({
      %run_scoped3A_55 = tpu.sem_alloc : memref<!tpu.dma_semaphore, #tpu.memory_space<semaphore_mem>>
      %dma_start3A_56 = tpu.memref_slice %arg3[%mul3A_2] : memref<320000xi32, #tpu.memory_space<hbm>> -> memref<10000xi32, #tpu.memory_space<hbm>>
      %dma_start3A_57 = tpu.memref_slice %arg3[%mul3A_2] : memref<320000xi32, #tpu.memory_space<hbm>> -> memref<10000xi32, #tpu.memory_space<hbm>>
      tpu.enqueue_dma source(%dma_start3A_57 : memref<10000xi32, #tpu.memory_space<hbm>>) target(%arg6 : memref<10000xi32, #tpu.memory_space<vmem>>) target_semaphore(%run_scoped3A_55 : memref<!tpu.dma_semaphore, #tpu.memory_space<semaphore_mem>>)
      %dma_wait3A_58 = tpu.memref_slice %arg3[%mul3A_2] : memref<320000xi32, #tpu.memory_space<hbm>> -> memref<10000xi32, #tpu.memory_space<hbm>>
      %dma_wait3A_59 = tpu.memref_slice %arg3[%mul3A_2] : memref<320000xi32, #tpu.memory_space<hbm>> -> memref<10000xi32, #tpu.memory_space<hbm>>
      tpu.wait_dma2 semaphore(%run_scoped3A_55 : memref<!tpu.dma_semaphore, #tpu.memory_space<semaphore_mem>>) src(%dma_wait3A_59 : memref<10000xi32, #tpu.memory_space<hbm>>) dst(%arg6 : memref<10000xi32, #tpu.memory_space<vmem>>)
      tpu.yield
    }) : () -> ()
    %dma_start3A = arith.constant 0 : i32
    %dma_start3A_3 = tpu.memref_slice %arg6[%dma_start3A] : memref<10000xi32, #tpu.memory_space<vmem>> -> memref<80xi32, #tpu.memory_space<vmem>>
    %dma_start3A_4 = arith.constant 0 : i32
    %dma_start3A_5 = arith.constant 0 : i32
    %dma_start3A_6 = tpu.memref_slice %arg2[%dma_start3A_4, %dma_start3A_5] : memref<10000x128xf32, #tpu.memory_space<hbm>> -> memref<10000x128xf32, #tpu.memory_space<hbm>>
    tpu.enqueue_indirect_dma source(%dma_start3A_6 : memref<10000x128xf32, #tpu.memory_space<hbm>>) target(%arg8 : memref<80x128xf32, #tpu.memory_space<vmem>>) offsets(%dma_start3A_3 : memref<80xi32, #tpu.memory_space<vmem>>) semaphore(%arg11 : memref<!tpu.dma_semaphore, #tpu.memory_space<semaphore_mem>>)
    %dma_start3A_7 = arith.constant 80 : i32
    %dma_start3A_8 = tpu.memref_slice %arg6[%dma_start3A_7] : memref<10000xi32, #tpu.memory_space<vmem>> -> memref<80xi32, #tpu.memory_space<vmem>>
    %dma_start3A_9 = arith.constant 0 : i32
    %dma_start3A_10 = arith.constant 0 : i32
    %dma_start3A_11 = tpu.memref_slice %arg2[%dma_start3A_9, %dma_start3A_10] : memref<10000x128xf32, #tpu.memory_space<hbm>> -> memref<10000x128xf32, #tpu.memory_space<hbm>>
    tpu.enqueue_indirect_dma source(%dma_start3A_11 : memref<10000x128xf32, #tpu.memory_space<hbm>>) target(%arg9 : memref<80x128xf32, #tpu.memory_space<vmem>>) offsets(%dma_start3A_8 : memref<80xi32, #tpu.memory_space<vmem>>) semaphore(%arg12 : memref<!tpu.dma_semaphore, #tpu.memory_space<semaphore_mem>>)
    %lt3A = arith.constant 15 : i32
    %lt3A_12 = arith.cmpi slt, %arg1, %lt3A : i32
    %convert_element_type3A = arith.extui %lt3A_12 : i1 to i32
    %cond3A = arith.constant 0 : i32
    %cond3A_13 = arith.cmpi ne, %convert_element_type3A, %cond3A : i32
    scf.if %cond3A_13 {
      %mul3A_55 = arith.constant 640 : i32
      %mul3A_56 = arith.muli %arg1, %mul3A_55 : i32
      %mul3A_57 = arith.constant 640 : i32
      %mul3A_58 = arith.muli %arg1, %mul3A_57 : i32
      "tpu.region"() ({
        %run_scoped3A_59 = tpu.sem_alloc : memref<!tpu.dma_semaphore, #tpu.memory_space<semaphore_mem>>
        %dma_start3A_60 = arith.constant 0 : i32
        %dma_start3A_61 = tpu.memref_slice %arg10[%mul3A_58, %dma_start3A_60] : memref<10000x128xf32, #tpu.memory_space<vmem_shared>> -> memref<640x128xf32, #tpu.memory_space<vmem_shared>>
        %dma_start3A_62 = arith.constant 0 : i32
        %dma_start3A_63 = tpu.memref_slice %arg2[%mul3A_56, %dma_start3A_62] : memref<10000x128xf32, #tpu.memory_space<hbm>> -> memref<640x128xf32, #tpu.memory_space<hbm>>
        tpu.enqueue_dma source(%dma_start3A_63 : memref<640x128xf32, #tpu.memory_space<hbm>>) target(%dma_start3A_61 : memref<640x128xf32, #tpu.memory_space<vmem_shared>>) target_semaphore(%run_scoped3A_59 : memref<!tpu.dma_semaphore, #tpu.memory_space<semaphore_mem>>)
        %dma_wait3A_64 = arith.constant 0 : i32
        %dma_wait3A_65 = tpu.memref_slice %arg10[%mul3A_58, %dma_wait3A_64] : memref<10000x128xf32, #tpu.memory_space<vmem_shared>> -> memref<640x128xf32, #tpu.memory_space<vmem_shared>>
        %dma_wait3A_66 = arith.constant 0 : i32
        %dma_wait3A_67 = tpu.memref_slice %arg2[%mul3A_56, %dma_wait3A_66] : memref<10000x128xf32, #tpu.memory_space<hbm>> -> memref<640x128xf32, #tpu.memory_space<hbm>>
        tpu.wait_dma2 semaphore(%run_scoped3A_59 : memref<!tpu.dma_semaphore, #tpu.memory_space<semaphore_mem>>) src(%dma_wait3A_67 : memref<640x128xf32, #tpu.memory_space<hbm>>) dst(%dma_wait3A_65 : memref<640x128xf32, #tpu.memory_space<vmem_shared>>)
        tpu.yield
      }) : () -> ()
    } else {
    }
    %eq3A = arith.constant 15 : i32
    %eq3A_14 = arith.cmpi eq, %arg1, %eq3A : i32
    %convert_element_type3A_15 = arith.extui %eq3A_14 : i1 to i32
    %cond3A_16 = arith.constant 0 : i32
    %cond3A_17 = arith.cmpi ne, %convert_element_type3A_15, %cond3A_16 : i32
    scf.if %cond3A_17 {
      "tpu.region"() ({
        %run_scoped3A_55 = tpu.sem_alloc : memref<!tpu.dma_semaphore, #tpu.memory_space<semaphore_mem>>
        %dma_start3A_56 = arith.constant 9600 : i32
        %dma_start3A_57 = arith.constant 0 : i32
        %dma_start3A_58 = tpu.memref_slice %arg10[%dma_start3A_56, %dma_start3A_57] : memref<10000x128xf32, #tpu.memory_space<vmem_shared>> -> memref<400x128xf32, #tpu.memory_space<vmem_shared>>
        %dma_start3A_59 = arith.constant 9600 : i32
        %dma_start3A_60 = arith.constant 0 : i32
        %dma_start3A_61 = tpu.memref_slice %arg2[%dma_start3A_59, %dma_start3A_60] : memref<10000x128xf32, #tpu.memory_space<hbm>> -> memref<400x128xf32, #tpu.memory_space<hbm>>
        tpu.enqueue_dma source(%dma_start3A_61 : memref<400x128xf32, #tpu.memory_space<hbm>>) target(%dma_start3A_58 : memref<400x128xf32, #tpu.memory_space<vmem_shared>>) target_semaphore(%run_scoped3A_55 : memref<!tpu.dma_semaphore, #tpu.memory_space<semaphore_mem>>)
        %dma_wait3A_62 = arith.constant 9600 : i32
        %dma_wait3A_63 = arith.constant 0 : i32
        %dma_wait3A_64 = tpu.memref_slice %arg10[%dma_wait3A_62, %dma_wait3A_63] : memref<10000x128xf32, #tpu.memory_space<vmem_shared>> -> memref<400x128xf32, #tpu.memory_space<vmem_shared>>
        %dma_wait3A_65 = arith.constant 9600 : i32
        %dma_wait3A_66 = arith.constant 0 : i32
        %dma_wait3A_67 = tpu.memref_slice %arg2[%dma_wait3A_65, %dma_wait3A_66] : memref<10000x128xf32, #tpu.memory_space<hbm>> -> memref<400x128xf32, #tpu.memory_space<hbm>>
        tpu.wait_dma2 semaphore(%run_scoped3A_55 : memref<!tpu.dma_semaphore, #tpu.memory_space<semaphore_mem>>) src(%dma_wait3A_67 : memref<400x128xf32, #tpu.memory_space<hbm>>) dst(%dma_wait3A_64 : memref<400x128xf32, #tpu.memory_space<vmem_shared>>)
        tpu.yield
      }) : () -> ()
    } else {
    }
    "tpu.region"() ({
      %run_scoped3A_55 = tpu.sem_alloc : memref<!tpu.dma_semaphore, #tpu.memory_space<semaphore_mem>>
      %dma_start3A_56 = arith.constant 0 : i32
      %dma_start3A_57 = arith.constant 0 : i32
      %dma_start3A_58 = tpu.memref_slice %arg4[%add3A, %dma_start3A_56, %dma_start3A_57] : memref<32x125x80xi32, #tpu.memory_space<hbm>> -> memref<1x125x80xi32, #tpu.memory_space<hbm>>
      %dma_start3A_59 = tpu.memref_squeeze %dma_start3A_58 : memref<1x125x80xi32, #tpu.memory_space<hbm>> -> memref<125x80xi32, #tpu.memory_space<hbm>>
      %dma_start3A_60 = arith.constant 0 : i32
      %dma_start3A_61 = arith.constant 0 : i32
      %dma_start3A_62 = tpu.memref_slice %arg4[%add3A, %dma_start3A_60, %dma_start3A_61] : memref<32x125x80xi32, #tpu.memory_space<hbm>> -> memref<1x125x80xi32, #tpu.memory_space<hbm>>
      %dma_start3A_63 = tpu.memref_squeeze %dma_start3A_62 : memref<1x125x80xi32, #tpu.memory_space<hbm>> -> memref<125x80xi32, #tpu.memory_space<hbm>>
      tpu.enqueue_dma source(%dma_start3A_63 : memref<125x80xi32, #tpu.memory_space<hbm>>) target(%arg7 : memref<125x80xi32, #tpu.memory_space<vmem>>) target_semaphore(%run_scoped3A_55 : memref<!tpu.dma_semaphore, #tpu.memory_space<semaphore_mem>>)
      %dma_wait3A_64 = arith.constant 0 : i32
      %dma_wait3A_65 = arith.constant 0 : i32
      %dma_wait3A_66 = tpu.memref_slice %arg4[%add3A, %dma_wait3A_64, %dma_wait3A_65] : memref<32x125x80xi32, #tpu.memory_space<hbm>> -> memref<1x125x80xi32, #tpu.memory_space<hbm>>
      %dma_wait3A_67 = tpu.memref_squeeze %dma_wait3A_66 : memref<1x125x80xi32, #tpu.memory_space<hbm>> -> memref<125x80xi32, #tpu.memory_space<hbm>>
      %dma_wait3A_68 = arith.constant 0 : i32
      %dma_wait3A_69 = arith.constant 0 : i32
      %dma_wait3A_70 = tpu.memref_slice %arg4[%add3A, %dma_wait3A_68, %dma_wait3A_69] : memref<32x125x80xi32, #tpu.memory_space<hbm>> -> memref<1x125x80xi32, #tpu.memory_space<hbm>>
      %dma_wait3A_71 = tpu.memref_squeeze %dma_wait3A_70 : memref<1x125x80xi32, #tpu.memory_space<hbm>> -> memref<125x80xi32, #tpu.memory_space<hbm>>
      tpu.wait_dma2 semaphore(%run_scoped3A_55 : memref<!tpu.dma_semaphore, #tpu.memory_space<semaphore_mem>>) src(%dma_wait3A_71 : memref<125x80xi32, #tpu.memory_space<hbm>>) dst(%arg7 : memref<125x80xi32, #tpu.memory_space<vmem>>)
      tpu.yield
    }) : () -> ()
    %barrier3A = arith.constant 0 : index
    tpu.barrier barrier_id(%barrier3A)
    %scan3A = arith.constant 0 : i32
    %scan3A_18 = arith.constant 0 : i32
    %scan3A_19 = arith.constant 61 : i32
    %scan3A_20 = arith.addi %scan3A_18, %scan3A_19 : i32
    %scan3A_21 = arith.constant 1 : i32
    scf.for %scan3A_55 = %scan3A_18 to %scan3A_20 step %scan3A_21  : i32 {
      %dma_wait3A_56 = arith.constant 0 : i32
      %dma_wait3A_57 = tpu.memref_slice %arg6[%dma_wait3A_56] : memref<10000xi32, #tpu.memory_space<vmem>> -> memref<80xi32, #tpu.memory_space<vmem>>
      %dma_wait3A_58 = arith.constant 0 : i32
      %dma_wait3A_59 = arith.constant 0 : i32
      %dma_wait3A_60 = tpu.memref_slice %arg2[%dma_wait3A_58, %dma_wait3A_59] : memref<10000x128xf32, #tpu.memory_space<hbm>> -> memref<10000x128xf32, #tpu.memory_space<hbm>>
      tpu.wait_indirect_dma semaphore(%arg11 : memref<!tpu.dma_semaphore, #tpu.memory_space<semaphore_mem>>) src(%dma_wait3A_60 : memref<10000x128xf32, #tpu.memory_space<hbm>>) dst(%arg8 : memref<80x128xf32, #tpu.memory_space<vmem>>)
      %mul3A_61 = arith.constant 2 : i32
      %mul3A_62 = arith.muli %mul3A_61, %scan3A_55 : i32
      "tpu.region"() ({
        %run_scoped3A_92 = tpu.sem_alloc : memref<!tpu.dma_semaphore, #tpu.memory_space<semaphore_mem>>
        %dma_start3A_93 = arith.constant 0 : i32
        %dma_start3A_94 = tpu.memref_slice %arg7[%mul3A_62, %dma_start3A_93] : memref<125x80xi32, #tpu.memory_space<vmem>> -> memref<1x80xi32, #tpu.memory_space<vmem>>
        %dma_start3A_95 = tpu.memref_squeeze %dma_start3A_94 : memref<1x80xi32, #tpu.memory_space<vmem>> -> memref<80xi32, #tpu.memory_space<vmem>>
        %dma_start3A_96 = arith.constant 0 : i32
        %dma_start3A_97 = arith.constant 0 : i32
        %dma_start3A_98 = tpu.memref_slice %arg10[%dma_start3A_96, %dma_start3A_97] : memref<10000x128xf32, #tpu.memory_space<vmem_shared>> -> memref<10000x128xf32, #tpu.memory_space<vmem_shared>>
        tpu.enqueue_indirect_dma source(%arg8 : memref<80x128xf32, #tpu.memory_space<vmem>>) target(%dma_start3A_98 : memref<10000x128xf32, #tpu.memory_space<vmem_shared>>) offsets(%dma_start3A_95 : memref<80xi32, #tpu.memory_space<vmem>>) semaphore(%run_scoped3A_92 : memref<!tpu.dma_semaphore, #tpu.memory_space<semaphore_mem>>) {add = true}
        %dma_wait3A_99 = arith.constant 0 : i32
        %dma_wait3A_100 = tpu.memref_slice %arg7[%mul3A_62, %dma_wait3A_99] : memref<125x80xi32, #tpu.memory_space<vmem>> -> memref<1x80xi32, #tpu.memory_space<vmem>>
        %dma_wait3A_101 = tpu.memref_squeeze %dma_wait3A_100 : memref<1x80xi32, #tpu.memory_space<vmem>> -> memref<80xi32, #tpu.memory_space<vmem>>
        %dma_wait3A_102 = arith.constant 0 : i32
        %dma_wait3A_103 = arith.constant 0 : i32
        %dma_wait3A_104 = tpu.memref_slice %arg10[%dma_wait3A_102, %dma_wait3A_103] : memref<10000x128xf32, #tpu.memory_space<vmem_shared>> -> memref<10000x128xf32, #tpu.memory_space<vmem_shared>>
        tpu.wait_indirect_dma semaphore(%run_scoped3A_92 : memref<!tpu.dma_semaphore, #tpu.memory_space<semaphore_mem>>) src(%arg8 : memref<80x128xf32, #tpu.memory_space<vmem>>) dst(%dma_wait3A_104 : memref<10000x128xf32, #tpu.memory_space<vmem_shared>>)
        tpu.yield
      }) : () -> ()
      %mul3A_63 = arith.constant 2 : i32
      %mul3A_64 = arith.muli %mul3A_63, %scan3A_55 : i32
      %add3A_65 = arith.constant 2 : i32
      %add3A_66 = arith.addi %mul3A_64, %add3A_65 : i32
      %mul3A_67 = arith.constant 80 : i32
      %mul3A_68 = arith.muli %add3A_66, %mul3A_67 : i32
      %dma_start3A_69 = tpu.memref_slice %arg6[%mul3A_68] : memref<10000xi32, #tpu.memory_space<vmem>> -> memref<80xi32, #tpu.memory_space<vmem>>
      %dma_start3A_70 = arith.constant 0 : i32
      %dma_start3A_71 = arith.constant 0 : i32
      %dma_start3A_72 = tpu.memref_slice %arg2[%dma_start3A_70, %dma_start3A_71] : memref<10000x128xf32, #tpu.memory_space<hbm>> -> memref<10000x128xf32, #tpu.memory_space<hbm>>
      tpu.enqueue_indirect_dma source(%dma_start3A_72 : memref<10000x128xf32, #tpu.memory_space<hbm>>) target(%arg8 : memref<80x128xf32, #tpu.memory_space<vmem>>) offsets(%dma_start3A_69 : memref<80xi32, #tpu.memory_space<vmem>>) semaphore(%arg11 : memref<!tpu.dma_semaphore, #tpu.memory_space<semaphore_mem>>)
      %dma_wait3A_73 = arith.constant 0 : i32
      %dma_wait3A_74 = tpu.memref_slice %arg6[%dma_wait3A_73] : memref<10000xi32, #tpu.memory_space<vmem>> -> memref<80xi32, #tpu.memory_space<vmem>>
      %dma_wait3A_75 = arith.constant 0 : i32
      %dma_wait3A_76 = arith.constant 0 : i32
      %dma_wait3A_77 = tpu.memref_slice %arg2[%dma_wait3A_75, %dma_wait3A_76] : memref<10000x128xf32, #tpu.memory_space<hbm>> -> memref<10000x128xf32, #tpu.memory_space<hbm>>
      tpu.wait_indirect_dma semaphore(%arg12 : memref<!tpu.dma_semaphore, #tpu.memory_space<semaphore_mem>>) src(%dma_wait3A_77 : memref<10000x128xf32, #tpu.memory_space<hbm>>) dst(%arg9 : memref<80x128xf32, #tpu.memory_space<vmem>>)
      %mul3A_78 = arith.constant 2 : i32
      %mul3A_79 = arith.muli %mul3A_78, %scan3A_55 : i32
      %add3A_80 = arith.constant 1 : i32
      %add3A_81 = arith.addi %mul3A_79, %add3A_80 : i32
      "tpu.region"() ({
        %run_scoped3A_92 = tpu.sem_alloc : memref<!tpu.dma_semaphore, #tpu.memory_space<semaphore_mem>>
        %dma_start3A_93 = arith.constant 0 : i32
        %dma_start3A_94 = tpu.memref_slice %arg7[%add3A_81, %dma_start3A_93] : memref<125x80xi32, #tpu.memory_space<vmem>> -> memref<1x80xi32, #tpu.memory_space<vmem>>
        %dma_start3A_95 = tpu.memref_squeeze %dma_start3A_94 : memref<1x80xi32, #tpu.memory_space<vmem>> -> memref<80xi32, #tpu.memory_space<vmem>>
        %dma_start3A_96 = arith.constant 0 : i32
        %dma_start3A_97 = arith.constant 0 : i32
        %dma_start3A_98 = tpu.memref_slice %arg10[%dma_start3A_96, %dma_start3A_97] : memref<10000x128xf32, #tpu.memory_space<vmem_shared>> -> memref<10000x128xf32, #tpu.memory_space<vmem_shared>>
        tpu.enqueue_indirect_dma source(%arg9 : memref<80x128xf32, #tpu.memory_space<vmem>>) target(%dma_start3A_98 : memref<10000x128xf32, #tpu.memory_space<vmem_shared>>) offsets(%dma_start3A_95 : memref<80xi32, #tpu.memory_space<vmem>>) semaphore(%run_scoped3A_92 : memref<!tpu.dma_semaphore, #tpu.memory_space<semaphore_mem>>) {add = true}
        %dma_wait3A_99 = arith.constant 0 : i32
        %dma_wait3A_100 = tpu.memref_slice %arg7[%add3A_81, %dma_wait3A_99] : memref<125x80xi32, #tpu.memory_space<vmem>> -> memref<1x80xi32, #tpu.memory_space<vmem>>
        %dma_wait3A_101 = tpu.memref_squeeze %dma_wait3A_100 : memref<1x80xi32, #tpu.memory_space<vmem>> -> memref<80xi32, #tpu.memory_space<vmem>>
        %dma_wait3A_102 = arith.constant 0 : i32
        %dma_wait3A_103 = arith.constant 0 : i32
        %dma_wait3A_104 = tpu.memref_slice %arg10[%dma_wait3A_102, %dma_wait3A_103] : memref<10000x128xf32, #tpu.memory_space<vmem_shared>> -> memref<10000x128xf32, #tpu.memory_space<vmem_shared>>
        tpu.wait_indirect_dma semaphore(%run_scoped3A_92 : memref<!tpu.dma_semaphore, #tpu.memory_space<semaphore_mem>>) src(%arg9 : memref<80x128xf32, #tpu.memory_space<vmem>>) dst(%dma_wait3A_104 : memref<10000x128xf32, #tpu.memory_space<vmem_shared>>)
        tpu.yield
      }) : () -> ()
      %mul3A_82 = arith.constant 2 : i32
      %mul3A_83 = arith.muli %mul3A_82, %scan3A_55 : i32
      %add3A_84 = arith.constant 3 : i32
      %add3A_85 = arith.addi %mul3A_83, %add3A_84 : i32
      %mul3A_86 = arith.constant 80 : i32
      %mul3A_87 = arith.muli %add3A_85, %mul3A_86 : i32
      %dma_start3A_88 = tpu.memref_slice %arg6[%mul3A_87] : memref<10000xi32, #tpu.memory_space<vmem>> -> memref<80xi32, #tpu.memory_space<vmem>>
      %dma_start3A_89 = arith.constant 0 : i32
      %dma_start3A_90 = arith.constant 0 : i32
      %dma_start3A_91 = tpu.memref_slice %arg2[%dma_start3A_89, %dma_start3A_90] : memref<10000x128xf32, #tpu.memory_space<hbm>> -> memref<10000x128xf32, #tpu.memory_space<hbm>>
      tpu.enqueue_indirect_dma source(%dma_start3A_91 : memref<10000x128xf32, #tpu.memory_space<hbm>>) target(%arg9 : memref<80x128xf32, #tpu.memory_space<vmem>>) offsets(%dma_start3A_88 : memref<80xi32, #tpu.memory_space<vmem>>) semaphore(%arg12 : memref<!tpu.dma_semaphore, #tpu.memory_space<semaphore_mem>>)
    }
    %scan3A_22 = arith.constant 61 : i32
    %dma_wait3A = arith.constant 0 : i32
    %dma_wait3A_23 = tpu.memref_slice %arg6[%dma_wait3A] : memref<10000xi32, #tpu.memory_space<vmem>> -> memref<80xi32, #tpu.memory_space<vmem>>
    %dma_wait3A_24 = arith.constant 0 : i32
    %dma_wait3A_25 = arith.constant 0 : i32
    %dma_wait3A_26 = tpu.memref_slice %arg2[%dma_wait3A_24, %dma_wait3A_25] : memref<10000x128xf32, #tpu.memory_space<hbm>> -> memref<10000x128xf32, #tpu.memory_space<hbm>>
    tpu.wait_indirect_dma semaphore(%arg11 : memref<!tpu.dma_semaphore, #tpu.memory_space<semaphore_mem>>) src(%dma_wait3A_26 : memref<10000x128xf32, #tpu.memory_space<hbm>>) dst(%arg8 : memref<80x128xf32, #tpu.memory_space<vmem>>)
    %run_scoped3A = arith.constant 122 : i32
    "tpu.region"() ({
      %run_scoped3A_55 = tpu.sem_alloc : memref<!tpu.dma_semaphore, #tpu.memory_space<semaphore_mem>>
      %dma_start3A_56 = arith.constant 0 : i32
      %dma_start3A_57 = tpu.memref_slice %arg7[%run_scoped3A, %dma_start3A_56] : memref<125x80xi32, #tpu.memory_space<vmem>> -> memref<1x80xi32, #tpu.memory_space<vmem>>
      %dma_start3A_58 = tpu.memref_squeeze %dma_start3A_57 : memref<1x80xi32, #tpu.memory_space<vmem>> -> memref<80xi32, #tpu.memory_space<vmem>>
      %dma_start3A_59 = arith.constant 0 : i32
      %dma_start3A_60 = arith.constant 0 : i32
      %dma_start3A_61 = tpu.memref_slice %arg10[%dma_start3A_59, %dma_start3A_60] : memref<10000x128xf32, #tpu.memory_space<vmem_shared>> -> memref<10000x128xf32, #tpu.memory_space<vmem_shared>>
      tpu.enqueue_indirect_dma source(%arg8 : memref<80x128xf32, #tpu.memory_space<vmem>>) target(%dma_start3A_61 : memref<10000x128xf32, #tpu.memory_space<vmem_shared>>) offsets(%dma_start3A_58 : memref<80xi32, #tpu.memory_space<vmem>>) semaphore(%run_scoped3A_55 : memref<!tpu.dma_semaphore, #tpu.memory_space<semaphore_mem>>) {add = true}
      %dma_wait3A_62 = arith.constant 0 : i32
      %dma_wait3A_63 = tpu.memref_slice %arg7[%run_scoped3A, %dma_wait3A_62] : memref<125x80xi32, #tpu.memory_space<vmem>> -> memref<1x80xi32, #tpu.memory_space<vmem>>
      %dma_wait3A_64 = tpu.memref_squeeze %dma_wait3A_63 : memref<1x80xi32, #tpu.memory_space<vmem>> -> memref<80xi32, #tpu.memory_space<vmem>>
      %dma_wait3A_65 = arith.constant 0 : i32
      %dma_wait3A_66 = arith.constant 0 : i32
      %dma_wait3A_67 = tpu.memref_slice %arg10[%dma_wait3A_65, %dma_wait3A_66] : memref<10000x128xf32, #tpu.memory_space<vmem_shared>> -> memref<10000x128xf32, #tpu.memory_space<vmem_shared>>
      tpu.wait_indirect_dma semaphore(%run_scoped3A_55 : memref<!tpu.dma_semaphore, #tpu.memory_space<semaphore_mem>>) src(%arg8 : memref<80x128xf32, #tpu.memory_space<vmem>>) dst(%dma_wait3A_67 : memref<10000x128xf32, #tpu.memory_space<vmem_shared>>)
      tpu.yield
    }) : () -> ()
    %dma_start3A_27 = arith.constant 9920 : i32
    %dma_start3A_28 = tpu.memref_slice %arg6[%dma_start3A_27] : memref<10000xi32, #tpu.memory_space<vmem>> -> memref<80xi32, #tpu.memory_space<vmem>>
    %dma_start3A_29 = arith.constant 0 : i32
    %dma_start3A_30 = arith.constant 0 : i32
    %dma_start3A_31 = tpu.memref_slice %arg2[%dma_start3A_29, %dma_start3A_30] : memref<10000x128xf32, #tpu.memory_space<hbm>> -> memref<10000x128xf32, #tpu.memory_space<hbm>>
    tpu.enqueue_indirect_dma source(%dma_start3A_31 : memref<10000x128xf32, #tpu.memory_space<hbm>>) target(%arg8 : memref<80x128xf32, #tpu.memory_space<vmem>>) offsets(%dma_start3A_28 : memref<80xi32, #tpu.memory_space<vmem>>) semaphore(%arg11 : memref<!tpu.dma_semaphore, #tpu.memory_space<semaphore_mem>>)
    %dma_wait3A_32 = arith.constant 0 : i32
    %dma_wait3A_33 = tpu.memref_slice %arg6[%dma_wait3A_32] : memref<10000xi32, #tpu.memory_space<vmem>> -> memref<80xi32, #tpu.memory_space<vmem>>
    %dma_wait3A_34 = arith.constant 0 : i32
    %dma_wait3A_35 = arith.constant 0 : i32
    %dma_wait3A_36 = tpu.memref_slice %arg2[%dma_wait3A_34, %dma_wait3A_35] : memref<10000x128xf32, #tpu.memory_space<hbm>> -> memref<10000x128xf32, #tpu.memory_space<hbm>>
    tpu.wait_indirect_dma semaphore(%arg12 : memref<!tpu.dma_semaphore, #tpu.memory_space<semaphore_mem>>) src(%dma_wait3A_36 : memref<10000x128xf32, #tpu.memory_space<hbm>>) dst(%arg9 : memref<80x128xf32, #tpu.memory_space<vmem>>)
    %run_scoped3A_37 = arith.constant 123 : i32
    "tpu.region"() ({
      %run_scoped3A_55 = tpu.sem_alloc : memref<!tpu.dma_semaphore, #tpu.memory_space<semaphore_mem>>
      %dma_start3A_56 = arith.constant 0 : i32
      %dma_start3A_57 = tpu.memref_slice %arg7[%run_scoped3A_37, %dma_start3A_56] : memref<125x80xi32, #tpu.memory_space<vmem>> -> memref<1x80xi32, #tpu.memory_space<vmem>>
      %dma_start3A_58 = tpu.memref_squeeze %dma_start3A_57 : memref<1x80xi32, #tpu.memory_space<vmem>> -> memref<80xi32, #tpu.memory_space<vmem>>
      %dma_start3A_59 = arith.constant 0 : i32
      %dma_start3A_60 = arith.constant 0 : i32
      %dma_start3A_61 = tpu.memref_slice %arg10[%dma_start3A_59, %dma_start3A_60] : memref<10000x128xf32, #tpu.memory_space<vmem_shared>> -> memref<10000x128xf32, #tpu.memory_space<vmem_shared>>
      tpu.enqueue_indirect_dma source(%arg9 : memref<80x128xf32, #tpu.memory_space<vmem>>) target(%dma_start3A_61 : memref<10000x128xf32, #tpu.memory_space<vmem_shared>>) offsets(%dma_start3A_58 : memref<80xi32, #tpu.memory_space<vmem>>) semaphore(%run_scoped3A_55 : memref<!tpu.dma_semaphore, #tpu.memory_space<semaphore_mem>>) {add = true}
      %dma_wait3A_62 = arith.constant 0 : i32
      %dma_wait3A_63 = tpu.memref_slice %arg7[%run_scoped3A_37, %dma_wait3A_62] : memref<125x80xi32, #tpu.memory_space<vmem>> -> memref<1x80xi32, #tpu.memory_space<vmem>>
      %dma_wait3A_64 = tpu.memref_squeeze %dma_wait3A_63 : memref<1x80xi32, #tpu.memory_space<vmem>> -> memref<80xi32, #tpu.memory_space<vmem>>
      %dma_wait3A_65 = arith.constant 0 : i32
      %dma_wait3A_66 = arith.constant 0 : i32
      %dma_wait3A_67 = tpu.memref_slice %arg10[%dma_wait3A_65, %dma_wait3A_66] : memref<10000x128xf32, #tpu.memory_space<vmem_shared>> -> memref<10000x128xf32, #tpu.memory_space<vmem_shared>>
      tpu.wait_indirect_dma semaphore(%run_scoped3A_55 : memref<!tpu.dma_semaphore, #tpu.memory_space<semaphore_mem>>) src(%arg9 : memref<80x128xf32, #tpu.memory_space<vmem>>) dst(%dma_wait3A_67 : memref<10000x128xf32, #tpu.memory_space<vmem_shared>>)
      tpu.yield
    }) : () -> ()
    %dma_wait3A_38 = arith.constant 0 : i32
    %dma_wait3A_39 = tpu.memref_slice %arg6[%dma_wait3A_38] : memref<10000xi32, #tpu.memory_space<vmem>> -> memref<80xi32, #tpu.memory_space<vmem>>
    %dma_wait3A_40 = arith.constant 0 : i32
    %dma_wait3A_41 = arith.constant 0 : i32
    %dma_wait3A_42 = tpu.memref_slice %arg2[%dma_wait3A_40, %dma_wait3A_41] : memref<10000x128xf32, #tpu.memory_space<hbm>> -> memref<10000x128xf32, #tpu.memory_space<hbm>>
    tpu.wait_indirect_dma semaphore(%arg11 : memref<!tpu.dma_semaphore, #tpu.memory_space<semaphore_mem>>) src(%dma_wait3A_42 : memref<10000x128xf32, #tpu.memory_space<hbm>>) dst(%arg8 : memref<80x128xf32, #tpu.memory_space<vmem>>)
    %run_scoped3A_43 = arith.constant 124 : i32
    "tpu.region"() ({
      %run_scoped3A_55 = tpu.sem_alloc : memref<!tpu.dma_semaphore, #tpu.memory_space<semaphore_mem>>
      %dma_start3A_56 = arith.constant 0 : i32
      %dma_start3A_57 = tpu.memref_slice %arg7[%run_scoped3A_43, %dma_start3A_56] : memref<125x80xi32, #tpu.memory_space<vmem>> -> memref<1x80xi32, #tpu.memory_space<vmem>>
      %dma_start3A_58 = tpu.memref_squeeze %dma_start3A_57 : memref<1x80xi32, #tpu.memory_space<vmem>> -> memref<80xi32, #tpu.memory_space<vmem>>
      %dma_start3A_59 = arith.constant 0 : i32
      %dma_start3A_60 = arith.constant 0 : i32
      %dma_start3A_61 = tpu.memref_slice %arg10[%dma_start3A_59, %dma_start3A_60] : memref<10000x128xf32, #tpu.memory_space<vmem_shared>> -> memref<10000x128xf32, #tpu.memory_space<vmem_shared>>
      tpu.enqueue_indirect_dma source(%arg8 : memref<80x128xf32, #tpu.memory_space<vmem>>) target(%dma_start3A_61 : memref<10000x128xf32, #tpu.memory_space<vmem_shared>>) offsets(%dma_start3A_58 : memref<80xi32, #tpu.memory_space<vmem>>) semaphore(%run_scoped3A_55 : memref<!tpu.dma_semaphore, #tpu.memory_space<semaphore_mem>>) {add = true}
      %dma_wait3A_62 = arith.constant 0 : i32
      %dma_wait3A_63 = tpu.memref_slice %arg7[%run_scoped3A_43, %dma_wait3A_62] : memref<125x80xi32, #tpu.memory_space<vmem>> -> memref<1x80xi32, #tpu.memory_space<vmem>>
      %dma_wait3A_64 = tpu.memref_squeeze %dma_wait3A_63 : memref<1x80xi32, #tpu.memory_space<vmem>> -> memref<80xi32, #tpu.memory_space<vmem>>
      %dma_wait3A_65 = arith.constant 0 : i32
      %dma_wait3A_66 = arith.constant 0 : i32
      %dma_wait3A_67 = tpu.memref_slice %arg10[%dma_wait3A_65, %dma_wait3A_66] : memref<10000x128xf32, #tpu.memory_space<vmem_shared>> -> memref<10000x128xf32, #tpu.memory_space<vmem_shared>>
      tpu.wait_indirect_dma semaphore(%run_scoped3A_55 : memref<!tpu.dma_semaphore, #tpu.memory_space<semaphore_mem>>) src(%arg8 : memref<80x128xf32, #tpu.memory_space<vmem>>) dst(%dma_wait3A_67 : memref<10000x128xf32, #tpu.memory_space<vmem_shared>>)
      tpu.yield
    }) : () -> ()
    %barrier3A_44 = arith.constant 0 : index
    tpu.barrier barrier_id(%barrier3A_44)
    %lt3A_45 = arith.constant 15 : i32
    %lt3A_46 = arith.cmpi slt, %arg1, %lt3A_45 : i32
    %convert_element_type3A_47 = arith.extui %lt3A_46 : i1 to i32
    %cond3A_48 = arith.constant 0 : i32
    %cond3A_49 = arith.cmpi ne, %convert_element_type3A_47, %cond3A_48 : i32
    scf.if %cond3A_49 {
      %mul3A_55 = arith.constant 640 : i32
      %mul3A_56 = arith.muli %arg1, %mul3A_55 : i32
      %mul3A_57 = arith.constant 640 : i32
      %mul3A_58 = arith.muli %arg1, %mul3A_57 : i32
      "tpu.region"() ({
        %run_scoped3A_59 = tpu.sem_alloc : memref<!tpu.dma_semaphore, #tpu.memory_space<semaphore_mem>>
        %dma_start3A_60 = arith.constant 0 : i32
        %dma_start3A_61 = tpu.memref_slice %arg5[%arg0, %mul3A_58, %dma_start3A_60] : memref<2x10000x128xf32, #tpu.memory_space<hbm>> -> memref<1x640x128xf32, #tpu.memory_space<hbm>>
        %dma_start3A_62 = tpu.memref_squeeze %dma_start3A_61 : memref<1x640x128xf32, #tpu.memory_space<hbm>> -> memref<640x128xf32, #tpu.memory_space<hbm>>
        %dma_start3A_63 = arith.constant 0 : i32
        %dma_start3A_64 = tpu.memref_slice %arg10[%mul3A_56, %dma_start3A_63] : memref<10000x128xf32, #tpu.memory_space<vmem_shared>> -> memref<640x128xf32, #tpu.memory_space<vmem_shared>>
        tpu.enqueue_dma source(%dma_start3A_64 : memref<640x128xf32, #tpu.memory_space<vmem_shared>>) target(%dma_start3A_62 : memref<640x128xf32, #tpu.memory_space<hbm>>) target_semaphore(%run_scoped3A_59 : memref<!tpu.dma_semaphore, #tpu.memory_space<semaphore_mem>>)
        %dma_wait3A_65 = arith.constant 0 : i32
        %dma_wait3A_66 = tpu.memref_slice %arg5[%arg0, %mul3A_58, %dma_wait3A_65] : memref<2x10000x128xf32, #tpu.memory_space<hbm>> -> memref<1x640x128xf32, #tpu.memory_space<hbm>>
        %dma_wait3A_67 = tpu.memref_squeeze %dma_wait3A_66 : memref<1x640x128xf32, #tpu.memory_space<hbm>> -> memref<640x128xf32, #tpu.memory_space<hbm>>
        %dma_wait3A_68 = arith.constant 0 : i32
        %dma_wait3A_69 = tpu.memref_slice %arg10[%mul3A_56, %dma_wait3A_68] : memref<10000x128xf32, #tpu.memory_space<vmem_shared>> -> memref<640x128xf32, #tpu.memory_space<vmem_shared>>
        tpu.wait_dma2 semaphore(%run_scoped3A_59 : memref<!tpu.dma_semaphore, #tpu.memory_space<semaphore_mem>>) src(%dma_wait3A_69 : memref<640x128xf32, #tpu.memory_space<vmem_shared>>) dst(%dma_wait3A_67 : memref<640x128xf32, #tpu.memory_space<hbm>>)
        tpu.yield
      }) : () -> ()
    } else {
    }
    %eq3A_50 = arith.constant 15 : i32
    %eq3A_51 = arith.cmpi eq, %arg1, %eq3A_50 : i32
    %convert_element_type3A_52 = arith.extui %eq3A_51 : i1 to i32
    %cond3A_53 = arith.constant 0 : i32
    %cond3A_54 = arith.cmpi ne, %convert_element_type3A_52, %cond3A_53 : i32
    scf.if %cond3A_54 {
      "tpu.region"() ({
        %run_scoped3A_55 = tpu.sem_alloc : memref<!tpu.dma_semaphore, #tpu.memory_space<semaphore_mem>>
        %dma_start3A_56 = arith.constant 9600 : i32
        %dma_start3A_57 = arith.constant 0 : i32
        %dma_start3A_58 = tpu.memref_slice %arg5[%arg0, %dma_start3A_56, %dma_start3A_57] : memref<2x10000x128xf32, #tpu.memory_space<hbm>> -> memref<1x400x128xf32, #tpu.memory_space<hbm>>
        %dma_start3A_59 = tpu.memref_squeeze %dma_start3A_58 : memref<1x400x128xf32, #tpu.memory_space<hbm>> -> memref<400x128xf32, #tpu.memory_space<hbm>>
        %dma_start3A_60 = arith.constant 9600 : i32
        %dma_start3A_61 = arith.constant 0 : i32
        %dma_start3A_62 = tpu.memref_slice %arg10[%dma_start3A_60, %dma_start3A_61] : memref<10000x128xf32, #tpu.memory_space<vmem_shared>> -> memref<400x128xf32, #tpu.memory_space<vmem_shared>>
        tpu.enqueue_dma source(%dma_start3A_62 : memref<400x128xf32, #tpu.memory_space<vmem_shared>>) target(%dma_start3A_59 : memref<400x128xf32, #tpu.memory_space<hbm>>) target_semaphore(%run_scoped3A_55 : memref<!tpu.dma_semaphore, #tpu.memory_space<semaphore_mem>>)
        %dma_wait3A_63 = arith.constant 9600 : i32
        %dma_wait3A_64 = arith.constant 0 : i32
        %dma_wait3A_65 = tpu.memref_slice %arg5[%arg0, %dma_wait3A_63, %dma_wait3A_64] : memref<2x10000x128xf32, #tpu.memory_space<hbm>> -> memref<1x400x128xf32, #tpu.memory_space<hbm>>
        %dma_wait3A_66 = tpu.memref_squeeze %dma_wait3A_65 : memref<1x400x128xf32, #tpu.memory_space<hbm>> -> memref<400x128xf32, #tpu.memory_space<hbm>>
        %dma_wait3A_67 = arith.constant 9600 : i32
        %dma_wait3A_68 = arith.constant 0 : i32
        %dma_wait3A_69 = tpu.memref_slice %arg10[%dma_wait3A_67, %dma_wait3A_68] : memref<10000x128xf32, #tpu.memory_space<vmem_shared>> -> memref<400x128xf32, #tpu.memory_space<vmem_shared>>
        tpu.wait_dma2 semaphore(%run_scoped3A_55 : memref<!tpu.dma_semaphore, #tpu.memory_space<semaphore_mem>>) src(%dma_wait3A_69 : memref<400x128xf32, #tpu.memory_space<vmem_shared>>) dst(%dma_wait3A_66 : memref<400x128xf32, #tpu.memory_space<hbm>>)
        tpu.yield
      }) : () -> ()
    } else {
    }
    return
  }
}

module attributes {stable_mosaic.version = 14 : i64} {
  func.func @_mid_body(%arg0: i32, %arg1: memref<2x1000x128xf32, #tpu.memory_space<vmem>>, %arg2: memref<1000x128xf32, #tpu.memory_space<vmem>>, %arg3: memref<1000x1xf32, #tpu.memory_space<vmem>>, %arg4: memref<1x128xf32, #tpu.memory_space<vmem>>, %arg5: memref<128x128xf32, #tpu.memory_space<vmem>>, %arg6: memref<1000x128xf32, #tpu.memory_space<vmem>>) attributes {dimension_semantics = [#tpu.dimension_semantics<arbitrary>], iteration_bounds = array<i64: 10>, scalar_prefetch = 0 : i64, scratch_operands = 0 : i64, tpu.core_type = #tpu.core_type<tc>, window_params = [{transform_indices = @transform_0, window_bounds = array<i64: 2, 1000, 128>}, {transform_indices = @transform_1, window_bounds = array<i64: 1000, 128>}, {transform_indices = @transform_2, window_bounds = array<i64: 1000, 1>}, {pipeline_mode = #tpu.pipeline_mode<synchronous>, transform_indices = @transform_3, window_bounds = array<i64: 1, 128>}, {pipeline_mode = #tpu.pipeline_mode<synchronous>, transform_indices = @transform_4, window_bounds = array<i64: 128, 128>}, {transform_indices = @transform_5, window_bounds = array<i64: 1000, 128>}]} {
    %get3A = arith.constant 0 : index
    %get3A_0 = arith.constant 0 : index
    %get3A_1 = vector.load %arg3[%get3A, %get3A_0] : memref<1000x1xf32, #tpu.memory_space<vmem>>, vector<1000x1xf32>
    %get3A_2 = arith.constant 0 : index
    %get3A_3 = arith.constant 0 : index
    %get3A_4 = arith.constant 0 : index
    %get3A_5 = vector.load %arg1[%get3A_2, %get3A_3, %get3A_4] : memref<2x1000x128xf32, #tpu.memory_space<vmem>>, vector<1x1000x128xf32>
    %get3A_6 = vector.shape_cast %get3A_5 : vector<1x1000x128xf32> to vector<1000x128xf32>
    %get3A_7 = arith.constant 1 : index
    %get3A_8 = arith.constant 0 : index
    %get3A_9 = arith.constant 0 : index
    %get3A_10 = vector.load %arg1[%get3A_7, %get3A_8, %get3A_9] : memref<2x1000x128xf32, #tpu.memory_space<vmem>>, vector<1x1000x128xf32>
    %get3A_11 = vector.shape_cast %get3A_10 : vector<1x1000x128xf32> to vector<1000x128xf32>
    %add3A = arith.addf %get3A_6, %get3A_11 : vector<1000x128xf32>
    %get3A_12 = arith.constant 0 : index
    %get3A_13 = arith.constant 0 : index
    %get3A_14 = vector.load %arg2[%get3A_12, %get3A_13] : memref<1000x128xf32, #tpu.memory_space<vmem>>, vector<1000x128xf32>
    %sub3A = arith.subf %add3A, %get3A_14 : vector<1000x128xf32>
    %mul3A = vector.broadcast %get3A_1 : vector<1000x1xf32> to vector<1000x128xf32>
    %mul3A_15 = arith.mulf %sub3A, %mul3A : vector<1000x128xf32>
    %get3A_16 = arith.constant 0 : index
    %get3A_17 = arith.constant 0 : index
    %get3A_18 = vector.load %arg4[%get3A_16, %get3A_17] : memref<1x128xf32, #tpu.memory_space<vmem>>, vector<1x128xf32>
    %add3A_19 = vector.broadcast %get3A_18 : vector<1x128xf32> to vector<1000x128xf32>
    %add3A_20 = arith.addf %mul3A_15, %add3A_19 : vector<1000x128xf32>
    %max3A = arith.constant 0.000000e+00 : f32
    %max3A_21 = vector.broadcast %max3A : f32 to vector<1000x128xf32>
    %max3A_22 = arith.maximumf %add3A_20, %max3A_21 : vector<1000x128xf32>
    %get3A_23 = arith.constant 0 : index
    %get3A_24 = arith.constant 0 : index
    %get3A_25 = vector.load %arg5[%get3A_23, %get3A_24] : memref<128x128xf32, #tpu.memory_space<vmem>>, vector<128x128xf32>
    %dot_general3A = arith.constant dense<0.000000e+00> : vector<1000x128xf32>
    %dot_general3A_26 = tpu.matmul %max3A_22, %get3A_25, %dot_general3A {dimension_numbers = #tpu.dot_dimension_numbers<[1], [0], [0], [1], [0, 0, 1, 1], [], []>, transpose_lhs_hint = false} : vector<1000x128xf32>, vector<128x128xf32>, vector<1000x128xf32> -> vector<1000x128xf32>
    %mul3A_27 = vector.broadcast %get3A_1 : vector<1000x1xf32> to vector<1000x128xf32>
    %mul3A_28 = arith.mulf %dot_general3A_26, %mul3A_27 : vector<1000x128xf32>
    %swap3A = arith.constant 0 : index
    %swap3A_29 = arith.constant 0 : index
    %swap3A_30 = vector.load %arg6[%swap3A, %swap3A_29] : memref<1000x128xf32, #tpu.memory_space<vmem>>, vector<1000x128xf32>
    tpu.vector_store %arg6[%swap3A, %swap3A_29], %mul3A_28 {strides = array<i32>} : memref<1000x128xf32, #tpu.memory_space<vmem>>, vector<1000x128xf32>,
    return
  }
  func.func @transform_0(%arg0: i32) -> (i32, i32, i32) {
    %c0_i32 = arith.constant 0 : i32
    %c0_i32_0 = arith.constant 0 : i32
    %c0_i32_1 = arith.constant 0 : i32
    return %c0_i32, %arg0, %c0_i32_0 : i32, i32, i32
  }
  func.func @transform_1(%arg0: i32) -> (i32, i32) {
    %c0_i32 = arith.constant 0 : i32
    %c0_i32_0 = arith.constant 0 : i32
    return %arg0, %c0_i32 : i32, i32
  }
  func.func @transform_2(%arg0: i32) -> (i32, i32) {
    %c0_i32 = arith.constant 0 : i32
    %c0_i32_0 = arith.constant 0 : i32
    return %arg0, %c0_i32 : i32, i32
  }
  func.func @transform_3(%arg0: i32) -> (i32, i32) {
    %c0_i32 = arith.constant 0 : i32
    %c0_i32_0 = arith.constant 0 : i32
    %c0_i32_1 = arith.constant 0 : i32
    return %c0_i32, %c0_i32_0 : i32, i32
  }
  func.func @transform_4(%arg0: i32) -> (i32, i32) {
    %c0_i32 = arith.constant 0 : i32
    %c0_i32_0 = arith.constant 0 : i32
    %c0_i32_1 = arith.constant 0 : i32
    return %c0_i32, %c0_i32_0 : i32, i32
  }
  func.func @transform_5(%arg0: i32) -> (i32, i32) {
    %c0_i32 = arith.constant 0 : i32
    %c0_i32_0 = arith.constant 0 : i32
    return %arg0, %c0_i32 : i32, i32
  }
}

module attributes {stable_mosaic.version = 14 : i64} {
  func.func @_mm1_body(%arg0: i32, %arg1: memref<1000x124xf32, #tpu.memory_space<vmem>>, %arg2: memref<1000x4xf32, #tpu.memory_space<vmem>>, %arg3: memref<128x128xf32, #tpu.memory_space<vmem>>, %arg4: memref<2x1000x16xf32, #tpu.memory_space<vmem>>, %arg5: memref<1000x128xf32, #tpu.memory_space<vmem>>, %arg6: memref<1000x1xf32, #tpu.memory_space<vmem>>) attributes {dimension_semantics = [#tpu.dimension_semantics<arbitrary>], iteration_bounds = array<i64: 10>, scalar_prefetch = 0 : i64, scratch_operands = 0 : i64, tpu.core_type = #tpu.core_type<tc>, window_params = [{transform_indices = @transform_0, window_bounds = array<i64: 1000, 124>}, {pipeline_mode = #tpu.pipeline_mode<synchronous>, transform_indices = @transform_1, window_bounds = array<i64: 1000, 4>}, {pipeline_mode = #tpu.pipeline_mode<synchronous>, transform_indices = @transform_2, window_bounds = array<i64: 128, 128>}, {transform_indices = @transform_3, window_bounds = array<i64: 2, 1000, 16>}, {transform_indices = @transform_4, window_bounds = array<i64: 1000, 128>}, {transform_indices = @transform_5, window_bounds = array<i64: 1000, 1>}]} {
    %get3A = arith.constant 0 : index
    %get3A_0 = arith.constant 0 : index
    %get3A_1 = arith.constant 0 : index
    %get3A_2 = vector.load %arg4[%get3A, %get3A_0, %get3A_1] : memref<2x1000x16xf32, #tpu.memory_space<vmem>>, vector<1x1000x1xf32>
    %get3A_3 = vector.shape_cast %get3A_2 : vector<1x1000x1xf32> to vector<1000x1xf32>
    %get3A_4 = arith.constant 1 : index
    %get3A_5 = arith.constant 0 : index
    %get3A_6 = arith.constant 0 : index
    %get3A_7 = vector.load %arg4[%get3A_4, %get3A_5, %get3A_6] : memref<2x1000x16xf32, #tpu.memory_space<vmem>>, vector<1x1000x1xf32>
    %get3A_8 = vector.shape_cast %get3A_7 : vector<1x1000x1xf32> to vector<1000x1xf32>
    %add3A = arith.addf %get3A_3, %get3A_8 : vector<1000x1xf32>
    %sub3A = arith.constant 1.000000e+00 : f32
    %sub3A_9 = vector.broadcast %sub3A : f32 to vector<1000x1xf32>
    %sub3A_10 = arith.subf %add3A, %sub3A_9 : vector<1000x1xf32>
    %rsqrt3A = math.rsqrt %sub3A_10 : vector<1000x1xf32>
    %get3A_11 = arith.constant 0 : index
    %get3A_12 = arith.constant 0 : index
    %get3A_13 = vector.load %arg1[%get3A_11, %get3A_12] : memref<1000x124xf32, #tpu.memory_space<vmem>>, vector<1000x124xf32>
    %get3A_14 = arith.constant 0 : index
    %get3A_15 = arith.constant 0 : index
    %get3A_16 = vector.load %arg2[%get3A_14, %get3A_15] : memref<1000x4xf32, #tpu.memory_space<vmem>>, vector<1000x4xf32>
    %concatenate3A = tpu.concatenate %get3A_13, %get3A_16 in 1 : vector<1000x124xf32>, vector<1000x4xf32> -> vector<1000x128xf32>
    %get3A_17 = arith.constant 0 : index
    %get3A_18 = arith.constant 0 : index
    %get3A_19 = vector.load %arg3[%get3A_17, %get3A_18] : memref<128x128xf32, #tpu.memory_space<vmem>>, vector<128x128xf32>
    %dot_general3A = arith.constant dense<0.000000e+00> : vector<1000x128xf32>
    %dot_general3A_20 = tpu.matmul %concatenate3A, %get3A_19, %dot_general3A {dimension_numbers = #tpu.dot_dimension_numbers<[1], [0], [0], [1], [0, 0, 1, 1], [], []>, transpose_lhs_hint = false} : vector<1000x128xf32>, vector<128x128xf32>, vector<1000x128xf32> -> vector<1000x128xf32>
    %mul3A = vector.broadcast %rsqrt3A : vector<1000x1xf32> to vector<1000x128xf32>
    %mul3A_21 = arith.mulf %dot_general3A_20, %mul3A : vector<1000x128xf32>
    %swap3A = arith.constant 0 : index
    %swap3A_22 = arith.constant 0 : index
    %swap3A_23 = vector.load %arg5[%swap3A, %swap3A_22] : memref<1000x128xf32, #tpu.memory_space<vmem>>, vector<1000x128xf32>
    tpu.vector_store %arg5[%swap3A, %swap3A_22], %mul3A_21 {strides = array<i32>} : memref<1000x128xf32, #tpu.memory_space<vmem>>, vector<1000x128xf32>,
    %swap3A_24 = arith.constant 0 : index
    %swap3A_25 = arith.constant 0 : index
    %swap3A_26 = vector.load %arg6[%swap3A_24, %swap3A_25] : memref<1000x1xf32, #tpu.memory_space<vmem>>, vector<1000x1xf32>
    tpu.vector_store %arg6[%swap3A_24, %swap3A_25], %rsqrt3A {strides = array<i32>} : memref<1000x1xf32, #tpu.memory_space<vmem>>, vector<1000x1xf32>,
    return
  }
  func.func @transform_0(%arg0: i32) -> (i32, i32) {
    %c0_i32 = arith.constant 0 : i32
    %c0_i32_0 = arith.constant 0 : i32
    return %arg0, %c0_i32 : i32, i32
  }
  func.func @transform_1(%arg0: i32) -> (i32, i32) {
    %c0_i32 = arith.constant 0 : i32
    %c0_i32_0 = arith.constant 0 : i32
    %c0_i32_1 = arith.constant 0 : i32
    return %c0_i32, %c0_i32_0 : i32, i32
  }
  func.func @transform_2(%arg0: i32) -> (i32, i32) {
    %c0_i32 = arith.constant 0 : i32
    %c0_i32_0 = arith.constant 0 : i32
    %c0_i32_1 = arith.constant 0 : i32
    return %c0_i32, %c0_i32_0 : i32, i32
  }
  func.func @transform_3(%arg0: i32) -> (i32, i32, i32) {
    %c0_i32 = arith.constant 0 : i32
    %c0_i32_0 = arith.constant 0 : i32
    %c0_i32_1 = arith.constant 0 : i32
    return %c0_i32, %arg0, %c0_i32_0 : i32, i32, i32
  }
  func.func @transform_4(%arg0: i32) -> (i32, i32) {
    %c0_i32 = arith.constant 0 : i32
    %c0_i32_0 = arith.constant 0 : i32
    return %arg0, %c0_i32 : i32, i32
  }
  func.func @transform_5(%arg0: i32) -> (i32, i32) {
    %c0_i32 = arith.constant 0 : i32
    %c0_i32_0 = arith.constant 0 : i32
    return %arg0, %c0_i32 : i32, i32
  }
}

module attributes {stable_mosaic.version = 14 : i64} {
  func.func @_fin_body(%arg0: i32, %arg1: memref<2x1000x128xf32, #tpu.memory_space<vmem>>, %arg2: memref<1000x128xf32, #tpu.memory_space<vmem>>, %arg3: memref<1000x1xf32, #tpu.memory_space<vmem>>, %arg4: memref<1x128xf32, #tpu.memory_space<vmem>>, %arg5: memref<100x1000xf32, #tpu.memory_space<vmem>>, %arg6: memref<128x32xf32, #tpu.memory_space<vmem>>, %arg7: memref<1x32xf32, #tpu.memory_space<vmem>>, %arg8: memref<1x100x32xf32, #tpu.memory_space<vmem>>) attributes {dimension_semantics = [#tpu.dimension_semantics<arbitrary>], iteration_bounds = array<i64: 10>, scalar_prefetch = 0 : i64, scratch_operands = 0 : i64, tpu.core_type = #tpu.core_type<tc>, window_params = [{transform_indices = @transform_0, window_bounds = array<i64: 2, 1000, 128>}, {transform_indices = @transform_1, window_bounds = array<i64: 1000, 128>}, {transform_indices = @transform_2, window_bounds = array<i64: 1000, 1>}, {pipeline_mode = #tpu.pipeline_mode<synchronous>, transform_indices = @transform_3, window_bounds = array<i64: 1, 128>}, {pipeline_mode = #tpu.pipeline_mode<synchronous>, transform_indices = @transform_4, window_bounds = array<i64: 100, 1000>}, {pipeline_mode = #tpu.pipeline_mode<synchronous>, transform_indices = @transform_5, window_bounds = array<i64: 128, 32>}, {pipeline_mode = #tpu.pipeline_mode<synchronous>, transform_indices = @transform_6, window_bounds = array<i64: 1, 32>}, {transform_indices = @transform_7, window_bounds = array<i64: 1, 100, 32>}]} {
    %get3A = arith.constant 0 : index
    %get3A_0 = arith.constant 0 : index
    %get3A_1 = arith.constant 0 : index
    %get3A_2 = vector.load %arg1[%get3A, %get3A_0, %get3A_1] : memref<2x1000x128xf32, #tpu.memory_space<vmem>>, vector<1x1000x128xf32>
    %get3A_3 = vector.shape_cast %get3A_2 : vector<1x1000x128xf32> to vector<1000x128xf32>
    %get3A_4 = arith.constant 1 : index
    %get3A_5 = arith.constant 0 : index
    %get3A_6 = arith.constant 0 : index
    %get3A_7 = vector.load %arg1[%get3A_4, %get3A_5, %get3A_6] : memref<2x1000x128xf32, #tpu.memory_space<vmem>>, vector<1x1000x128xf32>
    %get3A_8 = vector.shape_cast %get3A_7 : vector<1x1000x128xf32> to vector<1000x128xf32>
    %add3A = arith.addf %get3A_3, %get3A_8 : vector<1000x128xf32>
    %get3A_9 = arith.constant 0 : index
    %get3A_10 = arith.constant 0 : index
    %get3A_11 = vector.load %arg2[%get3A_9, %get3A_10] : memref<1000x128xf32, #tpu.memory_space<vmem>>, vector<1000x128xf32>
    %sub3A = arith.subf %add3A, %get3A_11 : vector<1000x128xf32>
    %get3A_12 = arith.constant 0 : index
    %get3A_13 = arith.constant 0 : index
    %get3A_14 = vector.load %arg3[%get3A_12, %get3A_13] : memref<1000x1xf32, #tpu.memory_space<vmem>>, vector<1000x1xf32>
    %mul3A = vector.broadcast %get3A_14 : vector<1000x1xf32> to vector<1000x128xf32>
    %mul3A_15 = arith.mulf %sub3A, %mul3A : vector<1000x128xf32>
    %get3A_16 = arith.constant 0 : index
    %get3A_17 = arith.constant 0 : index
    %get3A_18 = vector.load %arg4[%get3A_16, %get3A_17] : memref<1x128xf32, #tpu.memory_space<vmem>>, vector<1x128xf32>
    %add3A_19 = vector.broadcast %get3A_18 : vector<1x128xf32> to vector<1000x128xf32>
    %add3A_20 = arith.addf %mul3A_15, %add3A_19 : vector<1000x128xf32>
    %get3A_21 = arith.constant 0 : index
    %get3A_22 = arith.constant 0 : index
    %get3A_23 = vector.load %arg5[%get3A_21, %get3A_22] : memref<100x1000xf32, #tpu.memory_space<vmem>>, vector<100x1000xf32>
    %dot_general3A = arith.constant dense<0.000000e+00> : vector<100x128xf32>
    %dot_general3A_24 = tpu.matmul %get3A_23, %add3A_20, %dot_general3A {dimension_numbers = #tpu.dot_dimension_numbers<[1], [0], [0], [1], [0, 0, 1, 1], [], []>, transpose_lhs_hint = false} : vector<100x1000xf32>, vector<1000x128xf32>, vector<100x128xf32> -> vector<100x128xf32>
    %get3A_25 = arith.constant 0 : index
    %get3A_26 = arith.constant 0 : index
    %get3A_27 = vector.load %arg6[%get3A_25, %get3A_26] : memref<128x32xf32, #tpu.memory_space<vmem>>, vector<128x32xf32>
    %dot_general3A_28 = arith.constant dense<0.000000e+00> : vector<100x32xf32>
    %dot_general3A_29 = tpu.matmul %dot_general3A_24, %get3A_27, %dot_general3A_28 {dimension_numbers = #tpu.dot_dimension_numbers<[1], [0], [0], [1], [0, 0, 1, 1], [], []>, transpose_lhs_hint = false} : vector<100x128xf32>, vector<128x32xf32>, vector<100x32xf32> -> vector<100x32xf32>
    %get3A_30 = arith.constant 0 : index
    %get3A_31 = arith.constant 0 : index
    %get3A_32 = vector.load %arg7[%get3A_30, %get3A_31] : memref<1x32xf32, #tpu.memory_space<vmem>>, vector<1x32xf32>
    %add3A_33 = vector.broadcast %get3A_32 : vector<1x32xf32> to vector<100x32xf32>
    %add3A_34 = arith.addf %dot_general3A_29, %add3A_33 : vector<100x32xf32>
    %tanh3A = math.tanh %add3A_34 : vector<100x32xf32>
    %swap3A = arith.constant 0 : index
    %swap3A_35 = arith.constant 0 : index
    %swap3A_36 = arith.constant 0 : index
    %swap3A_37 = vector.load %arg8[%swap3A, %swap3A_35, %swap3A_36] : memref<1x100x32xf32, #tpu.memory_space<vmem>>, vector<1x100x32xf32>
    %swap3A_38 = vector.shape_cast %swap3A_37 : vector<1x100x32xf32> to vector<100x32xf32>
    %swap3A_39 = vector.shape_cast %tanh3A : vector<100x32xf32> to vector<1x100x32xf32>
    tpu.vector_store %arg8[%swap3A, %swap3A_35, %swap3A_36], %swap3A_39 {strides = array<i32>} : memref<1x100x32xf32, #tpu.memory_space<vmem>>, vector<1x100x32xf32>,
    return
  }
  func.func @transform_0(%arg0: i32) -> (i32, i32, i32) {
    %c0_i32 = arith.constant 0 : i32
    %c0_i32_0 = arith.constant 0 : i32
    %c0_i32_1 = arith.constant 0 : i32
    return %c0_i32, %arg0, %c0_i32_0 : i32, i32, i32
  }
  func.func @transform_1(%arg0: i32) -> (i32, i32) {
    %c0_i32 = arith.constant 0 : i32
    %c0_i32_0 = arith.constant 0 : i32
    return %arg0, %c0_i32 : i32, i32
  }
  func.func @transform_2(%arg0: i32) -> (i32, i32) {
    %c0_i32 = arith.constant 0 : i32
    %c0_i32_0 = arith.constant 0 : i32
    return %arg0, %c0_i32 : i32, i32
  }
  func.func @transform_3(%arg0: i32) -> (i32, i32) {
    %c0_i32 = arith.constant 0 : i32
    %c0_i32_0 = arith.constant 0 : i32
    %c0_i32_1 = arith.constant 0 : i32
    return %c0_i32, %c0_i32_0 : i32, i32
  }
  func.func @transform_4(%arg0: i32) -> (i32, i32) {
    %c0_i32 = arith.constant 0 : i32
    %c0_i32_0 = arith.constant 0 : i32
    %c0_i32_1 = arith.constant 0 : i32
    return %c0_i32, %c0_i32_0 : i32, i32
  }
  func.func @transform_5(%arg0: i32) -> (i32, i32) {
    %c0_i32 = arith.constant 0 : i32
    %c0_i32_0 = arith.constant 0 : i32
    %c0_i32_1 = arith.constant 0 : i32
    return %c0_i32, %c0_i32_0 : i32, i32
  }
  func.func @transform_6(%arg0: i32) -> (i32, i32) {
    %c0_i32 = arith.constant 0 : i32
    %c0_i32_0 = arith.constant 0 : i32
    %c0_i32_1 = arith.constant 0 : i32
    return %c0_i32, %c0_i32_0 : i32, i32
  }
  func.func @transform_7(%arg0: i32) -> (i32, i32, i32) {
    %c0_i32 = arith.constant 0 : i32
    %c0_i32_0 = arith.constant 0 : i32
    %c0_i32_1 = arith.constant 0 : i32
    return %arg0, %c0_i32, %c0_i32_0 : i32, i32, i32
  }
}

</mosaic_0001>

<sc_bundles>
// kernel: kernel.10.cloned.1.call-start
scs
__scs_entry_jumppad:
0x0: {  	(pc) =	sbr.rel $0x88, $3  }
0x1: {  	(tag) =	ssettag $0x0;
	lr =	simm.s32 $0x1  }
0x2: {  	[smem:$0x3F96] =	sst lr;
	_ =	strace $0xD0000000  }
0x3: {  	_ = 	snop  }
0x4: {  	_ = 	snop  }
0x5: {  	_ = 	snop  }
0x6: {  	_ = 	snop  }
0x7: {  	_ = 	snop  }
__scs_overlays_trampoline_lowered:
0x8: {  	[smem:$0x3FA5] =	sst s0  }
0x9: {  	[smem:$0x3FA6] =	sst s1  }
0xa: {  	[smem:$0x3FA7] =	sst s2  }
0xb: {  	[smem:$0x3FA8] =	sst s3  }
0xc: {  	[smem:$0x3FA9] =	sst s4  }
0xd: {  	[smem:$0x3FAA] =	sst s5  }
0xe: {  	[smem:$0x3FAB] =	sst s6  }
0xf: {  	[smem:$0x3FAC] =	sst s7  }
0x10: {  	[smem:$0x3FAD] =	sst s8  }
0x11: {  	[smem:$0x3FAE] =	sst s9;
	s0 =	simm.s32 @!p0 $0x0  }
0x12: {  	s1 =	sld [smem:$0x3F94];
	s0 =	simm.s32 @p0 $0x1  }
0x13: {  	[smem:$0x3FAF] =	sst s0;
	s0 =	simm.s32 @!p1 $0x0  }
0x14: {  	s2 =	sld [smem:$0x3F93];
	s0 =	simm.s32 @p1 $0x1  }
0x15: {  	[smem:$0x3FB0] =	sst s0;
	s0 =	simm.s32 @!p2 $0x0  }
0x16: {  	s3 =	sld [smem:$0x3FDB];
	s0 =	simm.s32 @p2 $0x1  }
0x17: {  	s4 =	simm.s32 $0x1BF5;
	[smem:$0x3FB2] =	sst s0  }
0x18: {  	s0 =	sld [smem:$0x3F95];
	_ =	swait.ge [sflag:s4], $0x0  }
0x19: {  	s7 =	sld [smem:$0x3F96]  }
0x1a: {  	s8 =	sadd.s32 $0xFFFFE003, lr  }
0x1b: {  	s9 =	sadd.s32 $0xFFFFFEF7, lr;
	s5 =	simm.s32 $0xFFFFFFFF;
	p2 =	slt.u32 s8, $0xFFFFF086  }
0x1c: {  	p1 =	slt.u32 s9, $0xF7A;
	s5 =	simm.s32 @!p2 $0x0  }
0x1d: {  	s5 =	simm.s32 @p1 $0x1;
	p0 =	seq.s32 s7, s2  }
0x1e: {  	s7 =	smul.u32 @!p0 $0xF7A, s2;
	p2 =	seq.s32 @!p0 s5, $0x0  }
0x1f: {  	s9 =	smul.u32 $0xF7A, s1;
	s8 =	simm.s32 @!p0 $0x1BF5;
	p2 =	por !p2, p0  }
0x20: {  	[sflag:s8] =	ssyncset.s32 @!p0 $0xFFFFF086;
	s6 =	sadd.s32 @!p0 s3, s7;
	s7 =	simm.s32 @!p0 $0x108  }
0x21: {  	s3 =	sadd.s32 s3, s9;
	s6 =	sadd.s32 @!p0 $0x88, s6;
	s7 =	simm.s32 @p2 $0x1082  }
0x22: {  	[simem:s7], [sflag:s8] =	dma.local @!p0 [hbm:s6], $0xF7A  }
0x23: {  	s9 =	sor.u32 $0xD0000000, s2;
	s6 =	simm.s32 $0x108;
	_ =	swait.ge @!p0 [sflag:s8], $0x0  }
0x24: {  	s3 =	sadd.s32 $0x88, s3;
	s6 =	simm.s32 @!p1 $0x1082;
	[sflag:s4] =	ssyncset.s32 $0xFFFFF086  }
0x25: {  	[simem:s6], [sflag:s4] =	dma.local [hbm:s3], $0xF7A  }
0x26: {  	[smem:$0x3F96] =	sst s1;
	(tag) =	ssettag s2;
	_ =	strace s9  }
0x27: {  	s1 =	sld [smem:$0x3FA6]  }
0x28: {  	s2 =	sld [smem:$0x3FA7]  }
0x29: {  	s4 =	sld [smem:$0x3FA9]  }
0x2a: {  	p0 =	seq.s32 s5, $0x0;
	s5 =	sld [smem:$0x3FAA]  }
0x2b: {  	s6 =	sld [smem:$0x3FAB]  }
0x2c: {  	s7 =	sld [smem:$0x3FAC]  }
0x2d: {  	s3 =	simm.s32 $0x108;
	s8 =	sld [smem:$0x3FAD]  }
0x2e: {  	s3 =	simm.s32 @!p0 $0x1082;
	s9 =	sld [smem:$0x3FAE]  }
0x2f: {  	lr =	sadd.s32 s0, s3;
	s0 =	sld [smem:$0x3FA5]  }
0x30: {  	s3 =	sld [smem:$0x3FA8]  }
0x31: {  	[smem:$0x3FB1] =	sst s10  }
0x32: {  	s10 =	sld [smem:$0x3FAF];
	_ =	sdelay $0x3  }
0x33: {  	p0 =	seq.s32 s10, $0x1;
	s10 =	sld [smem:$0x3FB1];
	_ =	sdelay $0x3  }
0x34: {  	[smem:$0x3FB1] =	sst s10  }
0x35: {  	s10 =	sld [smem:$0x3FB0];
	_ =	sdelay $0x3  }
0x36: {  	p1 =	seq.s32 s10, $0x1;
	s10 =	sld [smem:$0x3FB1];
	_ =	sdelay $0x3  }
0x37: {  	[smem:$0x3FB1] =	sst s10  }
0x38: {  	s10 =	sld [smem:$0x3FB2]  }
0x39: {  	_ = 	snop;
	(pc) =	sbr.ind lr, $3  }
0x3a: {  	_ = 	snop  }
0x3b: {  	_ = 	snop  }
0x3c: {  	p2 =	seq.s32 s10, $0x1;
	s10 =	sld [smem:$0x3FB1]  }
0x3d: {  	_ =	shalt  }
0x3e: {  	_ =	shalt  }
0x3f: {  	_ =	shalt  }
0x40: {  	_ =	shalt  }
0x41: {  	_ =	shalt  }
0x42: {  	_ =	shalt  }
0x43: {  	_ =	shalt  }
0x44: {  	_ =	shalt  }
0x45: {  	_ =	shalt  }
0x46: {  	_ =	shalt  }
0x47: {  	_ =	shalt  }
0x48: {  	_ =	shalt  }
0x49: {  	_ =	shalt  }
0x4a: {  	_ =	shalt  }
0x4b: {  	_ =	shalt  }
0x4c: {  	_ =	shalt  }
0x4d: {  	_ =	shalt  }
0x4e: {  	_ =	shalt  }
0x4f: {  	_ =	shalt  }
0x50: {  	_ =	shalt  }
0x51: {  	_ =	shalt  }
0x52: {  	_ =	shalt  }
0x53: {  	_ =	shalt  }
0x54: {  	_ =	shalt  }
0x55: {  	_ =	shalt  }
0x56: {  	_ =	shalt  }
0x57: {  	_ =	shalt  }
0x58: {  	_ =	shalt  }
0x59: {  	_ =	shalt  }
0x5a: {  	_ =	shalt  }
0x5b: {  	_ =	shalt  }
0x5c: {  	_ =	shalt  }
0x5d: {  	_ =	shalt  }
0x5e: {  	_ =	shalt  }
0x5f: {  	_ =	shalt  }
0x60: {  	_ =	shalt  }
0x61: {  	_ =	shalt  }
0x62: {  	_ =	shalt  }
0x63: {  	_ =	shalt  }
0x64: {  	_ =	shalt  }
0x65: {  	_ =	shalt  }
0x66: {  	_ =	shalt  }
0x67: {  	_ =	shalt  }
0x68: {  	_ =	shalt  }
0x69: {  	_ =	shalt  }
0x6a: {  	_ =	shalt  }
0x6b: {  	_ =	shalt  }
0x6c: {  	_ =	shalt  }
0x6d: {  	_ =	shalt  }
0x6e: {  	_ =	shalt  }
0x6f: {  	_ =	shalt  }
0x70: {  	_ =	shalt  }
0x71: {  	_ =	shalt  }
0x72: {  	_ =	shalt  }
0x73: {  	_ =	shalt  }
0x74: {  	_ =	shalt  }
0x75: {  	_ =	shalt  }
0x76: {  	_ =	shalt  }
0x77: {  	_ =	shalt  }
0x78: {  	_ =	shalt  }
0x79: {  	_ =	shalt  }
0x7a: {  	_ =	shalt  }
0x7b: {  	_ =	shalt  }
0x7c: {  	_ =	shalt  }
0x7d: {  	_ =	shalt  }
0x7e: {  	_ =	shalt  }
0x7f: {  	_ =	shalt  }
0x80: {  	_ =	shalt  }
0x81: {  	_ =	shalt  }
0x82: {  	_ =	shalt  }
0x83: {  	_ =	shalt  }
0x84: {  	_ =	shalt  }
0x85: {  	_ =	shalt  }
0x86: {  	_ =	shalt  }
0x87: {  	_ =	shalt  }
.Lfunc_end0:
.L_simem_size_0:
called_computation_lowered:
.L_overlay_start_0:
0x88: {  	s2 =	sld [smem:$0x3FD9]  }
0x89: {  	s3 =	sld [smem:$0x3FFE];
	_ =	sdelay $0x1  }
0x8a: {  	s1 =	srdreg.scid  }
0x8b: {  	s0 =	sand.u32 $0x1, s1  }
0x8c: {  	s17 =	sshll.u32 s0, $0xA;
	s2 =	sadd.s32 s3, s2  }
0x8d: {  	s2 =	sadd.s32 s2, s17  }
0x8e: {  	[smem:$0x3FBD] =	sst s2  }
0x8f: {  	_ = 	snop  }
0x90: {  	s2 =	sld [smem:$0x3FD0];
	(tm) =	ssettm $0x1  }
0x91: {  	s18 =	sld [smem:$0x3FFB];
	_ =	sdelay $0x3  }
0x92: {  	_ =	strace s18  }
0x93: {  	s3 =	sld [smem:$0x3FFC];
	_ =	sdelay $0x3  }
0x94: {  	_ =	strace s3  }
0x95: {  	s3 =	sld [smem:$0x3FFD];
	_ =	sdelay $0x3  }
0x96: {  	_ =	strace s3  }
0x97: {  	_ =	strace $0x8FFFFFFF  }
0x98: {  	s19 =	sld [smem:$0x3FDB];
	_ =	sdelay $0x1  }
0x99: {  	s4 =	simm.s32 $_scs_section_size  }
0x9a: {  	s5 =	simm.s32 $_size__tile_overlayer_lowered;
	s6 =	simm.s32 $_tile_overlayer_lowered  }
0x9b: {  	s22 =	simm.s32 $0x1BFF;
	s21 =	sshll.u32 s6, $0x1;
	s3 =	sadd.s32 s4, s19  }
0x9c: {  	s7 =	simm.s32 $0x0;
	s20 =	sshll.u32 s5, $0x1;
	s5 =	sadd.s32 s21, s3  }
0x9d: {  	[timem:s7], [sflag:s22] =	dma.local [hbm:s5], s20  }
0x9e: {  	_ =	swait.ge [sflag:s22], s20  }
0x9f: {  	s4 =	ssub.s32 $0x0, s20;
	[sflag:s22] =	ssyncset.done $0x0  }
0xa0: {  	[sflag:s22] =	ssyncadd.s32 s4;
	_ =	sdelay $0x1  }
0xa1: {  	s23 =	simm.s32 $0x1B8B  }
0xa2: {  	_ =	swait.ge [sflag:s23], $0x1  }
0xa3: {  	[sflag:s23] =	ssyncset.done $0x0  }
0xa4: {  	s25 =	simm.s32 $0x1B8E;
	s24 =	sld [smem:$0x3FFE];
	[sflag:s23] =	ssyncadd.s32 $0xFFFFFFFF  }
0xa5: {  	s26 =	simm.s32 $execute0_lowered;
	[smem:$0x3FD2] =	sst s25  }
0xa6: {  	s5 =	sshll.u32 s26, $0x1;
	_ =	strace $0x80000046;
	[dreg:$0x1] =	wrdreg $0xFFFFFFFF  }
0xa7: {  	s28 =	simm.s32 $_size_execute0_lowered;
	s3 =	sadd.s32 s3, s5;
	[dreg:$0x0] =	wrdreg $0x0  }
0xa8: {  	s5 =	sshll.u32 s28, $0x1;
	[dreg:$0x2] =	wrdreg s3  }
0xa9: {  	[dreg:$0x3] =	wrdreg s5  }
0xaa: {  	[dreg:$0x4] =	wrdreg $0xC0  }
0xab: {  	_ =	task [dreg:s7], $0x5FFFF  }
0xac: {  	[dreg:$0x1] =	wrdreg $0xFFFFFFFF  }
0xad: {  	[dreg:$0x0] =	wrdreg $0x60  }
0xae: {  	[dreg:$0x2] =	wrdreg s24  }
0xaf: {  	[dreg:$0x3] =	wrdreg s2  }
0xb0: {  	[dreg:$0x4] =	wrdreg $0x68000  }
0xb1: {  	[dreg:$0x5] =	wrdreg $0x9  }
0xb2: {  	_ =	task.clear_ibuf [dreg:s7], $0x6FFFF;
	_ =	strace $0x90000046  }
0xb3: {  	s29 =	simm.s32 $0x9;
	_ =	strace $0x80000048  }
0xb4: {  	_ =	swait.ge [sflag:s29], $0x1  }
0xb5: {  	[sflag:s29] =	ssyncadd.s32 $0xFFFFFFFF  }
0xb6: {  	_ =	strace $0x90000048  }
0xb7: {  	_ =	sfence  }
0xb8: {  	s30 =	sld [smem:$0x0];
	_ =	sdelay $0x2  }
0xb9: {  	s31 =	sshll.u32 s1, $0xD;
	s1 =	sshrl.u32 s1, $0x2  }
0xba: {  	s3 =	sand.u32 $0x4000, s31;
	s1 =	sadd.s32 s1, s30  }
0xbb: {  	s0 =	sor.u32 s3, s0;
	s1 =	sshll.u32 s1, $0x11  }
0xbc: {  	s0 =	sor.u32 s1, s0  }
0xbd: {  	s0 =	sadd.s32 $0x8F2B, s0  }
0xbe: {  	[sflag:s0] =	ssyncadd.remote.s32 $0x1  }
0xbf: {  	_ =	sfence.sel $0xFFFF  }
0xc0: {  	[dreg:$0x0] =	wrdreg $0xFFFFFFFF;
	(pc) =	sbr.abs _section_cstart, $3  }
0xc1: {  	[dreg:$0x1] =	wrdreg $0xFFFFFFFF  }
0xc2: {  	_ =	task.clear_ibuf [dreg:s7], $0x2FFFF;
	_ =	strace $0x9FFFFFFF  }
0xc3: {  	(tm) =	ssettm $0x7FFFFFFF  }
tec
execute0_lowered:
.L_overlay_start_1:
0x0: {  	(tag) =	ssettag $0x1  }
0x1: {  	s6 =	rddreg [dreg:$0x0]  }
0x2: {  	s1 =	rddreg [dreg:$0x1]  }
0x3: {  	s3 =	rddreg [dreg:$0x2]  }
0x4: {  	s0 =	rddreg [dreg:$0x3]  }
0x5: {  	s4 =	simm.s32 $0x0;
	s2 =	stileid.u32;
	s7 =	srdreg.scid  }
0x6: {  	s15 =	simm.s32 $0x2;
	s16 =	simm.s32 $0x50;
	s17 =	simm.s32 $0x1  }
0x7: {  	s18 =	simm.s32 $0x0;
	[smem:$0x7FF] =	sst s4;
	s5 =	smul.u32 $0x2800, s2  }
0x8: {  	s8 =	sshll.u32 s2, $0xB;
	s7 =	sand.u32 $0x1, s7;
	s9 =	smul.u32 $0x50000, s2  }
0x9: {  	s11 =	sadd.s32 $0x44600, s6;
	s30 =	smul.u32 $0x14000, s2;
	s14 =	sadd.s32 $0x12C000, s3  }
0xa: {  	p0 =	seq.s32 s2, $0xF;
	_ =	strace $0x80000047;
	s8 =	sadd.s32 s8, s6  }
0xb: {  	s10 =	ssub.s32 $0x2, s7;
	s29 =	smul.u32 $0x138800, s7;
	s7 =	sshll.u32 s7, $0xF  }
0xc: {  	s5 =	sadd.s32 s5, s6;
	s12 =	sshrl.u32 s10, $0x1;
	s9 =	sshrl.u32 s9, $0x2  }
0xd: {  	s6 =	sadd.s32 $0x42C00, s6;
	s7 =	sadd.s32 s7, s8;
	s10 =	ssub.s32 s10, s12  }
0xe: {  	s13 =	sadd.s32 s9, s3;
	s5 =	sadd.s32 $0x1D400, s5;
	s7 =	sadd.s32 $0xD400, s7  }
0xf: {  	s31 =	sadd.s32 s30, s29;
	s9 =	sshrl.u32 s29, $0x3;
	s12 =	sshll.u32 @!p0 s2, $0x6  }
0x10: {  	s8 =	sshrl.u32 s31, $0x3;
	s9 =	sadd.s32 s11, s9;
	s10 =	smax.u32 s10, $0x1  }
0x11: {  	s12 =	sor.u32 @!p0 $0x1C02, s12;
	s13 =	sshrl.u32 @!p0 s13, $0x3;
	s8 =	sadd.s32 s11, s8  }
0x12: {  	s9 =	sadd.s32 $0x25800, s9;
	s11 =	sshrl.u32 @p0 s14, $0x3;
	s14 =	simm.s32 $0x4000  }
.LBB2_1:
0x13: {  	s19 =	simm.s32 @p0 $0x1FC2  }
0x14: {  	[spmem:s11], [sflag:s19] =	dma.local @p0 [hbm:s6], $0x1900  }
0x15: {  	s19 =	simm.s32 @p0 $0x2  }
0x16: {  	_ =	swait.ge @p0 [sflag:s19], $0x1900  }
0x17: {  	[sflag:s19] =	ssyncset.done @p0 $0x0  }
0x18: {  	[sflag:s19] =	ssyncadd.s32 @p0 $0xFFFFE700;
	s19 =	simm.s32 @!p0 $0x2  }
0x19: {  	[spmem:s13], [sflag:s12] =	dma.local @!p0 [hbm:s5], $0x2800  }
0x1a: {  	_ =	swait.ge @!p0 [sflag:s19], $0x2800  }
0x1b: {  	[sflag:s19] =	ssyncset.done @!p0 $0x0  }
0x1c: {  	[sflag:s19] =	ssyncadd.s32 @!p0 $0xFFFFD800  }
0x1d: {  	[tilespmem:s14], [sflag:$0x2] =	stream.linear.gather [hbm4b:s1+s4], $0x2800, $0x38;
	[tilespmem:$0x8F10] =	vst v63  }
0x1e: {  	_ =	swait.ge [sflag:s15], $0x2800  }
0x1f: {  	[sflag:s15] =	ssyncset.done $0x0  }
0x20: {  	[sflag:s15] =	ssyncadd.s32 $0xFFFFD800  }
0x21: {  	[tilespmem:s4], [sflag:$0x2] =	stream.linear.gather [hbm4b:s7+s4], $0x3E80, $0x38;
	[tilespmem:$0x8F10] =	vst v63  }
0x22: {  	_ =	swait.ge [sflag:s15], $0x3E80  }
0x23: {  	[sflag:s15] =	ssyncset.done $0x0  }
0x24: {  	[sflag:s15] =	ssyncadd.s32 $0xFFFFC180  }
0x25: {  	s26 =	simm.s32 $0x0;
	[bflag:$0x0] =	sbarrier.arrive $0xFFFF  }
0x26: {  	[spmem:s3] =	stream.indirect.scatter.add.f32 [tilespmem:s14], [sflag:$0x1], $0x10, s26, s16, $0xb8;
	[tilespmem:$0x8F10] =	vst v63  }
0x27: {  	s28 =	simm.s32 $0x80  }
0x28: {  	[spmem:s3] =	stream.indirect.scatter.add.f32 [tilespmem:s14], [sflag:$0x1], $0x10, s28, s16, $0xb8;
	[tilespmem:$0x8F10] =	vst v63  }
0x29: {  	s29 =	simm.s32 $0x100  }
0x2a: {  	[spmem:s3] =	stream.indirect.scatter.add.f32 [tilespmem:s14], [sflag:$0x1], $0x10, s29, s16, $0xb8;
	[tilespmem:$0x8F10] =	vst v63  }
0x2b: {  	s30 =	simm.s32 $0x180  }
0x2c: {  	[spmem:s3] =	stream.indirect.scatter.add.f32 [tilespmem:s14], [sflag:$0x1], $0x10, s30, s16, $0xb8;
	[tilespmem:$0x8F10] =	vst v63  }
0x2d: {  	s31 =	simm.s32 $0x200  }
0x2e: {  	[spmem:s3] =	stream.indirect.scatter.add.f32 [tilespmem:s14], [sflag:$0x1], $0x10, s31, s16, $0xb8;
	[tilespmem:$0x8F10] =	vst v63  }
0x2f: {  	_ =	swait.ge [sflag:s17], $0x500  }
0x30: {  	[sflag:s17] =	ssyncset.done $0x0  }
0x31: {  	[sflag:s17] =	ssyncadd.s32 $0xFFFFFB00  }
0x32: {  	_ =	swait.ge [sflag:s17], $0x500  }
0x33: {  	[sflag:s17] =	ssyncset.done $0x0  }
0x34: {  	[sflag:s17] =	ssyncadd.s32 $0xFFFFFB00  }
0x35: {  	_ =	swait.ge [sflag:s17], $0x500  }
0x36: {  	[sflag:s17] =	ssyncset.done $0x0  }
0x37: {  	[sflag:s17] =	ssyncadd.s32 $0xFFFFFB00  }
0x38: {  	_ =	swait.ge [sflag:s17], $0x500  }
0x39: {  	[sflag:s17] =	ssyncset.done $0x0  }
0x3a: {  	[sflag:s17] =	ssyncadd.s32 $0xFFFFFB00  }
0x3b: {  	_ =	swait.ge [sflag:s17], $0x500  }
0x3c: {  	s20 =	simm.s32 $0x1400;
	s19 =	simm.s32 $0xA00;
	[sflag:s17] =	ssyncset.done $0x0  }
.LBB2_2:
0x3d: {  	s21 =	sshra.s32 s19, $0x2  }
0x3e: {  	[sflag:s17] =	ssyncadd.s32 $0xFFFFFB00;
	s19 =	smov.u32 s20;
	s22 =	sadd.s32 $0xA00, s20  }
0x3f: {  	[spmem:s3] =	stream.indirect.scatter.add.f32 [tilespmem:s14], [sflag:$0x1], $0x10, s21, s16, $0xb8;
	[tilespmem:$0x8F10] =	vst v63  }
0x40: {  	p1 =	sne.s32 s20, $0xF000;
	s20 =	sadd.s32 $0x80, s21  }
0x41: {  	[spmem:s3] =	stream.indirect.scatter.add.f32 [tilespmem:s14], [sflag:$0x1], $0x10, s20, s16, $0xb8;
	[tilespmem:$0x8F10] =	vst v63  }
0x42: {  	s20 =	sadd.s32 $0x100, s21  }
0x43: {  	[spmem:s3] =	stream.indirect.scatter.add.f32 [tilespmem:s14], [sflag:$0x1], $0x10, s20, s16, $0xb8;
	[tilespmem:$0x8F10] =	vst v63  }
0x44: {  	s20 =	sadd.s32 $0x180, s21  }
0x45: {  	[spmem:s3] =	stream.indirect.scatter.add.f32 [tilespmem:s14], [sflag:$0x1], $0x10, s20, s16, $0xb8;
	[tilespmem:$0x8F10] =	vst v63  }
0x46: {  	s20 =	sadd.s32 $0x200, s21  }
0x47: {  	[spmem:s3] =	stream.indirect.scatter.add.f32 [tilespmem:s14], [sflag:$0x1], $0x10, s20, s16, $0xb8;
	[tilespmem:$0x8F10] =	vst v63  }
0x48: {  	_ =	swait.ge [sflag:s17], $0x500  }
0x49: {  	[sflag:s17] =	ssyncset.done $0x0  }
0x4a: {  	[sflag:s17] =	ssyncadd.s32 $0xFFFFFB00  }
0x4b: {  	_ =	swait.ge [sflag:s17], $0x500  }
0x4c: {  	[sflag:s17] =	ssyncset.done $0x0  }
0x4d: {  	[sflag:s17] =	ssyncadd.s32 $0xFFFFFB00  }
0x4e: {  	_ =	swait.ge [sflag:s17], $0x500  }
0x4f: {  	[sflag:s17] =	ssyncset.done $0x0  }
0x50: {  	[sflag:s17] =	ssyncadd.s32 $0xFFFFFB00  }
.Ltmp0:
0x51: {  	_ =	swait.ge [sflag:s17], $0x500;
	(pc) =	sbr.rel @p1 .LBB2_2-.Ltmp0, $4  }
0x52: {  	[sflag:s17] =	ssyncset.done $0x0  }
0x53: {  	[sflag:s17] =	ssyncadd.s32 $0xFFFFFB00  }
0x54: {  	_ =	swait.ge [sflag:s17], $0x500  }
0x55: {  	s20 =	smov.u32 s22;
	[sflag:s17] =	ssyncset.done $0x0  }
0x56: {  	s19 =	sshra.s32 s19, $0x2;
	[sflag:s17] =	ssyncadd.s32 $0xFFFFFB00  }
0x57: {  	[spmem:s3] =	stream.indirect.scatter.add.f32 [tilespmem:s14], [sflag:$0x1], $0x10, s19, s16, $0xb8;
	[tilespmem:$0x8F10] =	vst v63  }
0x58: {  	s20 =	sadd.s32 $0x80, s19  }
0x59: {  	[spmem:s3] =	stream.indirect.scatter.add.f32 [tilespmem:s14], [sflag:$0x1], $0x10, s20, s16, $0xb8;
	[tilespmem:$0x8F10] =	vst v63  }
0x5a: {  	s30 =	sadd.s32 $0x100, s19  }
0x5b: {  	[spmem:s3] =	stream.indirect.scatter.add.f32 [tilespmem:s14], [sflag:$0x1], $0x10, s30, s16, $0xb8;
	[tilespmem:$0x8F10] =	vst v63  }
0x5c: {  	s31 =	sadd.s32 $0x180, s19  }
0x5d: {  	[spmem:s3] =	stream.indirect.scatter.add.f32 [tilespmem:s14], [sflag:$0x1], $0x10, s31, s16, $0xb8;
	[tilespmem:$0x8F10] =	vst v63  }
0x5e: {  	s19 =	sadd.s32 $0x200, s19  }
0x5f: {  	[spmem:s3] =	stream.indirect.scatter.add.f32 [tilespmem:s14], [sflag:$0x1], $0x10, s19, s16, $0xb8;
	[tilespmem:$0x8F10] =	vst v63  }
0x60: {  	_ =	swait.ge [sflag:s17], $0x500  }
0x61: {  	[sflag:s17] =	ssyncset.done $0x0  }
0x62: {  	[sflag:s17] =	ssyncadd.s32 $0xFFFFFB00  }
0x63: {  	_ =	swait.ge [sflag:s17], $0x500  }
0x64: {  	[sflag:s17] =	ssyncset.done $0x0  }
0x65: {  	[sflag:s17] =	ssyncadd.s32 $0xFFFFFB00  }
0x66: {  	_ =	swait.ge [sflag:s17], $0x500  }
0x67: {  	[sflag:s17] =	ssyncset.done $0x0  }
0x68: {  	[sflag:s17] =	ssyncadd.s32 $0xFFFFFB00  }
0x69: {  	_ =	swait.ge [sflag:s17], $0x500  }
0x6a: {  	[sflag:s17] =	ssyncset.done $0x0  }
0x6b: {  	[sflag:s17] =	ssyncadd.s32 $0xFFFFFB00  }
0x6c: {  	_ =	swait.ge [sflag:s17], $0x500  }
0x6d: {  	[sflag:s17] =	ssyncset.done $0x0  }
0x6e: {  	[sflag:s17] =	ssyncadd.s32 $0xFFFFFB00  }
0x6f: {  	s19 =	simm.s32 @p0 $0x1FC2;
	[bflag:$0x0] =	sbarrier.arrive $0xFFFF  }
0x70: {  	[hbm:s9], [sflag:s19] =	dma.local @p0 [spmem:s11], $0x1900  }
0x71: {  	s19 =	simm.s32 @p0 $0x2  }
0x72: {  	s18 =	sadd.s32 $0x1, s18;
	_ =	swait.ge @p0 [sflag:s19], $0x1900  }
0x73: {  	p1 =	sne.s32 s18, s10;
	[sflag:s19] =	ssyncset.done @p0 $0x0  }
.Ltmp1:
0x74: {  	[sflag:s19] =	ssyncadd.s32 @p0 $0xFFFFE700;
	s19 =	simm.s32 @!p0 $0x2;
	(pc) =	sbr.rel @p1 .LBB2_1-.Ltmp1, $4  }
0x75: {  	[hbm:s8], [sflag:s12] =	dma.local @!p0 [spmem:s13], $0x2800  }
0x76: {  	_ =	swait.ge @!p0 [sflag:s19], $0x2800  }
0x77: {  	[sflag:s19] =	ssyncset.done @!p0 $0x0  }
0x78: {  	[sflag:s19] =	ssyncadd.s32 @!p0 $0xFFFFD800  }
0x79: {  	_ =	sfence.sel $0x180000  }
0x7a: {  	[bflag:$0x0] =	sbarrier.arrive $0xFFFF  }
0x7b: {  	p0 =	sne.s32 s2, $0x0;
	_ =	strace $0x90000047  }
0x7c: {  	s0 =	sadd.s32 @!p0 $0x100000, s0;
	[bflag:$0x2] =	sbarrier.arrive $0xFFFF  }
0x7d: {  	[sflag:s0] =	ssyncadd.tile.s32 @!p0 $0x1;
	_ =	shalt  }
.Lfunc_end2:
_tile_overlayer_lowered:
.L_overlay_start_2:
0x7e: {  	(tag) =	ssettag $0x2  }
0x7f: {  	s0 =	rddreg [dreg:$0x0];
	s2 =	stileid.u32  }
0x80: {  	s1 =	rddreg [dreg:$0x1];
	p0 =	sne.s32 s2, $0x0  }
0x81: {  	s3 =	rddreg [dreg:$0x2];
	[bflag:$0x3] =	sbarrier.arrive $0xFFFF;
	s2 =	simm.s32 @!p0 $0x1C02  }
0x82: {  	[timem:s3], [sflag:s2] =	dma.local @!p0 [hbm:s0], s1  }
0x83: {  	s0 =	simm.s32 @!p0 $0x2  }
0x84: {  	_ =	swait.ge @!p0 [sflag:s0], s1  }
0x85: {  	s1 =	ssub.s32 @!p0 $0x0, s1;
	[sflag:s0] =	ssyncset.done @!p0 $0x0  }
0x86: {  	[sflag:s0] =	ssyncadd.s32 @!p0 s1  }
0x87: {  	[bflag:$0x3] =	sbarrier.arrive $0xFFFF  }
0x88: {  	_ =	shalt  }

// kernel: kernel.13.cloned.1.call-start
scs
__scs_entry_jumppad:
0x0: {  	(pc) =	sbr.rel $0x88, $3  }
0x1: {  	(tag) =	ssettag $0x0;
	lr =	simm.s32 $0x1  }
0x2: {  	[smem:$0x3F96] =	sst lr;
	_ =	strace $0xD0000000  }
0x3: {  	_ = 	snop  }
0x4: {  	_ = 	snop  }
0x5: {  	_ = 	snop  }
0x6: {  	_ = 	snop  }
0x7: {  	_ = 	snop  }
__scs_overlays_trampoline_lowered:
0x8: {  	[smem:$0x3FA5] =	sst s0  }
0x9: {  	[smem:$0x3FA6] =	sst s1  }
0xa: {  	[smem:$0x3FA7] =	sst s2  }
0xb: {  	[smem:$0x3FA8] =	sst s3  }
0xc: {  	[smem:$0x3FA9] =	sst s4  }
0xd: {  	[smem:$0x3FAA] =	sst s5  }
0xe: {  	[smem:$0x3FAB] =	sst s6  }
0xf: {  	[smem:$0x3FAC] =	sst s7  }
0x10: {  	[smem:$0x3FAD] =	sst s8  }
0x11: {  	[smem:$0x3FAE] =	sst s9;
	s0 =	simm.s32 @!p0 $0x0  }
0x12: {  	s1 =	sld [smem:$0x3F94];
	s0 =	simm.s32 @p0 $0x1  }
0x13: {  	[smem:$0x3FAF] =	sst s0;
	s0 =	simm.s32 @!p1 $0x0  }
0x14: {  	s2 =	sld [smem:$0x3F93];
	s0 =	simm.s32 @p1 $0x1  }
0x15: {  	[smem:$0x3FB0] =	sst s0;
	s0 =	simm.s32 @!p2 $0x0  }
0x16: {  	s3 =	sld [smem:$0x3FDB];
	s0 =	simm.s32 @p2 $0x1  }
0x17: {  	s4 =	simm.s32 $0x1BF5;
	[smem:$0x3FB2] =	sst s0  }
0x18: {  	s0 =	sld [smem:$0x3F95];
	_ =	swait.ge [sflag:s4], $0x0  }
0x19: {  	s7 =	sld [smem:$0x3F96]  }
0x1a: {  	s8 =	sadd.s32 $0xFFFFE003, lr  }
0x1b: {  	s9 =	sadd.s32 $0xFFFFFEF7, lr;
	s5 =	simm.s32 $0xFFFFFFFF;
	p2 =	slt.u32 s8, $0xFFFFF086  }
0x1c: {  	p1 =	slt.u32 s9, $0xF7A;
	s5 =	simm.s32 @!p2 $0x0  }
0x1d: {  	s5 =	simm.s32 @p1 $0x1;
	p0 =	seq.s32 s7, s2  }
0x1e: {  	s7 =	smul.u32 @!p0 $0xF7A, s2;
	p2 =	seq.s32 @!p0 s5, $0x0  }
0x1f: {  	s9 =	smul.u32 $0xF7A, s1;
	s8 =	simm.s32 @!p0 $0x1BF5;
	p2 =	por !p2, p0  }
0x20: {  	[sflag:s8] =	ssyncset.s32 @!p0 $0xFFFFF086;
	s6 =	sadd.s32 @!p0 s3, s7;
	s7 =	simm.s32 @!p0 $0x108  }
0x21: {  	s3 =	sadd.s32 s3, s9;
	s6 =	sadd.s32 @!p0 $0x88, s6;
	s7 =	simm.s32 @p2 $0x1082  }
0x22: {  	[simem:s7], [sflag:s8] =	dma.local @!p0 [hbm:s6], $0xF7A  }
0x23: {  	s9 =	sor.u32 $0xD0000000, s2;
	s6 =	simm.s32 $0x108;
	_ =	swait.ge @!p0 [sflag:s8], $0x0  }
0x24: {  	s3 =	sadd.s32 $0x88, s3;
	s6 =	simm.s32 @!p1 $0x1082;
	[sflag:s4] =	ssyncset.s32 $0xFFFFF086  }
0x25: {  	[simem:s6], [sflag:s4] =	dma.local [hbm:s3], $0xF7A  }
0x26: {  	[smem:$0x3F96] =	sst s1;
	(tag) =	ssettag s2;
	_ =	strace s9  }
0x27: {  	s1 =	sld [smem:$0x3FA6]  }
0x28: {  	s2 =	sld [smem:$0x3FA7]  }
0x29: {  	s4 =	sld [smem:$0x3FA9]  }
0x2a: {  	p0 =	seq.s32 s5, $0x0;
	s5 =	sld [smem:$0x3FAA]  }
0x2b: {  	s6 =	sld [smem:$0x3FAB]  }
0x2c: {  	s7 =	sld [smem:$0x3FAC]  }
0x2d: {  	s3 =	simm.s32 $0x108;
	s8 =	sld [smem:$0x3FAD]  }
0x2e: {  	s3 =	simm.s32 @!p0 $0x1082;
	s9 =	sld [smem:$0x3FAE]  }
0x2f: {  	lr =	sadd.s32 s0, s3;
	s0 =	sld [smem:$0x3FA5]  }
0x30: {  	s3 =	sld [smem:$0x3FA8]  }
0x31: {  	[smem:$0x3FB1] =	sst s10  }
0x32: {  	s10 =	sld [smem:$0x3FAF];
	_ =	sdelay $0x3  }
0x33: {  	p0 =	seq.s32 s10, $0x1;
	s10 =	sld [smem:$0x3FB1];
	_ =	sdelay $0x3  }
0x34: {  	[smem:$0x3FB1] =	sst s10  }
0x35: {  	s10 =	sld [smem:$0x3FB0];
	_ =	sdelay $0x3  }
0x36: {  	p1 =	seq.s32 s10, $0x1;
	s10 =	sld [smem:$0x3FB1];
	_ =	sdelay $0x3  }
0x37: {  	[smem:$0x3FB1] =	sst s10  }
0x38: {  	s10 =	sld [smem:$0x3FB2]  }
0x39: {  	_ = 	snop;
	(pc) =	sbr.ind lr, $3  }
0x3a: {  	_ = 	snop  }
0x3b: {  	_ = 	snop  }
0x3c: {  	p2 =	seq.s32 s10, $0x1;
	s10 =	sld [smem:$0x3FB1]  }
0x3d: {  	_ =	shalt  }
0x3e: {  	_ =	shalt  }
0x3f: {  	_ =	shalt  }
0x40: {  	_ =	shalt  }
0x41: {  	_ =	shalt  }
0x42: {  	_ =	shalt  }
0x43: {  	_ =	shalt  }
0x44: {  	_ =	shalt  }
0x45: {  	_ =	shalt  }
0x46: {  	_ =	shalt  }
0x47: {  	_ =	shalt  }
0x48: {  	_ =	shalt  }
0x49: {  	_ =	shalt  }
0x4a: {  	_ =	shalt  }
0x4b: {  	_ =	shalt  }
0x4c: {  	_ =	shalt  }
0x4d: {  	_ =	shalt  }
0x4e: {  	_ =	shalt  }
0x4f: {  	_ =	shalt  }
0x50: {  	_ =	shalt  }
0x51: {  	_ =	shalt  }
0x52: {  	_ =	shalt  }
0x53: {  	_ =	shalt  }
0x54: {  	_ =	shalt  }
0x55: {  	_ =	shalt  }
0x56: {  	_ =	shalt  }
0x57: {  	_ =	shalt  }
0x58: {  	_ =	shalt  }
0x59: {  	_ =	shalt  }
0x5a: {  	_ =	shalt  }
0x5b: {  	_ =	shalt  }
0x5c: {  	_ =	shalt  }
0x5d: {  	_ =	shalt  }
0x5e: {  	_ =	shalt  }
0x5f: {  	_ =	shalt  }
0x60: {  	_ =	shalt  }
0x61: {  	_ =	shalt  }
0x62: {  	_ =	shalt  }
0x63: {  	_ =	shalt  }
0x64: {  	_ =	shalt  }
0x65: {  	_ =	shalt  }
0x66: {  	_ =	shalt  }
0x67: {  	_ =	shalt  }
0x68: {  	_ =	shalt  }
0x69: {  	_ =	shalt  }
0x6a: {  	_ =	shalt  }
0x6b: {  	_ =	shalt  }
0x6c: {  	_ =	shalt  }
0x6d: {  	_ =	shalt  }
0x6e: {  	_ =	shalt  }
0x6f: {  	_ =	shalt  }
0x70: {  	_ =	shalt  }
0x71: {  	_ =	shalt  }
0x72: {  	_ =	shalt  }
0x73: {  	_ =	shalt  }
0x74: {  	_ =	shalt  }
0x75: {  	_ =	shalt  }
0x76: {  	_ =	shalt  }
0x77: {  	_ =	shalt  }
0x78: {  	_ =	shalt  }
0x79: {  	_ =	shalt  }
0x7a: {  	_ =	shalt  }
0x7b: {  	_ =	shalt  }
0x7c: {  	_ =	shalt  }
0x7d: {  	_ =	shalt  }
0x7e: {  	_ =	shalt  }
0x7f: {  	_ =	shalt  }
0x80: {  	_ =	shalt  }
0x81: {  	_ =	shalt  }
0x82: {  	_ =	shalt  }
0x83: {  	_ =	shalt  }
0x84: {  	_ =	shalt  }
0x85: {  	_ =	shalt  }
0x86: {  	_ =	shalt  }
0x87: {  	_ =	shalt  }
.Lfunc_end0:
.L_simem_size_0:
called_computation.1_lowered:
.L_overlay_start_0:
0x88: {  	s2 =	sld [smem:$0x3FD9]  }
0x89: {  	s3 =	sld [smem:$0x3FFE];
	_ =	sdelay $0x1  }
0x8a: {  	s1 =	srdreg.scid  }
0x8b: {  	s0 =	sand.u32 $0x1, s1  }
0x8c: {  	s16 =	sshll.u32 s0, $0xA;
	s2 =	sadd.s32 s3, s2  }
0x8d: {  	s2 =	sadd.s32 s2, s16  }
0x8e: {  	[smem:$0x3FBD] =	sst s2  }
0x8f: {  	_ = 	snop  }
0x90: {  	(tm) =	ssettm $0x1  }
0x91: {  	s17 =	sld [smem:$0x3FFB];
	_ =	sdelay $0x3  }
0x92: {  	_ =	strace s17  }
0x93: {  	s2 =	sld [smem:$0x3FFC];
	_ =	sdelay $0x3  }
0x94: {  	_ =	strace s2  }
0x95: {  	s2 =	sld [smem:$0x3FFD];
	_ =	sdelay $0x3  }
0x96: {  	_ =	strace s2  }
0x97: {  	_ =	strace $0x8FFFFFFF  }
0x98: {  	s18 =	sld [smem:$0x3FDB];
	_ =	sdelay $0x1  }
0x99: {  	s19 =	simm.s32 $_scs_section_size  }
0x9a: {  	s4 =	simm.s32 $_size__tile_overlayer_lowered;
	s5 =	simm.s32 $_tile_overlayer_lowered  }
0x9b: {  	s22 =	simm.s32 $0x1BFF;
	s21 =	sshll.u32 s5, $0x1;
	s2 =	sadd.s32 s19, s18  }
0x9c: {  	s6 =	simm.s32 $0x0;
	s20 =	sshll.u32 s4, $0x1;
	s4 =	sadd.s32 s21, s2  }
0x9d: {  	[timem:s6], [sflag:s22] =	dma.local [hbm:s4], s20  }
0x9e: {  	_ =	swait.ge [sflag:s22], s20  }
0x9f: {  	s3 =	ssub.s32 $0x0, s20;
	[sflag:s22] =	ssyncset.done $0x0  }
0xa0: {  	[sflag:s22] =	ssyncadd.s32 s3;
	_ =	sdelay $0x1  }
0xa1: {  	s23 =	simm.s32 $0x1B8B  }
0xa2: {  	_ =	swait.ge [sflag:s23], $0x1  }
0xa3: {  	[sflag:s23] =	ssyncset.done $0x0  }
0xa4: {  	s25 =	simm.s32 $0x1B8E;
	s24 =	sld [smem:$0x3FFE];
	[sflag:s23] =	ssyncadd.s32 $0xFFFFFFFF  }
0xa5: {  	s26 =	simm.s32 $execute0_lowered;
	[smem:$0x3FD2] =	sst s25  }
0xa6: {  	s4 =	sshll.u32 s26, $0x1;
	_ =	strace $0x80000049;
	[dreg:$0x1] =	wrdreg $0xFFFFFFFF  }
0xa7: {  	s28 =	simm.s32 $_size_execute0_lowered;
	s2 =	sadd.s32 s2, s4;
	[dreg:$0x0] =	wrdreg $0x0  }
0xa8: {  	s4 =	sshll.u32 s28, $0x1;
	[dreg:$0x2] =	wrdreg s2  }
0xa9: {  	[dreg:$0x3] =	wrdreg s4  }
0xaa: {  	[dreg:$0x4] =	wrdreg $0xC0  }
0xab: {  	_ =	task [dreg:s6], $0x5FFFF  }
0xac: {  	[dreg:$0x1] =	wrdreg $0xFFFFFFFF  }
0xad: {  	[dreg:$0x0] =	wrdreg $0x60  }
0xae: {  	[dreg:$0x2] =	wrdreg s24  }
0xaf: {  	[dreg:$0x3] =	wrdreg $0xB7800  }
0xb0: {  	[dreg:$0x4] =	wrdreg $0x9  }
0xb1: {  	_ =	task.clear_ibuf [dreg:s6], $0x5FFFF;
	_ =	strace $0x90000049  }
0xb2: {  	s29 =	simm.s32 $0x9;
	_ =	strace $0x8000004B  }
0xb3: {  	_ =	swait.ge [sflag:s29], $0x1  }
0xb4: {  	[sflag:s29] =	ssyncadd.s32 $0xFFFFFFFF  }
0xb5: {  	_ =	strace $0x9000004B  }
0xb6: {  	_ =	sfence  }
0xb7: {  	s30 =	sld [smem:$0x0];
	_ =	sdelay $0x2  }
0xb8: {  	s31 =	sshll.u32 s1, $0xD;
	s1 =	sshrl.u32 s1, $0x2  }
0xb9: {  	s3 =	sand.u32 $0x4000, s31;
	s1 =	sadd.s32 s1, s30  }
0xba: {  	s0 =	sor.u32 s3, s0;
	s1 =	sshll.u32 s1, $0x11  }
0xbb: {  	s0 =	sor.u32 s1, s0  }
0xbc: {  	s0 =	sadd.s32 $0x8F2B, s0  }
0xbd: {  	[sflag:s0] =	ssyncadd.remote.s32 $0x1  }
0xbe: {  	_ =	sfence.sel $0xFFFF  }
0xbf: {  	[dreg:$0x0] =	wrdreg $0xFFFFFFFF;
	(pc) =	sbr.abs _section_cstart, $3  }
0xc0: {  	[dreg:$0x1] =	wrdreg $0xFFFFFFFF  }
0xc1: {  	_ =	task.clear_ibuf [dreg:s6], $0x2FFFF;
	_ =	strace $0x9FFFFFFF  }
0xc2: {  	(tm) =	ssettm $0x7FFFFFFF  }
0xc3: {  	_ =	shalt  }
tec
execute0_lowered:
.L_overlay_start_1:
0x0: {  	(tag) =	ssettag $0x1  }
0x1: {  	s7 =	rddreg [dreg:$0x0]  }
0x2: {  	s0 =	srdreg.scid;
	s2 =	rddreg [dreg:$0x1]  }
0x3: {  	s1 =	stileid.u32;
	s3 =	simm.s32 $0x0;
	s15 =	simm.s32 $0x8F80  }
0x4: {  	s19 =	simm.s32 $0x2780;
	s20 =	simm.s32 $0x1;
	s21 =	simm.s32 $0x2  }
0x5: {  	s22 =	simm.s32 $0x6480;
	s23 =	simm.s32 $0x26C0;
	s9 =	smul.u32 $0x50000, s1  }
0x6: {  	s24 =	simm.s32 $0x6500;
	s5 =	sand.u32 $0x1, s0;
	s11 =	smul.u32 $0x2800, s1  }
0x7: {  	[smem:$0x7FF] =	sst s3;
	s12 =	sadd.s32 $0x44600, s7;
	s28 =	smul.u32 $0x14000, s1  }
0x8: {  	s16 =	sadd.s32 $0x12C000, s2;
	p0 =	seq.s32 s1, $0xF;
	s4 =	sshll.u32 s5, $0x4  }
0x9: {  	_ =	strace $0x8000004A;
	s25 =	ssub.s32 $0x2, s5;
	s14 =	smul.u32 $0x138800, s5  }
0xa: {  	s17 =	sshll.u32 @!p0 s1, $0x6;
	s16 =	sshrl.u32 @p0 s16, $0x3;
	s6 =	sor.u32 s1, s4  }
0xb: {  	s4 =	sadd.s32 $0x1D400, s7;
	s13 =	sshrl.u32 s25, $0x1;
	s26 =	sshrl.u32 s9, $0x2  }
0xc: {  	s17 =	sor.u32 @!p0 $0x1C03, s17;
	s8 =	smul.u32 $0x4E2, s6;
	s6 =	sshll.u32 s6, $0xB  }
0xd: {  	s13 =	ssub.s32 s25, s13;
	s18 =	sadd.s32 s26, s2;
	s29 =	sadd.s32 s28, s14  }
0xe: {  	s30 =	sshrl.u32 s14, $0x3;
	s25 =	simm.s32 $0x6580;
	s26 =	simm.s32 $0x0  }
0xf: {  	s10 =	sadd.s32 s6, s7;
	s6 =	sadd.s32 s4, s11;
	s31 =	sshrl.u32 s29, $0x3  }
0x10: {  	s14 =	sadd.s32 s12, s30;
	s11 =	smax.u32 s13, $0x1;
	s13 =	simm.s32 $0x50  }
0x11: {  	s18 =	sshrl.u32 @!p0 s18, $0x3;
	s8 =	sadd.s32 s8, s7;
	s7 =	sadd.s32 $0x42C00, s7  }
0x12: {  	s9 =	sadd.s32 s12, s31;
	s12 =	simm.s32 $0x3;
	s5 =	sadd.s32 $0x3600, s8  }
0x13: {  	s8 =	sadd.s32 $0xD400, s10;
	s10 =	sadd.s32 $0x25800, s14;
	s14 =	simm.s32 $0x6780  }
.LBB2_1:
0x14: {  	[tilespmem:s3], [sflag:$0x3] =	stream.linear.gather [hbm4b:s5+s3], $0x2710, $0x38;
	[tilespmem:$0x1F000] =	vst v63  }
0x15: {  	_ =	swait.ge [sflag:s12], $0x2710  }
0x16: {  	[sflag:s12] =	ssyncset.done $0x0  }
0x17: {  	[sflag:s12] =	ssyncadd.s32 $0xFFFFD8F0  }
0x18: {  	[tilespmem:s14], [sflag:$0x1] =	stream.indirect.gather [hbm4b:s4+s13], $0x80, s3, s13, $0xb8;
	[tilespmem:$0x1F000] =	vst v63  }
0x19: {  	s28 =	simm.s32 @p0 $0x1FC3  }
0x1a: {  	[tilespmem:s15], [sflag:$0x2] =	stream.indirect.gather [hbm4b:s4+s13], $0x80, s13, s13, $0xb8;
	[tilespmem:$0x1F000] =	vst v63  }
0x1b: {  	[spmem:s16], [sflag:s28] =	dma.local @p0 [hbm:s7], $0x1900  }
0x1c: {  	s28 =	simm.s32 @p0 $0x3  }
0x1d: {  	_ =	swait.ge @p0 [sflag:s28], $0x1900  }
0x1e: {  	[sflag:s28] =	ssyncset.done @p0 $0x0  }
0x1f: {  	[sflag:s28] =	ssyncadd.s32 @p0 $0xFFFFE700;
	s28 =	simm.s32 @!p0 $0x3  }
0x20: {  	[spmem:s18], [sflag:s17] =	dma.local @!p0 [hbm:s6], $0x2800  }
0x21: {  	_ =	swait.ge @!p0 [sflag:s28], $0x2800  }
0x22: {  	[sflag:s28] =	ssyncset.done @!p0 $0x0  }
0x23: {  	[sflag:s28] =	ssyncadd.s32 @!p0 $0xFFFFD800  }
0x24: {  	[tilespmem:s19], [sflag:$0x3] =	stream.linear.gather [hbm4b:s8+s3], $0x3E80, $0x38;
	[tilespmem:$0x1F000] =	vst v63  }
0x25: {  	_ =	swait.ge [sflag:s12], $0x3E80  }
0x26: {  	[sflag:s12] =	ssyncset.done $0x0  }
0x27: {  	[sflag:s12] =	ssyncadd.s32 $0xFFFFC180  }
0x28: {  	[bflag:$0x0] =	sbarrier.arrive $0xFFFF  }
0x29: {  	_ =	swait.ge [sflag:s20], $0x2800  }
0x2a: {  	[sflag:s20] =	ssyncset.done $0x0  }
0x2b: {  	s28 =	simm.s32 $0x2780;
	[sflag:s20] =	ssyncadd.s32 $0xFFFFD800  }
0x2c: {  	[spmem:s2] =	stream.indirect.scatter.add.f32 [tilespmem:s14], [sflag:$0x3], $0x80, s28, s13, $0xb8;
	[tilespmem:$0x1F000] =	vst v63  }
0x2d: {  	_ =	swait.ge [sflag:s12], $0x2800  }
0x2e: {  	[sflag:s12] =	ssyncset.done $0x0  }
0x2f: {  	s28 =	simm.s32 $0xA0;
	[sflag:s12] =	ssyncadd.s32 $0xFFFFD800  }
0x30: {  	[tilespmem:s14], [sflag:$0x1] =	stream.indirect.gather [hbm4b:s4+s13], $0x80, s28, s13, $0xb8;
	[tilespmem:$0x1F000] =	vst v63  }
0x31: {  	_ =	swait.ge [sflag:s21], $0x2800  }
0x32: {  	[sflag:s21] =	ssyncset.done $0x0  }
0x33: {  	s28 =	simm.s32 $0x2800;
	[sflag:s21] =	ssyncadd.s32 $0xFFFFD800  }
0x34: {  	[spmem:s2] =	stream.indirect.scatter.add.f32 [tilespmem:s15], [sflag:$0x3], $0x80, s28, s13, $0xb8;
	[tilespmem:$0x1F000] =	vst v63  }
0x35: {  	_ =	swait.ge [sflag:s12], $0x2800  }
0x36: {  	s29 =	simm.s32 $0x400;
	[sflag:s12] =	ssyncset.done $0x0  }
0x37: {  	s30 =	simm.s32 $0x190;
	s28 =	simm.s32 $0xF0;
	[sflag:s12] =	ssyncadd.s32 $0xFFFFD800  }
.LBB2_2:
0x38: {  	[tilespmem:s15], [sflag:$0x2] =	stream.indirect.gather [hbm4b:s4+s13], $0x80, s28, s13, $0xb8;
	[tilespmem:$0x1F000] =	vst v63  }
0x39: {  	s31 =	smov.u32 s29;
	s28 =	smov.u32 s30  }
0x3a: {  	p1 =	sne.s32 s29, $0xF000;
	s29 =	sadd.s32 $0x400, s29;
	_ =	swait.ge [sflag:s20], $0x2800  }
0x3b: {  	s31 =	sshra.s32 s31, $0x2;
	[sflag:s20] =	ssyncset.done $0x0  }
0x3c: {  	s0 =	sadd.s32 $0x2780, s31;
	[sflag:s20] =	ssyncadd.s32 $0xFFFFD800  }
0x3d: {  	[spmem:s2] =	stream.indirect.scatter.add.f32 [tilespmem:s14], [sflag:$0x3], $0x80, s0, s13, $0xb8;
	[tilespmem:$0x1F000] =	vst v63  }
0x3e: {  	_ =	swait.ge [sflag:s12], $0x2800  }
0x3f: {  	[sflag:s12] =	ssyncset.done $0x0  }
0x40: {  	s0 =	sadd.s32 $0xFFFFFFB0, s30;
	[sflag:s12] =	ssyncadd.s32 $0xFFFFD800  }
0x41: {  	[tilespmem:s14], [sflag:$0x1] =	stream.indirect.gather [hbm4b:s4+s13], $0x80, s0, s13, $0xb8;
	[tilespmem:$0x1F000] =	vst v63  }
0x42: {  	_ =	swait.ge [sflag:s21], $0x2800  }
0x43: {  	[sflag:s21] =	ssyncset.done $0x0  }
.Ltmp0:
0x44: {  	s0 =	sadd.s32 $0x2800, s31;
	[sflag:s21] =	ssyncadd.s32 $0xFFFFD800;
	(pc) =	sbr.rel @p1 .LBB2_2-.Ltmp0, $4  }
0x45: {  	[spmem:s2] =	stream.indirect.scatter.add.f32 [tilespmem:s15], [sflag:$0x3], $0x80, s0, s13, $0xb8;
	[tilespmem:$0x1F000] =	vst v63  }
0x46: {  	_ =	swait.ge [sflag:s12], $0x2800  }
0x47: {  	[sflag:s12] =	ssyncset.done $0x0  }
0x48: {  	s30 =	sadd.s32 $0xA0, s30;
	[sflag:s12] =	ssyncadd.s32 $0xFFFFD800  }
0x49: {  	[tilespmem:s15], [sflag:$0x2] =	stream.indirect.gather [hbm4b:s4+s13], $0x80, s28, s13, $0xb8;
	[tilespmem:$0x1F000] =	vst v63  }
0x4a: {  	_ =	swait.ge [sflag:s20], $0x2800  }
0x4b: {  	[sflag:s20] =	ssyncset.done $0x0  }
0x4c: {  	[sflag:s20] =	ssyncadd.s32 $0xFFFFD800  }
0x4d: {  	[spmem:s2] =	stream.indirect.scatter.add.f32 [tilespmem:s14], [sflag:$0x3], $0x80, s22, s13, $0xb8;
	[tilespmem:$0x1F000] =	vst v63  }
0x4e: {  	_ =	swait.ge [sflag:s12], $0x2800  }
0x4f: {  	[sflag:s12] =	ssyncset.done $0x0  }
0x50: {  	[sflag:s12] =	ssyncadd.s32 $0xFFFFD800  }
0x51: {  	[tilespmem:s14], [sflag:$0x1] =	stream.indirect.gather [hbm4b:s4+s13], $0x80, s23, s13, $0xb8;
	[tilespmem:$0x1F000] =	vst v63  }
0x52: {  	_ =	swait.ge [sflag:s21], $0x2800  }
0x53: {  	[sflag:s21] =	ssyncset.done $0x0  }
0x54: {  	[sflag:s21] =	ssyncadd.s32 $0xFFFFD800  }
0x55: {  	[spmem:s2] =	stream.indirect.scatter.add.f32 [tilespmem:s15], [sflag:$0x3], $0x80, s24, s13, $0xb8;
	[tilespmem:$0x1F000] =	vst v63  }
0x56: {  	_ =	swait.ge [sflag:s12], $0x2800  }
0x57: {  	[sflag:s12] =	ssyncset.done $0x0  }
0x58: {  	[sflag:s12] =	ssyncadd.s32 $0xFFFFD800  }
0x59: {  	_ =	swait.ge [sflag:s20], $0x2800  }
0x5a: {  	[sflag:s20] =	ssyncset.done $0x0  }
0x5b: {  	[sflag:s20] =	ssyncadd.s32 $0xFFFFD800  }
0x5c: {  	[spmem:s2] =	stream.indirect.scatter.add.f32 [tilespmem:s14], [sflag:$0x3], $0x80, s25, s13, $0xb8;
	[tilespmem:$0x1F000] =	vst v63  }
0x5d: {  	_ =	swait.ge [sflag:s12], $0x2800  }
0x5e: {  	[sflag:s12] =	ssyncset.done $0x0  }
0x5f: {  	[sflag:s12] =	ssyncadd.s32 $0xFFFFD800  }
0x60: {  	s0 =	simm.s32 @p0 $0x1FC3;
	[bflag:$0x0] =	sbarrier.arrive $0xFFFF  }
0x61: {  	[hbm:s10], [sflag:s0] =	dma.local @p0 [spmem:s16], $0x1900  }
0x62: {  	s0 =	simm.s32 @p0 $0x3  }
0x63: {  	s26 =	sadd.s32 $0x1, s26;
	_ =	swait.ge @p0 [sflag:s0], $0x1900  }
0x64: {  	p1 =	sne.s32 s26, s11;
	[sflag:s0] =	ssyncset.done @p0 $0x0  }
.Ltmp1:
0x65: {  	[sflag:s0] =	ssyncadd.s32 @p0 $0xFFFFE700;
	s0 =	simm.s32 @!p0 $0x3;
	(pc) =	sbr.rel @p1 .LBB2_1-.Ltmp1, $4  }
0x66: {  	[hbm:s9], [sflag:s17] =	dma.local @!p0 [spmem:s18], $0x2800  }
0x67: {  	_ =	swait.ge @!p0 [sflag:s0], $0x2800  }
0x68: {  	[sflag:s0] =	ssyncset.done @!p0 $0x0  }
0x69: {  	[sflag:s0] =	ssyncadd.s32 @!p0 $0xFFFFD800  }
0x6a: {  	_ =	sfence.sel $0x180000  }
0x6b: {  	[bflag:$0x0] =	sbarrier.arrive $0xFFFF  }
0x6c: {  	_ =	strace $0x9000004A  }
0x6d: {  	[bflag:$0x2] =	sbarrier.arrive $0xFFFF  }
0x6e: {  	p0 =	sne.s32 s1, $0x0;
	s0 =	rddreg [dreg:$0x2]  }
0x6f: {  	s0 =	sadd.s32 @!p0 $0x100000, s0  }
0x70: {  	[sflag:s0] =	ssyncadd.tile.s32 @!p0 $0x1;
	_ =	shalt  }
.Lfunc_end2:
_tile_overlayer_lowered:
.L_overlay_start_2:
0x71: {  	(tag) =	ssettag $0x2  }
0x72: {  	s0 =	rddreg [dreg:$0x0];
	s2 =	stileid.u32  }
0x73: {  	s1 =	rddreg [dreg:$0x1];
	p0 =	sne.s32 s2, $0x0  }
0x74: {  	s3 =	rddreg [dreg:$0x2];
	[bflag:$0x3] =	sbarrier.arrive $0xFFFF;
	s2 =	simm.s32 @!p0 $0x1C03  }
0x75: {  	[timem:s3], [sflag:s2] =	dma.local @!p0 [hbm:s0], s1  }
0x76: {  	s0 =	simm.s32 @!p0 $0x3  }
0x77: {  	_ =	swait.ge @!p0 [sflag:s0], s1  }
0x78: {  	s1 =	ssub.s32 @!p0 $0x0, s1;
	[sflag:s0] =	ssyncset.done @!p0 $0x0  }
0x79: {  	[sflag:s0] =	ssyncadd.s32 @!p0 s1  }
0x7a: {  	[bflag:$0x3] =	sbarrier.arrive $0xFFFF  }
0x7b: {  	_ =	shalt  }

// kernel: kernel.16.cloned.1.call-start
scs
__scs_entry_jumppad:
0x0: {  	(pc) =	sbr.rel $0x88, $3  }
0x1: {  	(tag) =	ssettag $0x0;
	lr =	simm.s32 $0x1  }
0x2: {  	[smem:$0x3F96] =	sst lr;
	_ =	strace $0xD0000000  }
0x3: {  	_ = 	snop  }
0x4: {  	_ = 	snop  }
0x5: {  	_ = 	snop  }
0x6: {  	_ = 	snop  }
0x7: {  	_ = 	snop  }
__scs_overlays_trampoline_lowered:
0x8: {  	[smem:$0x3FA5] =	sst s0  }
0x9: {  	[smem:$0x3FA6] =	sst s1  }
0xa: {  	[smem:$0x3FA7] =	sst s2  }
0xb: {  	[smem:$0x3FA8] =	sst s3  }
0xc: {  	[smem:$0x3FA9] =	sst s4  }
0xd: {  	[smem:$0x3FAA] =	sst s5  }
0xe: {  	[smem:$0x3FAB] =	sst s6  }
0xf: {  	[smem:$0x3FAC] =	sst s7  }
0x10: {  	[smem:$0x3FAD] =	sst s8  }
0x11: {  	[smem:$0x3FAE] =	sst s9;
	s0 =	simm.s32 @!p0 $0x0  }
0x12: {  	s1 =	sld [smem:$0x3F94];
	s0 =	simm.s32 @p0 $0x1  }
0x13: {  	[smem:$0x3FAF] =	sst s0;
	s0 =	simm.s32 @!p1 $0x0  }
0x14: {  	s2 =	sld [smem:$0x3F93];
	s0 =	simm.s32 @p1 $0x1  }
0x15: {  	[smem:$0x3FB0] =	sst s0;
	s0 =	simm.s32 @!p2 $0x0  }
0x16: {  	s3 =	sld [smem:$0x3FDB];
	s0 =	simm.s32 @p2 $0x1  }
0x17: {  	s4 =	simm.s32 $0x1BF5;
	[smem:$0x3FB2] =	sst s0  }
0x18: {  	s0 =	sld [smem:$0x3F95];
	_ =	swait.ge [sflag:s4], $0x0  }
0x19: {  	s7 =	sld [smem:$0x3F96]  }
0x1a: {  	s8 =	sadd.s32 $0xFFFFE003, lr  }
0x1b: {  	s9 =	sadd.s32 $0xFFFFFEF7, lr;
	s5 =	simm.s32 $0xFFFFFFFF;
	p2 =	slt.u32 s8, $0xFFFFF086  }
0x1c: {  	p1 =	slt.u32 s9, $0xF7A;
	s5 =	simm.s32 @!p2 $0x0  }
0x1d: {  	s5 =	simm.s32 @p1 $0x1;
	p0 =	seq.s32 s7, s2  }
0x1e: {  	s7 =	smul.u32 @!p0 $0xF7A, s2;
	p2 =	seq.s32 @!p0 s5, $0x0  }
0x1f: {  	s9 =	smul.u32 $0xF7A, s1;
	s8 =	simm.s32 @!p0 $0x1BF5;
	p2 =	por !p2, p0  }
0x20: {  	[sflag:s8] =	ssyncset.s32 @!p0 $0xFFFFF086;
	s6 =	sadd.s32 @!p0 s3, s7;
	s7 =	simm.s32 @!p0 $0x108  }
0x21: {  	s3 =	sadd.s32 s3, s9;
	s6 =	sadd.s32 @!p0 $0x88, s6;
	s7 =	simm.s32 @p2 $0x1082  }
0x22: {  	[simem:s7], [sflag:s8] =	dma.local @!p0 [hbm:s6], $0xF7A  }
0x23: {  	s9 =	sor.u32 $0xD0000000, s2;
	s6 =	simm.s32 $0x108;
	_ =	swait.ge @!p0 [sflag:s8], $0x0  }
0x24: {  	s3 =	sadd.s32 $0x88, s3;
	s6 =	simm.s32 @!p1 $0x1082;
	[sflag:s4] =	ssyncset.s32 $0xFFFFF086  }
0x25: {  	[simem:s6], [sflag:s4] =	dma.local [hbm:s3], $0xF7A  }
0x26: {  	[smem:$0x3F96] =	sst s1;
	(tag) =	ssettag s2;
	_ =	strace s9  }
0x27: {  	s1 =	sld [smem:$0x3FA6]  }
0x28: {  	s2 =	sld [smem:$0x3FA7]  }
0x29: {  	s4 =	sld [smem:$0x3FA9]  }
0x2a: {  	p0 =	seq.s32 s5, $0x0;
	s5 =	sld [smem:$0x3FAA]  }
0x2b: {  	s6 =	sld [smem:$0x3FAB]  }
0x2c: {  	s7 =	sld [smem:$0x3FAC]  }
0x2d: {  	s3 =	simm.s32 $0x108;
	s8 =	sld [smem:$0x3FAD]  }
0x2e: {  	s3 =	simm.s32 @!p0 $0x1082;
	s9 =	sld [smem:$0x3FAE]  }
0x2f: {  	lr =	sadd.s32 s0, s3;
	s0 =	sld [smem:$0x3FA5]  }
0x30: {  	s3 =	sld [smem:$0x3FA8]  }
0x31: {  	[smem:$0x3FB1] =	sst s10  }
0x32: {  	s10 =	sld [smem:$0x3FAF];
	_ =	sdelay $0x3  }
0x33: {  	p0 =	seq.s32 s10, $0x1;
	s10 =	sld [smem:$0x3FB1];
	_ =	sdelay $0x3  }
0x34: {  	[smem:$0x3FB1] =	sst s10  }
0x35: {  	s10 =	sld [smem:$0x3FB0];
	_ =	sdelay $0x3  }
0x36: {  	p1 =	seq.s32 s10, $0x1;
	s10 =	sld [smem:$0x3FB1];
	_ =	sdelay $0x3  }
0x37: {  	[smem:$0x3FB1] =	sst s10  }
0x38: {  	s10 =	sld [smem:$0x3FB2]  }
0x39: {  	_ = 	snop;
	(pc) =	sbr.ind lr, $3  }
0x3a: {  	_ = 	snop  }
0x3b: {  	_ = 	snop  }
0x3c: {  	p2 =	seq.s32 s10, $0x1;
	s10 =	sld [smem:$0x3FB1]  }
0x3d: {  	_ =	shalt  }
0x3e: {  	_ =	shalt  }
0x3f: {  	_ =	shalt  }
0x40: {  	_ =	shalt  }
0x41: {  	_ =	shalt  }
0x42: {  	_ =	shalt  }
0x43: {  	_ =	shalt  }
0x44: {  	_ =	shalt  }
0x45: {  	_ =	shalt  }
0x46: {  	_ =	shalt  }
0x47: {  	_ =	shalt  }
0x48: {  	_ =	shalt  }
0x49: {  	_ =	shalt  }
0x4a: {  	_ =	shalt  }
0x4b: {  	_ =	shalt  }
0x4c: {  	_ =	shalt  }
0x4d: {  	_ =	shalt  }
0x4e: {  	_ =	shalt  }
0x4f: {  	_ =	shalt  }
0x50: {  	_ =	shalt  }
0x51: {  	_ =	shalt  }
0x52: {  	_ =	shalt  }
0x53: {  	_ =	shalt  }
0x54: {  	_ =	shalt  }
0x55: {  	_ =	shalt  }
0x56: {  	_ =	shalt  }
0x57: {  	_ =	shalt  }
0x58: {  	_ =	shalt  }
0x59: {  	_ =	shalt  }
0x5a: {  	_ =	shalt  }
0x5b: {  	_ =	shalt  }
0x5c: {  	_ =	shalt  }
0x5d: {  	_ =	shalt  }
0x5e: {  	_ =	shalt  }
0x5f: {  	_ =	shalt  }
0x60: {  	_ =	shalt  }
0x61: {  	_ =	shalt  }
0x62: {  	_ =	shalt  }
0x63: {  	_ =	shalt  }
0x64: {  	_ =	shalt  }
0x65: {  	_ =	shalt  }
0x66: {  	_ =	shalt  }
0x67: {  	_ =	shalt  }
0x68: {  	_ =	shalt  }
0x69: {  	_ =	shalt  }
0x6a: {  	_ =	shalt  }
0x6b: {  	_ =	shalt  }
0x6c: {  	_ =	shalt  }
0x6d: {  	_ =	shalt  }
0x6e: {  	_ =	shalt  }
0x6f: {  	_ =	shalt  }
0x70: {  	_ =	shalt  }
0x71: {  	_ =	shalt  }
0x72: {  	_ =	shalt  }
0x73: {  	_ =	shalt  }
0x74: {  	_ =	shalt  }
0x75: {  	_ =	shalt  }
0x76: {  	_ =	shalt  }
0x77: {  	_ =	shalt  }
0x78: {  	_ =	shalt  }
0x79: {  	_ =	shalt  }
0x7a: {  	_ =	shalt  }
0x7b: {  	_ =	shalt  }
0x7c: {  	_ =	shalt  }
0x7d: {  	_ =	shalt  }
0x7e: {  	_ =	shalt  }
0x7f: {  	_ =	shalt  }
0x80: {  	_ =	shalt  }
0x81: {  	_ =	shalt  }
0x82: {  	_ =	shalt  }
0x83: {  	_ =	shalt  }
0x84: {  	_ =	shalt  }
0x85: {  	_ =	shalt  }
0x86: {  	_ =	shalt  }
0x87: {  	_ =	shalt  }
.Lfunc_end0:
.L_simem_size_0:
called_computation.2_lowered:
.L_overlay_start_0:
0x88: {  	s2 =	sld [smem:$0x3FD9]  }
0x89: {  	s3 =	sld [smem:$0x3FFE];
	_ =	sdelay $0x1  }
0x8a: {  	s1 =	srdreg.scid  }
0x8b: {  	s0 =	sand.u32 $0x1, s1  }
0x8c: {  	s16 =	sshll.u32 s0, $0xA;
	s2 =	sadd.s32 s3, s2  }
0x8d: {  	s2 =	sadd.s32 s2, s16  }
0x8e: {  	[smem:$0x3FBD] =	sst s2  }
0x8f: {  	_ = 	snop  }
0x90: {  	(tm) =	ssettm $0x1  }
0x91: {  	s17 =	sld [smem:$0x3FFB];
	_ =	sdelay $0x3  }
0x92: {  	_ =	strace s17  }
0x93: {  	s2 =	sld [smem:$0x3FFC];
	_ =	sdelay $0x3  }
0x94: {  	_ =	strace s2  }
0x95: {  	s2 =	sld [smem:$0x3FFD];
	_ =	sdelay $0x3  }
0x96: {  	_ =	strace s2  }
0x97: {  	_ =	strace $0x8FFFFFFF  }
0x98: {  	s18 =	sld [smem:$0x3FDB];
	_ =	sdelay $0x1  }
0x99: {  	s19 =	simm.s32 $_scs_section_size  }
0x9a: {  	s4 =	simm.s32 $_size__tile_overlayer_lowered;
	s5 =	simm.s32 $_tile_overlayer_lowered  }
0x9b: {  	s22 =	simm.s32 $0x1BFF;
	s21 =	sshll.u32 s5, $0x1;
	s2 =	sadd.s32 s19, s18  }
0x9c: {  	s6 =	simm.s32 $0x0;
	s20 =	sshll.u32 s4, $0x1;
	s4 =	sadd.s32 s21, s2  }
0x9d: {  	[timem:s6], [sflag:s22] =	dma.local [hbm:s4], s20  }
0x9e: {  	_ =	swait.ge [sflag:s22], s20  }
0x9f: {  	s3 =	ssub.s32 $0x0, s20;
	[sflag:s22] =	ssyncset.done $0x0  }
0xa0: {  	[sflag:s22] =	ssyncadd.s32 s3;
	_ =	sdelay $0x1  }
0xa1: {  	s23 =	simm.s32 $0x1B8B  }
0xa2: {  	_ =	swait.ge [sflag:s23], $0x1  }
0xa3: {  	[sflag:s23] =	ssyncset.done $0x0  }
0xa4: {  	s25 =	simm.s32 $0x1B8E;
	s24 =	sld [smem:$0x3FFE];
	[sflag:s23] =	ssyncadd.s32 $0xFFFFFFFF  }
0xa5: {  	s26 =	simm.s32 $execute0_lowered;
	[smem:$0x3FD2] =	sst s25  }
0xa6: {  	s4 =	sshll.u32 s26, $0x1;
	_ =	strace $0x8000004C;
	[dreg:$0x1] =	wrdreg $0xFFFFFFFF  }
0xa7: {  	s28 =	simm.s32 $_size_execute0_lowered;
	s2 =	sadd.s32 s2, s4;
	[dreg:$0x0] =	wrdreg $0x0  }
0xa8: {  	s4 =	sshll.u32 s28, $0x1;
	[dreg:$0x2] =	wrdreg s2  }
0xa9: {  	[dreg:$0x3] =	wrdreg s4  }
0xaa: {  	[dreg:$0x4] =	wrdreg $0xC0  }
0xab: {  	_ =	task [dreg:s6], $0x5FFFF  }
0xac: {  	[dreg:$0x1] =	wrdreg $0xFFFFFFFF  }
0xad: {  	[dreg:$0x0] =	wrdreg $0x60  }
0xae: {  	[dreg:$0x2] =	wrdreg s24  }
0xaf: {  	[dreg:$0x3] =	wrdreg $0xB7800  }
0xb0: {  	[dreg:$0x4] =	wrdreg $0x9  }
0xb1: {  	_ =	task.clear_ibuf [dreg:s6], $0x5FFFF;
	_ =	strace $0x9000004C  }
0xb2: {  	s29 =	simm.s32 $0x9;
	_ =	strace $0x8000004E  }
0xb3: {  	_ =	swait.ge [sflag:s29], $0x1  }
0xb4: {  	[sflag:s29] =	ssyncadd.s32 $0xFFFFFFFF  }
0xb5: {  	_ =	strace $0x9000004E  }
0xb6: {  	_ =	sfence  }
0xb7: {  	s30 =	sld [smem:$0x0];
	_ =	sdelay $0x2  }
0xb8: {  	s31 =	sshll.u32 s1, $0xD;
	s1 =	sshrl.u32 s1, $0x2  }
0xb9: {  	s3 =	sand.u32 $0x4000, s31;
	s1 =	sadd.s32 s1, s30  }
0xba: {  	s0 =	sor.u32 s3, s0;
	s1 =	sshll.u32 s1, $0x11  }
0xbb: {  	s0 =	sor.u32 s1, s0  }
0xbc: {  	s0 =	sadd.s32 $0x8F2B, s0  }
0xbd: {  	[sflag:s0] =	ssyncadd.remote.s32 $0x1  }
0xbe: {  	_ =	sfence.sel $0xFFFF  }
0xbf: {  	[dreg:$0x0] =	wrdreg $0xFFFFFFFF;
	(pc) =	sbr.abs _section_cstart, $3  }
0xc0: {  	[dreg:$0x1] =	wrdreg $0xFFFFFFFF  }
0xc1: {  	_ =	task.clear_ibuf [dreg:s6], $0x2FFFF;
	_ =	strace $0x9FFFFFFF  }
0xc2: {  	(tm) =	ssettm $0x7FFFFFFF  }
0xc3: {  	_ =	shalt  }
tec
execute0_lowered:
.L_overlay_start_1:
0x0: {  	(tag) =	ssettag $0x1  }
0x1: {  	s7 =	rddreg [dreg:$0x0]  }
0x2: {  	s0 =	srdreg.scid;
	s2 =	rddreg [dreg:$0x1]  }
0x3: {  	s1 =	stileid.u32;
	s3 =	simm.s32 $0x0;
	s15 =	simm.s32 $0x8F80  }
0x4: {  	s19 =	simm.s32 $0x2780;
	s20 =	simm.s32 $0x1;
	s21 =	simm.s32 $0x2  }
0x5: {  	s22 =	simm.s32 $0x6480;
	s23 =	simm.s32 $0x26C0;
	s9 =	smul.u32 $0x50000, s1  }
0x6: {  	s24 =	simm.s32 $0x6500;
	s5 =	sand.u32 $0x1, s0;
	s11 =	smul.u32 $0x2800, s1  }
0x7: {  	[smem:$0x7FF] =	sst s3;
	s12 =	sadd.s32 $0x44600, s7;
	s28 =	smul.u32 $0x14000, s1  }
0x8: {  	s16 =	sadd.s32 $0x12C000, s2;
	p0 =	seq.s32 s1, $0xF;
	s4 =	sshll.u32 s5, $0x4  }
0x9: {  	_ =	strace $0x8000004D;
	s25 =	ssub.s32 $0x2, s5;
	s14 =	smul.u32 $0x138800, s5  }
0xa: {  	s17 =	sshll.u32 @!p0 s1, $0x6;
	s16 =	sshrl.u32 @p0 s16, $0x3;
	s6 =	sor.u32 s1, s4  }
0xb: {  	s4 =	sadd.s32 $0x1D400, s7;
	s13 =	sshrl.u32 s25, $0x1;
	s26 =	sshrl.u32 s9, $0x2  }
0xc: {  	s17 =	sor.u32 @!p0 $0x1C03, s17;
	s8 =	smul.u32 $0x4E2, s6;
	s6 =	sshll.u32 s6, $0xB  }
0xd: {  	s13 =	ssub.s32 s25, s13;
	s18 =	sadd.s32 s26, s2;
	s29 =	sadd.s32 s28, s14  }
0xe: {  	s30 =	sshrl.u32 s14, $0x3;
	s25 =	simm.s32 $0x6580;
	s26 =	simm.s32 $0x0  }
0xf: {  	s10 =	sadd.s32 s6, s7;
	s6 =	sadd.s32 s4, s11;
	s31 =	sshrl.u32 s29, $0x3  }
0x10: {  	s14 =	sadd.s32 s12, s30;
	s11 =	smax.u32 s13, $0x1;
	s13 =	simm.s32 $0x50  }
0x11: {  	s18 =	sshrl.u32 @!p0 s18, $0x3;
	s8 =	sadd.s32 s8, s7;
	s7 =	sadd.s32 $0x42C00, s7  }
0x12: {  	s9 =	sadd.s32 s12, s31;
	s12 =	simm.s32 $0x3;
	s5 =	sadd.s32 $0x3600, s8  }
0x13: {  	s8 =	sadd.s32 $0xD400, s10;
	s10 =	sadd.s32 $0x25800, s14;
	s14 =	simm.s32 $0x6780  }
.LBB2_1:
0x14: {  	[tilespmem:s3], [sflag:$0x3] =	stream.linear.gather [hbm4b:s5+s3], $0x2710, $0x38;
	[tilespmem:$0x1F000] =	vst v63  }
0x15: {  	_ =	swait.ge [sflag:s12], $0x2710  }
0x16: {  	[sflag:s12] =	ssyncset.done $0x0  }
0x17: {  	[sflag:s12] =	ssyncadd.s32 $0xFFFFD8F0  }
0x18: {  	[tilespmem:s14], [sflag:$0x1] =	stream.indirect.gather [hbm4b:s4+s13], $0x80, s3, s13, $0xb8;
	[tilespmem:$0x1F000] =	vst v63  }
0x19: {  	s28 =	simm.s32 @p0 $0x1FC3  }
0x1a: {  	[tilespmem:s15], [sflag:$0x2] =	stream.indirect.gather [hbm4b:s4+s13], $0x80, s13, s13, $0xb8;
	[tilespmem:$0x1F000] =	vst v63  }
0x1b: {  	[spmem:s16], [sflag:s28] =	dma.local @p0 [hbm:s7], $0x1900  }
0x1c: {  	s28 =	simm.s32 @p0 $0x3  }
0x1d: {  	_ =	swait.ge @p0 [sflag:s28], $0x1900  }
0x1e: {  	[sflag:s28] =	ssyncset.done @p0 $0x0  }
0x1f: {  	[sflag:s28] =	ssyncadd.s32 @p0 $0xFFFFE700;
	s28 =	simm.s32 @!p0 $0x3  }
0x20: {  	[spmem:s18], [sflag:s17] =	dma.local @!p0 [hbm:s6], $0x2800  }
0x21: {  	_ =	swait.ge @!p0 [sflag:s28], $0x2800  }
0x22: {  	[sflag:s28] =	ssyncset.done @!p0 $0x0  }
0x23: {  	[sflag:s28] =	ssyncadd.s32 @!p0 $0xFFFFD800  }
0x24: {  	[tilespmem:s19], [sflag:$0x3] =	stream.linear.gather [hbm4b:s8+s3], $0x3E80, $0x38;
	[tilespmem:$0x1F000] =	vst v63  }
0x25: {  	_ =	swait.ge [sflag:s12], $0x3E80  }
0x26: {  	[sflag:s12] =	ssyncset.done $0x0  }
0x27: {  	[sflag:s12] =	ssyncadd.s32 $0xFFFFC180  }
0x28: {  	[bflag:$0x0] =	sbarrier.arrive $0xFFFF  }
0x29: {  	_ =	swait.ge [sflag:s20], $0x2800  }
0x2a: {  	[sflag:s20] =	ssyncset.done $0x0  }
0x2b: {  	s28 =	simm.s32 $0x2780;
	[sflag:s20] =	ssyncadd.s32 $0xFFFFD800  }
0x2c: {  	[spmem:s2] =	stream.indirect.scatter.add.f32 [tilespmem:s14], [sflag:$0x3], $0x80, s28, s13, $0xb8;
	[tilespmem:$0x1F000] =	vst v63  }
0x2d: {  	_ =	swait.ge [sflag:s12], $0x2800  }
0x2e: {  	[sflag:s12] =	ssyncset.done $0x0  }
0x2f: {  	s28 =	simm.s32 $0xA0;
	[sflag:s12] =	ssyncadd.s32 $0xFFFFD800  }
0x30: {  	[tilespmem:s14], [sflag:$0x1] =	stream.indirect.gather [hbm4b:s4+s13], $0x80, s28, s13, $0xb8;
	[tilespmem:$0x1F000] =	vst v63  }
0x31: {  	_ =	swait.ge [sflag:s21], $0x2800  }
0x32: {  	[sflag:s21] =	ssyncset.done $0x0  }
0x33: {  	s28 =	simm.s32 $0x2800;
	[sflag:s21] =	ssyncadd.s32 $0xFFFFD800  }
0x34: {  	[spmem:s2] =	stream.indirect.scatter.add.f32 [tilespmem:s15], [sflag:$0x3], $0x80, s28, s13, $0xb8;
	[tilespmem:$0x1F000] =	vst v63  }
0x35: {  	_ =	swait.ge [sflag:s12], $0x2800  }
0x36: {  	s29 =	simm.s32 $0x400;
	[sflag:s12] =	ssyncset.done $0x0  }
0x37: {  	s30 =	simm.s32 $0x190;
	s28 =	simm.s32 $0xF0;
	[sflag:s12] =	ssyncadd.s32 $0xFFFFD800  }
.LBB2_2:
0x38: {  	[tilespmem:s15], [sflag:$0x2] =	stream.indirect.gather [hbm4b:s4+s13], $0x80, s28, s13, $0xb8;
	[tilespmem:$0x1F000] =	vst v63  }
0x39: {  	s31 =	smov.u32 s29;
	s28 =	smov.u32 s30  }
0x3a: {  	p1 =	sne.s32 s29, $0xF000;
	s29 =	sadd.s32 $0x400, s29;
	_ =	swait.ge [sflag:s20], $0x2800  }
0x3b: {  	s31 =	sshra.s32 s31, $0x2;
	[sflag:s20] =	ssyncset.done $0x0  }
0x3c: {  	s0 =	sadd.s32 $0x2780, s31;
	[sflag:s20] =	ssyncadd.s32 $0xFFFFD800  }
0x3d: {  	[spmem:s2] =	stream.indirect.scatter.add.f32 [tilespmem:s14], [sflag:$0x3], $0x80, s0, s13, $0xb8;
	[tilespmem:$0x1F000] =	vst v63  }
0x3e: {  	_ =	swait.ge [sflag:s12], $0x2800  }
0x3f: {  	[sflag:s12] =	ssyncset.done $0x0  }
0x40: {  	s0 =	sadd.s32 $0xFFFFFFB0, s30;
	[sflag:s12] =	ssyncadd.s32 $0xFFFFD800  }
0x41: {  	[tilespmem:s14], [sflag:$0x1] =	stream.indirect.gather [hbm4b:s4+s13], $0x80, s0, s13, $0xb8;
	[tilespmem:$0x1F000] =	vst v63  }
0x42: {  	_ =	swait.ge [sflag:s21], $0x2800  }
0x43: {  	[sflag:s21] =	ssyncset.done $0x0  }
.Ltmp0:
0x44: {  	s0 =	sadd.s32 $0x2800, s31;
	[sflag:s21] =	ssyncadd.s32 $0xFFFFD800;
	(pc) =	sbr.rel @p1 .LBB2_2-.Ltmp0, $4  }
0x45: {  	[spmem:s2] =	stream.indirect.scatter.add.f32 [tilespmem:s15], [sflag:$0x3], $0x80, s0, s13, $0xb8;
	[tilespmem:$0x1F000] =	vst v63  }
0x46: {  	_ =	swait.ge [sflag:s12], $0x2800  }
0x47: {  	[sflag:s12] =	ssyncset.done $0x0  }
0x48: {  	s30 =	sadd.s32 $0xA0, s30;
	[sflag:s12] =	ssyncadd.s32 $0xFFFFD800  }
0x49: {  	[tilespmem:s15], [sflag:$0x2] =	stream.indirect.gather [hbm4b:s4+s13], $0x80, s28, s13, $0xb8;
	[tilespmem:$0x1F000] =	vst v63  }
0x4a: {  	_ =	swait.ge [sflag:s20], $0x2800  }
0x4b: {  	[sflag:s20] =	ssyncset.done $0x0  }
0x4c: {  	[sflag:s20] =	ssyncadd.s32 $0xFFFFD800  }
0x4d: {  	[spmem:s2] =	stream.indirect.scatter.add.f32 [tilespmem:s14], [sflag:$0x3], $0x80, s22, s13, $0xb8;
	[tilespmem:$0x1F000] =	vst v63  }
0x4e: {  	_ =	swait.ge [sflag:s12], $0x2800  }
0x4f: {  	[sflag:s12] =	ssyncset.done $0x0  }
0x50: {  	[sflag:s12] =	ssyncadd.s32 $0xFFFFD800  }
0x51: {  	[tilespmem:s14], [sflag:$0x1] =	stream.indirect.gather [hbm4b:s4+s13], $0x80, s23, s13, $0xb8;
	[tilespmem:$0x1F000] =	vst v63  }
0x52: {  	_ =	swait.ge [sflag:s21], $0x2800  }
0x53: {  	[sflag:s21] =	ssyncset.done $0x0  }
0x54: {  	[sflag:s21] =	ssyncadd.s32 $0xFFFFD800  }
0x55: {  	[spmem:s2] =	stream.indirect.scatter.add.f32 [tilespmem:s15], [sflag:$0x3], $0x80, s24, s13, $0xb8;
	[tilespmem:$0x1F000] =	vst v63  }
0x56: {  	_ =	swait.ge [sflag:s12], $0x2800  }
0x57: {  	[sflag:s12] =	ssyncset.done $0x0  }
0x58: {  	[sflag:s12] =	ssyncadd.s32 $0xFFFFD800  }
0x59: {  	_ =	swait.ge [sflag:s20], $0x2800  }
0x5a: {  	[sflag:s20] =	ssyncset.done $0x0  }
0x5b: {  	[sflag:s20] =	ssyncadd.s32 $0xFFFFD800  }
0x5c: {  	[spmem:s2] =	stream.indirect.scatter.add.f32 [tilespmem:s14], [sflag:$0x3], $0x80, s25, s13, $0xb8;
	[tilespmem:$0x1F000] =	vst v63  }
0x5d: {  	_ =	swait.ge [sflag:s12], $0x2800  }
0x5e: {  	[sflag:s12] =	ssyncset.done $0x0  }
0x5f: {  	[sflag:s12] =	ssyncadd.s32 $0xFFFFD800  }
0x60: {  	s0 =	simm.s32 @p0 $0x1FC3;
	[bflag:$0x0] =	sbarrier.arrive $0xFFFF  }
0x61: {  	[hbm:s10], [sflag:s0] =	dma.local @p0 [spmem:s16], $0x1900  }
0x62: {  	s0 =	simm.s32 @p0 $0x3  }
0x63: {  	s26 =	sadd.s32 $0x1, s26;
	_ =	swait.ge @p0 [sflag:s0], $0x1900  }
0x64: {  	p1 =	sne.s32 s26, s11;
	[sflag:s0] =	ssyncset.done @p0 $0x0  }
.Ltmp1:
0x65: {  	[sflag:s0] =	ssyncadd.s32 @p0 $0xFFFFE700;
	s0 =	simm.s32 @!p0 $0x3;
	(pc) =	sbr.rel @p1 .LBB2_1-.Ltmp1, $4  }
0x66: {  	[hbm:s9], [sflag:s17] =	dma.local @!p0 [spmem:s18], $0x2800  }
0x67: {  	_ =	swait.ge @!p0 [sflag:s0], $0x2800  }
0x68: {  	[sflag:s0] =	ssyncset.done @!p0 $0x0  }
0x69: {  	[sflag:s0] =	ssyncadd.s32 @!p0 $0xFFFFD800  }
0x6a: {  	_ =	sfence.sel $0x180000  }
0x6b: {  	[bflag:$0x0] =	sbarrier.arrive $0xFFFF  }
0x6c: {  	_ =	strace $0x9000004D  }
0x6d: {  	[bflag:$0x2] =	sbarrier.arrive $0xFFFF  }
0x6e: {  	p0 =	sne.s32 s1, $0x0;
	s0 =	rddreg [dreg:$0x2]  }
0x6f: {  	s0 =	sadd.s32 @!p0 $0x100000, s0  }
0x70: {  	[sflag:s0] =	ssyncadd.tile.s32 @!p0 $0x1;
	_ =	shalt  }
.Lfunc_end2:
_tile_overlayer_lowered:
.L_overlay_start_2:
0x71: {  	(tag) =	ssettag $0x2  }
0x72: {  	s0 =	rddreg [dreg:$0x0];
	s2 =	stileid.u32  }
0x73: {  	s1 =	rddreg [dreg:$0x1];
	p0 =	sne.s32 s2, $0x0  }
0x74: {  	s3 =	rddreg [dreg:$0x2];
	[bflag:$0x3] =	sbarrier.arrive $0xFFFF;
	s2 =	simm.s32 @!p0 $0x1C03  }
0x75: {  	[timem:s3], [sflag:s2] =	dma.local @!p0 [hbm:s0], s1  }
0x76: {  	s0 =	simm.s32 @!p0 $0x3  }
0x77: {  	_ =	swait.ge @!p0 [sflag:s0], s1  }
0x78: {  	s1 =	ssub.s32 @!p0 $0x0, s1;
	[sflag:s0] =	ssyncset.done @!p0 $0x0  }
0x79: {  	[sflag:s0] =	ssyncadd.s32 @!p0 s1  }
0x7a: {  	[bflag:$0x3] =	sbarrier.arrive $0xFFFF  }
0x7b: {  	_ =	shalt  }

// kernel: kernel.19.cloned.1.call-start
scs
__scs_entry_jumppad:
0x0: {  	(pc) =	sbr.rel $0x88, $3  }
0x1: {  	(tag) =	ssettag $0x0;
	lr =	simm.s32 $0x1  }
0x2: {  	[smem:$0x3F96] =	sst lr;
	_ =	strace $0xD0000000  }
0x3: {  	_ = 	snop  }
0x4: {  	_ = 	snop  }
0x5: {  	_ = 	snop  }
0x6: {  	_ = 	snop  }
0x7: {  	_ = 	snop  }
__scs_overlays_trampoline_lowered:
0x8: {  	[smem:$0x3FA5] =	sst s0  }
0x9: {  	[smem:$0x3FA6] =	sst s1  }
0xa: {  	[smem:$0x3FA7] =	sst s2  }
0xb: {  	[smem:$0x3FA8] =	sst s3  }
0xc: {  	[smem:$0x3FA9] =	sst s4  }
0xd: {  	[smem:$0x3FAA] =	sst s5  }
0xe: {  	[smem:$0x3FAB] =	sst s6  }
0xf: {  	[smem:$0x3FAC] =	sst s7  }
0x10: {  	[smem:$0x3FAD] =	sst s8  }
0x11: {  	[smem:$0x3FAE] =	sst s9;
	s0 =	simm.s32 @!p0 $0x0  }
0x12: {  	s1 =	sld [smem:$0x3F94];
	s0 =	simm.s32 @p0 $0x1  }
0x13: {  	[smem:$0x3FAF] =	sst s0;
	s0 =	simm.s32 @!p1 $0x0  }
0x14: {  	s2 =	sld [smem:$0x3F93];
	s0 =	simm.s32 @p1 $0x1  }
0x15: {  	[smem:$0x3FB0] =	sst s0;
	s0 =	simm.s32 @!p2 $0x0  }
0x16: {  	s3 =	sld [smem:$0x3FDB];
	s0 =	simm.s32 @p2 $0x1  }
0x17: {  	s4 =	simm.s32 $0x1BF5;
	[smem:$0x3FB2] =	sst s0  }
0x18: {  	s0 =	sld [smem:$0x3F95];
	_ =	swait.ge [sflag:s4], $0x0  }
0x19: {  	s7 =	sld [smem:$0x3F96]  }
0x1a: {  	s8 =	sadd.s32 $0xFFFFE003, lr  }
0x1b: {  	s9 =	sadd.s32 $0xFFFFFEF7, lr;
	s5 =	simm.s32 $0xFFFFFFFF;
	p2 =	slt.u32 s8, $0xFFFFF086  }
0x1c: {  	p1 =	slt.u32 s9, $0xF7A;
	s5 =	simm.s32 @!p2 $0x0  }
0x1d: {  	s5 =	simm.s32 @p1 $0x1;
	p0 =	seq.s32 s7, s2  }
0x1e: {  	s7 =	smul.u32 @!p0 $0xF7A, s2;
	p2 =	seq.s32 @!p0 s5, $0x0  }
0x1f: {  	s9 =	smul.u32 $0xF7A, s1;
	s8 =	simm.s32 @!p0 $0x1BF5;
	p2 =	por !p2, p0  }
0x20: {  	[sflag:s8] =	ssyncset.s32 @!p0 $0xFFFFF086;
	s6 =	sadd.s32 @!p0 s3, s7;
	s7 =	simm.s32 @!p0 $0x108  }
0x21: {  	s3 =	sadd.s32 s3, s9;
	s6 =	sadd.s32 @!p0 $0x88, s6;
	s7 =	simm.s32 @p2 $0x1082  }
0x22: {  	[simem:s7], [sflag:s8] =	dma.local @!p0 [hbm:s6], $0xF7A  }
0x23: {  	s9 =	sor.u32 $0xD0000000, s2;
	s6 =	simm.s32 $0x108;
	_ =	swait.ge @!p0 [sflag:s8], $0x0  }
0x24: {  	s3 =	sadd.s32 $0x88, s3;
	s6 =	simm.s32 @!p1 $0x1082;
	[sflag:s4] =	ssyncset.s32 $0xFFFFF086  }
0x25: {  	[simem:s6], [sflag:s4] =	dma.local [hbm:s3], $0xF7A  }
0x26: {  	[smem:$0x3F96] =	sst s1;
	(tag) =	ssettag s2;
	_ =	strace s9  }
0x27: {  	s1 =	sld [smem:$0x3FA6]  }
0x28: {  	s2 =	sld [smem:$0x3FA7]  }
0x29: {  	s4 =	sld [smem:$0x3FA9]  }
0x2a: {  	p0 =	seq.s32 s5, $0x0;
	s5 =	sld [smem:$0x3FAA]  }
0x2b: {  	s6 =	sld [smem:$0x3FAB]  }
0x2c: {  	s7 =	sld [smem:$0x3FAC]  }
0x2d: {  	s3 =	simm.s32 $0x108;
	s8 =	sld [smem:$0x3FAD]  }
0x2e: {  	s3 =	simm.s32 @!p0 $0x1082;
	s9 =	sld [smem:$0x3FAE]  }
0x2f: {  	lr =	sadd.s32 s0, s3;
	s0 =	sld [smem:$0x3FA5]  }
0x30: {  	s3 =	sld [smem:$0x3FA8]  }
0x31: {  	[smem:$0x3FB1] =	sst s10  }
0x32: {  	s10 =	sld [smem:$0x3FAF];
	_ =	sdelay $0x3  }
0x33: {  	p0 =	seq.s32 s10, $0x1;
	s10 =	sld [smem:$0x3FB1];
	_ =	sdelay $0x3  }
0x34: {  	[smem:$0x3FB1] =	sst s10  }
0x35: {  	s10 =	sld [smem:$0x3FB0];
	_ =	sdelay $0x3  }
0x36: {  	p1 =	seq.s32 s10, $0x1;
	s10 =	sld [smem:$0x3FB1];
	_ =	sdelay $0x3  }
0x37: {  	[smem:$0x3FB1] =	sst s10  }
0x38: {  	s10 =	sld [smem:$0x3FB2]  }
0x39: {  	_ = 	snop;
	(pc) =	sbr.ind lr, $3  }
0x3a: {  	_ = 	snop  }
0x3b: {  	_ = 	snop  }
0x3c: {  	p2 =	seq.s32 s10, $0x1;
	s10 =	sld [smem:$0x3FB1]  }
0x3d: {  	_ =	shalt  }
0x3e: {  	_ =	shalt  }
0x3f: {  	_ =	shalt  }
0x40: {  	_ =	shalt  }
0x41: {  	_ =	shalt  }
0x42: {  	_ =	shalt  }
0x43: {  	_ =	shalt  }
0x44: {  	_ =	shalt  }
0x45: {  	_ =	shalt  }
0x46: {  	_ =	shalt  }
0x47: {  	_ =	shalt  }
0x48: {  	_ =	shalt  }
0x49: {  	_ =	shalt  }
0x4a: {  	_ =	shalt  }
0x4b: {  	_ =	shalt  }
0x4c: {  	_ =	shalt  }
0x4d: {  	_ =	shalt  }
0x4e: {  	_ =	shalt  }
0x4f: {  	_ =	shalt  }
0x50: {  	_ =	shalt  }
0x51: {  	_ =	shalt  }
0x52: {  	_ =	shalt  }
0x53: {  	_ =	shalt  }
0x54: {  	_ =	shalt  }
0x55: {  	_ =	shalt  }
0x56: {  	_ =	shalt  }
0x57: {  	_ =	shalt  }
0x58: {  	_ =	shalt  }
0x59: {  	_ =	shalt  }
0x5a: {  	_ =	shalt  }
0x5b: {  	_ =	shalt  }
0x5c: {  	_ =	shalt  }
0x5d: {  	_ =	shalt  }
0x5e: {  	_ =	shalt  }
0x5f: {  	_ =	shalt  }
0x60: {  	_ =	shalt  }
0x61: {  	_ =	shalt  }
0x62: {  	_ =	shalt  }
0x63: {  	_ =	shalt  }
0x64: {  	_ =	shalt  }
0x65: {  	_ =	shalt  }
0x66: {  	_ =	shalt  }
0x67: {  	_ =	shalt  }
0x68: {  	_ =	shalt  }
0x69: {  	_ =	shalt  }
0x6a: {  	_ =	shalt  }
0x6b: {  	_ =	shalt  }
0x6c: {  	_ =	shalt  }
0x6d: {  	_ =	shalt  }
0x6e: {  	_ =	shalt  }
0x6f: {  	_ =	shalt  }
0x70: {  	_ =	shalt  }
0x71: {  	_ =	shalt  }
0x72: {  	_ =	shalt  }
0x73: {  	_ =	shalt  }
0x74: {  	_ =	shalt  }
0x75: {  	_ =	shalt  }
0x76: {  	_ =	shalt  }
0x77: {  	_ =	shalt  }
0x78: {  	_ =	shalt  }
0x79: {  	_ =	shalt  }
0x7a: {  	_ =	shalt  }
0x7b: {  	_ =	shalt  }
0x7c: {  	_ =	shalt  }
0x7d: {  	_ =	shalt  }
0x7e: {  	_ =	shalt  }
0x7f: {  	_ =	shalt  }
0x80: {  	_ =	shalt  }
0x81: {  	_ =	shalt  }
0x82: {  	_ =	shalt  }
0x83: {  	_ =	shalt  }
0x84: {  	_ =	shalt  }
0x85: {  	_ =	shalt  }
0x86: {  	_ =	shalt  }
0x87: {  	_ =	shalt  }
.Lfunc_end0:
.L_simem_size_0:
called_computation.3_lowered:
.L_overlay_start_0:
0x88: {  	s2 =	sld [smem:$0x3FD9]  }
0x89: {  	s3 =	sld [smem:$0x3FFE];
	_ =	sdelay $0x1  }
0x8a: {  	s1 =	srdreg.scid  }
0x8b: {  	s0 =	sand.u32 $0x1, s1  }
0x8c: {  	s16 =	sshll.u32 s0, $0xA;
	s2 =	sadd.s32 s3, s2  }
0x8d: {  	s2 =	sadd.s32 s2, s16  }
0x8e: {  	[smem:$0x3FBD] =	sst s2  }
0x8f: {  	_ = 	snop  }
0x90: {  	(tm) =	ssettm $0x1  }
0x91: {  	s17 =	sld [smem:$0x3FFB];
	_ =	sdelay $0x3  }
0x92: {  	_ =	strace s17  }
0x93: {  	s2 =	sld [smem:$0x3FFC];
	_ =	sdelay $0x3  }
0x94: {  	_ =	strace s2  }
0x95: {  	s2 =	sld [smem:$0x3FFD];
	_ =	sdelay $0x3  }
0x96: {  	_ =	strace s2  }
0x97: {  	_ =	strace $0x8FFFFFFF  }
0x98: {  	s18 =	sld [smem:$0x3FDB];
	_ =	sdelay $0x1  }
0x99: {  	s19 =	simm.s32 $_scs_section_size  }
0x9a: {  	s4 =	simm.s32 $_size__tile_overlayer_lowered;
	s5 =	simm.s32 $_tile_overlayer_lowered  }
0x9b: {  	s22 =	simm.s32 $0x1BFF;
	s21 =	sshll.u32 s5, $0x1;
	s2 =	sadd.s32 s19, s18  }
0x9c: {  	s6 =	simm.s32 $0x0;
	s20 =	sshll.u32 s4, $0x1;
	s4 =	sadd.s32 s21, s2  }
0x9d: {  	[timem:s6], [sflag:s22] =	dma.local [hbm:s4], s20  }
0x9e: {  	_ =	swait.ge [sflag:s22], s20  }
0x9f: {  	s3 =	ssub.s32 $0x0, s20;
	[sflag:s22] =	ssyncset.done $0x0  }
0xa0: {  	[sflag:s22] =	ssyncadd.s32 s3;
	_ =	sdelay $0x1  }
0xa1: {  	s23 =	simm.s32 $0x1B8B  }
0xa2: {  	_ =	swait.ge [sflag:s23], $0x1  }
0xa3: {  	[sflag:s23] =	ssyncset.done $0x0  }
0xa4: {  	s25 =	simm.s32 $0x1B8E;
	s24 =	sld [smem:$0x3FFE];
	[sflag:s23] =	ssyncadd.s32 $0xFFFFFFFF  }
0xa5: {  	s26 =	simm.s32 $execute0_lowered;
	[smem:$0x3FD2] =	sst s25  }
0xa6: {  	s4 =	sshll.u32 s26, $0x1;
	_ =	strace $0x8000004F;
	[dreg:$0x1] =	wrdreg $0xFFFFFFFF  }
0xa7: {  	s28 =	simm.s32 $_size_execute0_lowered;
	s2 =	sadd.s32 s2, s4;
	[dreg:$0x0] =	wrdreg $0x0  }
0xa8: {  	s4 =	sshll.u32 s28, $0x1;
	[dreg:$0x2] =	wrdreg s2  }
0xa9: {  	[dreg:$0x3] =	wrdreg s4  }
0xaa: {  	[dreg:$0x4] =	wrdreg $0xC0  }
0xab: {  	_ =	task [dreg:s6], $0x5FFFF  }
0xac: {  	[dreg:$0x1] =	wrdreg $0xFFFFFFFF  }
0xad: {  	[dreg:$0x0] =	wrdreg $0x60  }
0xae: {  	[dreg:$0x2] =	wrdreg s24  }
0xaf: {  	[dreg:$0x3] =	wrdreg $0xB7800  }
0xb0: {  	[dreg:$0x4] =	wrdreg $0x9  }
0xb1: {  	_ =	task.clear_ibuf [dreg:s6], $0x5FFFF;
	_ =	strace $0x9000004F  }
0xb2: {  	s29 =	simm.s32 $0x9;
	_ =	strace $0x80000051  }
0xb3: {  	_ =	swait.ge [sflag:s29], $0x1  }
0xb4: {  	[sflag:s29] =	ssyncadd.s32 $0xFFFFFFFF  }
0xb5: {  	_ =	strace $0x90000051  }
0xb6: {  	_ =	sfence  }
0xb7: {  	s30 =	sld [smem:$0x0];
	_ =	sdelay $0x2  }
0xb8: {  	s31 =	sshll.u32 s1, $0xD;
	s1 =	sshrl.u32 s1, $0x2  }
0xb9: {  	s3 =	sand.u32 $0x4000, s31;
	s1 =	sadd.s32 s1, s30  }
0xba: {  	s0 =	sor.u32 s3, s0;
	s1 =	sshll.u32 s1, $0x11  }
0xbb: {  	s0 =	sor.u32 s1, s0  }
0xbc: {  	s0 =	sadd.s32 $0x8F2B, s0  }
0xbd: {  	[sflag:s0] =	ssyncadd.remote.s32 $0x1  }
0xbe: {  	_ =	sfence.sel $0xFFFF  }
0xbf: {  	[dreg:$0x0] =	wrdreg $0xFFFFFFFF;
	(pc) =	sbr.abs _section_cstart, $3  }
0xc0: {  	[dreg:$0x1] =	wrdreg $0xFFFFFFFF  }
0xc1: {  	_ =	task.clear_ibuf [dreg:s6], $0x2FFFF;
	_ =	strace $0x9FFFFFFF  }
0xc2: {  	(tm) =	ssettm $0x7FFFFFFF  }
0xc3: {  	_ =	shalt  }
tec
execute0_lowered:
.L_overlay_start_1:
0x0: {  	(tag) =	ssettag $0x1  }
0x1: {  	s7 =	rddreg [dreg:$0x0]  }
0x2: {  	s0 =	srdreg.scid;
	s2 =	rddreg [dreg:$0x1]  }
0x3: {  	s1 =	stileid.u32;
	s3 =	simm.s32 $0x0;
	s15 =	simm.s32 $0x8F80  }
0x4: {  	s19 =	simm.s32 $0x2780;
	s20 =	simm.s32 $0x1;
	s21 =	simm.s32 $0x2  }
0x5: {  	s22 =	simm.s32 $0x6480;
	s23 =	simm.s32 $0x26C0;
	s9 =	smul.u32 $0x50000, s1  }
0x6: {  	s24 =	simm.s32 $0x6500;
	s5 =	sand.u32 $0x1, s0;
	s11 =	smul.u32 $0x2800, s1  }
0x7: {  	[smem:$0x7FF] =	sst s3;
	s12 =	sadd.s32 $0x44600, s7;
	s28 =	smul.u32 $0x14000, s1  }
0x8: {  	s16 =	sadd.s32 $0x12C000, s2;
	p0 =	seq.s32 s1, $0xF;
	s4 =	sshll.u32 s5, $0x4  }
0x9: {  	_ =	strace $0x80000050;
	s25 =	ssub.s32 $0x2, s5;
	s14 =	smul.u32 $0x138800, s5  }
0xa: {  	s17 =	sshll.u32 @!p0 s1, $0x6;
	s16 =	sshrl.u32 @p0 s16, $0x3;
	s6 =	sor.u32 s1, s4  }
0xb: {  	s4 =	sadd.s32 $0x1D400, s7;
	s13 =	sshrl.u32 s25, $0x1;
	s26 =	sshrl.u32 s9, $0x2  }
0xc: {  	s17 =	sor.u32 @!p0 $0x1C03, s17;
	s8 =	smul.u32 $0x4E2, s6;
	s6 =	sshll.u32 s6, $0xB  }
0xd: {  	s13 =	ssub.s32 s25, s13;
	s18 =	sadd.s32 s26, s2;
	s29 =	sadd.s32 s28, s14  }
0xe: {  	s30 =	sshrl.u32 s14, $0x3;
	s25 =	simm.s32 $0x6580;
	s26 =	simm.s32 $0x0  }
0xf: {  	s10 =	sadd.s32 s6, s7;
	s6 =	sadd.s32 s4, s11;
	s31 =	sshrl.u32 s29, $0x3  }
0x10: {  	s14 =	sadd.s32 s12, s30;
	s11 =	smax.u32 s13, $0x1;
	s13 =	simm.s32 $0x50  }
0x11: {  	s18 =	sshrl.u32 @!p0 s18, $0x3;
	s8 =	sadd.s32 s8, s7;
	s7 =	sadd.s32 $0x42C00, s7  }
0x12: {  	s9 =	sadd.s32 s12, s31;
	s12 =	simm.s32 $0x3;
	s5 =	sadd.s32 $0x3600, s8  }
0x13: {  	s8 =	sadd.s32 $0xD400, s10;
	s10 =	sadd.s32 $0x25800, s14;
	s14 =	simm.s32 $0x6780  }
.LBB2_1:
0x14: {  	[tilespmem:s3], [sflag:$0x3] =	stream.linear.gather [hbm4b:s5+s3], $0x2710, $0x38;
	[tilespmem:$0x1F000] =	vst v63  }
0x15: {  	_ =	swait.ge [sflag:s12], $0x2710  }
0x16: {  	[sflag:s12] =	ssyncset.done $0x0  }
0x17: {  	[sflag:s12] =	ssyncadd.s32 $0xFFFFD8F0  }
0x18: {  	[tilespmem:s14], [sflag:$0x1] =	stream.indirect.gather [hbm4b:s4+s13], $0x80, s3, s13, $0xb8;
	[tilespmem:$0x1F000] =	vst v63  }
0x19: {  	s28 =	simm.s32 @p0 $0x1FC3  }
0x1a: {  	[tilespmem:s15], [sflag:$0x2] =	stream.indirect.gather [hbm4b:s4+s13], $0x80, s13, s13, $0xb8;
	[tilespmem:$0x1F000] =	vst v63  }
0x1b: {  	[spmem:s16], [sflag:s28] =	dma.local @p0 [hbm:s7], $0x1900  }
0x1c: {  	s28 =	simm.s32 @p0 $0x3  }
0x1d: {  	_ =	swait.ge @p0 [sflag:s28], $0x1900  }
0x1e: {  	[sflag:s28] =	ssyncset.done @p0 $0x0  }
0x1f: {  	[sflag:s28] =	ssyncadd.s32 @p0 $0xFFFFE700;
	s28 =	simm.s32 @!p0 $0x3  }
0x20: {  	[spmem:s18], [sflag:s17] =	dma.local @!p0 [hbm:s6], $0x2800  }
0x21: {  	_ =	swait.ge @!p0 [sflag:s28], $0x2800  }
0x22: {  	[sflag:s28] =	ssyncset.done @!p0 $0x0  }
0x23: {  	[sflag:s28] =	ssyncadd.s32 @!p0 $0xFFFFD800  }
0x24: {  	[tilespmem:s19], [sflag:$0x3] =	stream.linear.gather [hbm4b:s8+s3], $0x3E80, $0x38;
	[tilespmem:$0x1F000] =	vst v63  }
0x25: {  	_ =	swait.ge [sflag:s12], $0x3E80  }
0x26: {  	[sflag:s12] =	ssyncset.done $0x0  }
0x27: {  	[sflag:s12] =	ssyncadd.s32 $0xFFFFC180  }
0x28: {  	[bflag:$0x0] =	sbarrier.arrive $0xFFFF  }
0x29: {  	_ =	swait.ge [sflag:s20], $0x2800  }
0x2a: {  	[sflag:s20] =	ssyncset.done $0x0  }
0x2b: {  	s28 =	simm.s32 $0x2780;
	[sflag:s20] =	ssyncadd.s32 $0xFFFFD800  }
0x2c: {  	[spmem:s2] =	stream.indirect.scatter.add.f32 [tilespmem:s14], [sflag:$0x3], $0x80, s28, s13, $0xb8;
	[tilespmem:$0x1F000] =	vst v63  }
0x2d: {  	_ =	swait.ge [sflag:s12], $0x2800  }
0x2e: {  	[sflag:s12] =	ssyncset.done $0x0  }
0x2f: {  	s28 =	simm.s32 $0xA0;
	[sflag:s12] =	ssyncadd.s32 $0xFFFFD800  }
0x30: {  	[tilespmem:s14], [sflag:$0x1] =	stream.indirect.gather [hbm4b:s4+s13], $0x80, s28, s13, $0xb8;
	[tilespmem:$0x1F000] =	vst v63  }
0x31: {  	_ =	swait.ge [sflag:s21], $0x2800  }
0x32: {  	[sflag:s21] =	ssyncset.done $0x0  }
0x33: {  	s28 =	simm.s32 $0x2800;
	[sflag:s21] =	ssyncadd.s32 $0xFFFFD800  }
0x34: {  	[spmem:s2] =	stream.indirect.scatter.add.f32 [tilespmem:s15], [sflag:$0x3], $0x80, s28, s13, $0xb8;
	[tilespmem:$0x1F000] =	vst v63  }
0x35: {  	_ =	swait.ge [sflag:s12], $0x2800  }
0x36: {  	s29 =	simm.s32 $0x400;
	[sflag:s12] =	ssyncset.done $0x0  }
0x37: {  	s30 =	simm.s32 $0x190;
	s28 =	simm.s32 $0xF0;
	[sflag:s12] =	ssyncadd.s32 $0xFFFFD800  }
.LBB2_2:
0x38: {  	[tilespmem:s15], [sflag:$0x2] =	stream.indirect.gather [hbm4b:s4+s13], $0x80, s28, s13, $0xb8;
	[tilespmem:$0x1F000] =	vst v63  }
0x39: {  	s31 =	smov.u32 s29;
	s28 =	smov.u32 s30  }
0x3a: {  	p1 =	sne.s32 s29, $0xF000;
	s29 =	sadd.s32 $0x400, s29;
	_ =	swait.ge [sflag:s20], $0x2800  }
0x3b: {  	s31 =	sshra.s32 s31, $0x2;
	[sflag:s20] =	ssyncset.done $0x0  }
0x3c: {  	s0 =	sadd.s32 $0x2780, s31;
	[sflag:s20] =	ssyncadd.s32 $0xFFFFD800  }
0x3d: {  	[spmem:s2] =	stream.indirect.scatter.add.f32 [tilespmem:s14], [sflag:$0x3], $0x80, s0, s13, $0xb8;
	[tilespmem:$0x1F000] =	vst v63  }
0x3e: {  	_ =	swait.ge [sflag:s12], $0x2800  }
0x3f: {  	[sflag:s12] =	ssyncset.done $0x0  }
0x40: {  	s0 =	sadd.s32 $0xFFFFFFB0, s30;
	[sflag:s12] =	ssyncadd.s32 $0xFFFFD800  }
0x41: {  	[tilespmem:s14], [sflag:$0x1] =	stream.indirect.gather [hbm4b:s4+s13], $0x80, s0, s13, $0xb8;
	[tilespmem:$0x1F000] =	vst v63  }
0x42: {  	_ =	swait.ge [sflag:s21], $0x2800  }
0x43: {  	[sflag:s21] =	ssyncset.done $0x0  }
.Ltmp0:
0x44: {  	s0 =	sadd.s32 $0x2800, s31;
	[sflag:s21] =	ssyncadd.s32 $0xFFFFD800;
	(pc) =	sbr.rel @p1 .LBB2_2-.Ltmp0, $4  }
0x45: {  	[spmem:s2] =	stream.indirect.scatter.add.f32 [tilespmem:s15], [sflag:$0x3], $0x80, s0, s13, $0xb8;
	[tilespmem:$0x1F000] =	vst v63  }
0x46: {  	_ =	swait.ge [sflag:s12], $0x2800  }
0x47: {  	[sflag:s12] =	ssyncset.done $0x0  }
0x48: {  	s30 =	sadd.s32 $0xA0, s30;
	[sflag:s12] =	ssyncadd.s32 $0xFFFFD800  }
0x49: {  	[tilespmem:s15], [sflag:$0x2] =	stream.indirect.gather [hbm4b:s4+s13], $0x80, s28, s13, $0xb8;
	[tilespmem:$0x1F000] =	vst v63  }
0x4a: {  	_ =	swait.ge [sflag:s20], $0x2800  }
0x4b: {  	[sflag:s20] =	ssyncset.done $0x0  }
0x4c: {  	[sflag:s20] =	ssyncadd.s32 $0xFFFFD800  }
0x4d: {  	[spmem:s2] =	stream.indirect.scatter.add.f32 [tilespmem:s14], [sflag:$0x3], $0x80, s22, s13, $0xb8;
	[tilespmem:$0x1F000] =	vst v63  }
0x4e: {  	_ =	swait.ge [sflag:s12], $0x2800  }
0x4f: {  	[sflag:s12] =	ssyncset.done $0x0  }
0x50: {  	[sflag:s12] =	ssyncadd.s32 $0xFFFFD800  }
0x51: {  	[tilespmem:s14], [sflag:$0x1] =	stream.indirect.gather [hbm4b:s4+s13], $0x80, s23, s13, $0xb8;
	[tilespmem:$0x1F000] =	vst v63  }
0x52: {  	_ =	swait.ge [sflag:s21], $0x2800  }
0x53: {  	[sflag:s21] =	ssyncset.done $0x0  }
0x54: {  	[sflag:s21] =	ssyncadd.s32 $0xFFFFD800  }
0x55: {  	[spmem:s2] =	stream.indirect.scatter.add.f32 [tilespmem:s15], [sflag:$0x3], $0x80, s24, s13, $0xb8;
	[tilespmem:$0x1F000] =	vst v63  }
0x56: {  	_ =	swait.ge [sflag:s12], $0x2800  }
0x57: {  	[sflag:s12] =	ssyncset.done $0x0  }
0x58: {  	[sflag:s12] =	ssyncadd.s32 $0xFFFFD800  }
0x59: {  	_ =	swait.ge [sflag:s20], $0x2800  }
0x5a: {  	[sflag:s20] =	ssyncset.done $0x0  }
0x5b: {  	[sflag:s20] =	ssyncadd.s32 $0xFFFFD800  }
0x5c: {  	[spmem:s2] =	stream.indirect.scatter.add.f32 [tilespmem:s14], [sflag:$0x3], $0x80, s25, s13, $0xb8;
	[tilespmem:$0x1F000] =	vst v63  }
0x5d: {  	_ =	swait.ge [sflag:s12], $0x2800  }
0x5e: {  	[sflag:s12] =	ssyncset.done $0x0  }
0x5f: {  	[sflag:s12] =	ssyncadd.s32 $0xFFFFD800  }
0x60: {  	s0 =	simm.s32 @p0 $0x1FC3;
	[bflag:$0x0] =	sbarrier.arrive $0xFFFF  }
0x61: {  	[hbm:s10], [sflag:s0] =	dma.local @p0 [spmem:s16], $0x1900  }
0x62: {  	s0 =	simm.s32 @p0 $0x3  }
0x63: {  	s26 =	sadd.s32 $0x1, s26;
	_ =	swait.ge @p0 [sflag:s0], $0x1900  }
0x64: {  	p1 =	sne.s32 s26, s11;
	[sflag:s0] =	ssyncset.done @p0 $0x0  }
.Ltmp1:
0x65: {  	[sflag:s0] =	ssyncadd.s32 @p0 $0xFFFFE700;
	s0 =	simm.s32 @!p0 $0x3;
	(pc) =	sbr.rel @p1 .LBB2_1-.Ltmp1, $4  }
0x66: {  	[hbm:s9], [sflag:s17] =	dma.local @!p0 [spmem:s18], $0x2800  }
0x67: {  	_ =	swait.ge @!p0 [sflag:s0], $0x2800  }
0x68: {  	[sflag:s0] =	ssyncset.done @!p0 $0x0  }
0x69: {  	[sflag:s0] =	ssyncadd.s32 @!p0 $0xFFFFD800  }
0x6a: {  	_ =	sfence.sel $0x180000  }
0x6b: {  	[bflag:$0x0] =	sbarrier.arrive $0xFFFF  }
0x6c: {  	_ =	strace $0x90000050  }
0x6d: {  	[bflag:$0x2] =	sbarrier.arrive $0xFFFF  }
0x6e: {  	p0 =	sne.s32 s1, $0x0;
	s0 =	rddreg [dreg:$0x2]  }
0x6f: {  	s0 =	sadd.s32 @!p0 $0x100000, s0  }
0x70: {  	[sflag:s0] =	ssyncadd.tile.s32 @!p0 $0x1;
	_ =	shalt  }
.Lfunc_end2:
_tile_overlayer_lowered:
.L_overlay_start_2:
0x71: {  	(tag) =	ssettag $0x2  }
0x72: {  	s0 =	rddreg [dreg:$0x0];
	s2 =	stileid.u32  }
0x73: {  	s1 =	rddreg [dreg:$0x1];
	p0 =	sne.s32 s2, $0x0  }
0x74: {  	s3 =	rddreg [dreg:$0x2];
	[bflag:$0x3] =	sbarrier.arrive $0xFFFF;
	s2 =	simm.s32 @!p0 $0x1C03  }
0x75: {  	[timem:s3], [sflag:s2] =	dma.local @!p0 [hbm:s0], s1  }
0x76: {  	s0 =	simm.s32 @!p0 $0x3  }
0x77: {  	_ =	swait.ge @!p0 [sflag:s0], s1  }
0x78: {  	s1 =	ssub.s32 @!p0 $0x0, s1;
	[sflag:s0] =	ssyncset.done @!p0 $0x0  }
0x79: {  	[sflag:s0] =	ssyncadd.s32 @!p0 s1  }
0x7a: {  	[bflag:$0x3] =	sbarrier.arrive $0xFFFF  }
0x7b: {  	_ =	shalt  }

</sc_bundles>
